<compile_context>
chip_gen: v7x
topology: tpu7x:2x2x1
jax: 0.10.2.dev20260603
libtpu: 0.0.44.dev20260713+nightly
codegen_flags: <defaults>
</compile_context>

<pallas_src>
import functools

import jax
import jax.numpy as jnp
from jax import lax
from jax.experimental import pallas as pl
from jax.experimental.pallas import tpu as pltpu
from jax.experimental.pallas import tpu_sc as plsc

N = 10000
F = 256
FH = 128
E = 160000
NC, NS = 2, 16
CHUNK = 128
CPT = 80
EPAD = NS * CPT * CHUNK
NACC = 10016
NDEG = 10240
DUMMY = 10008
HCPT = CPT // 2
ROWS_PT = 640
ROWS_LAST = N - 15 * ROWS_PT

_mesh = plsc.VectorSubcoreMesh(
    core_axis_name="c", subcore_axis_name="s", num_cores=NC, num_subcores=NS)



def _deg_body(dst3, out, deg_sp, dstv, ones_v, zb):
    cid = lax.axis_index("c")
    sid = lax.axis_index("s")
    zrows = NDEG // NS
    def zloop(i, _):
        zb[pl.ds(i * 16, 16)] = jnp.zeros((16,), jnp.float32)
        return 0
    lax.fori_loop(0, zrows // 16, zloop, 0)
    pltpu.sync_copy(zb, deg_sp.at[pl.ds(sid * zrows, zrows)])
    def oloop(i, _):
        ones_v[pl.ds(i * 16, 16)] = jnp.ones((16,), jnp.float32)
        return 0
    lax.fori_loop(0, CHUNK // 16, oloop, 0)
    pltpu.sync_copy(dst3.at[sid].at[pl.ds(cid * (CPT // 2), CPT // 2)], dstv)
    plsc.subcore_barrier()
    def dloop(j, _):
        pltpu.sync_copy(ones_v, deg_sp.at[dstv.at[j]], add=True)
        return 0
    lax.fori_loop(0, CPT // 2, dloop, 0)
    plsc.subcore_barrier()
    @pl.when(sid == 0)
    def _():
        pltpu.sync_copy(deg_sp, out.at[cid])


_deg_call = pl.kernel(
    _deg_body,
    out_type=jax.ShapeDtypeStruct((NC, NDEG), jnp.float32),
    mesh=_mesh,
    scratch_types=[
        pltpu.VMEM_SHARED((NDEG,), jnp.float32),
        pltpu.VMEM((CPT // 2, CHUNK), jnp.int32),
        pltpu.VMEM((CHUNK,), jnp.float32),
        pltpu.VMEM((NDEG // NS,), jnp.float32),
    ],
)


def _agg_body(xs, src3, dst3, out, acc, srcv, dstv,
              b0, b1, g0, g1, s0, s1):
    bufs = (b0, b1)
    gsem = (g0, g1)
    ssem = (s0, s1)
    cid = lax.axis_index("c")
    sid = lax.axis_index("s")
    @pl.when(sid < NS - 1)
    def _():
        pltpu.sync_copy(xs.at[cid].at[pl.ds(sid * ROWS_PT, ROWS_PT)],
                        acc.at[pl.ds(sid * ROWS_PT, ROWS_PT)])
    @pl.when(sid == NS - 1)
    def _():
        pltpu.sync_copy(xs.at[cid].at[pl.ds(sid * ROWS_PT, ROWS_LAST)],
                        acc.at[pl.ds(sid * ROWS_PT, ROWS_LAST)])
    plsc.subcore_barrier()

    xsh = xs.at[cid]

    def g_start(j, k):
        pltpu.async_copy(xsh.at[srcv.at[j]], bufs[k], gsem[k])

    def g_wait(j, k):
        pltpu.make_async_copy(xsh.at[srcv.at[j]], bufs[k], gsem[k]).wait()

    def s_start(j, k):
        pltpu.async_copy(bufs[k], acc.at[dstv.at[j]], ssem[k], add=True)

    def s_wait(j, k):
        pltpu.make_async_copy(bufs[k], acc.at[dstv.at[j]], ssem[k]).wait()

    for h in range(2):
        pltpu.sync_copy(src3.at[sid].at[pl.ds(h * HCPT, HCPT)], srcv)
        pltpu.sync_copy(dst3.at[sid].at[pl.ds(h * HCPT, HCPT)], dstv)
        g_start(0, 0)
        g_start(1, 1)

        def main(i, _):
            for k in range(2):
                m = 2 * i + k
                g_wait(m, k)
                s_start(m, k)
                s_wait(m, k)
                g_start(m + 2, k)
            return 0
        lax.fori_loop(0, HCPT // 2 - 1, main, 0)

        for k in range(2):
            m = HCPT - 2 + k
            g_wait(m, k)
            s_start(m, k)
            s_wait(m, k)
    plsc.subcore_barrier()
    @pl.when(sid < NS - 1)
    def _():
        pltpu.sync_copy(acc.at[pl.ds(sid * ROWS_PT, ROWS_PT)],
                        out.at[cid].at[pl.ds(sid * ROWS_PT, ROWS_PT)])
    @pl.when(sid == NS - 1)
    def _():
        pltpu.sync_copy(acc.at[pl.ds(sid * ROWS_PT, ROWS_LAST)],
                        out.at[cid].at[pl.ds(sid * ROWS_PT, ROWS_LAST)])


_agg_call = pl.kernel(
    _agg_body,
    out_type=jax.ShapeDtypeStruct((NC, N, FH), jnp.float32),
    mesh=_mesh,
    scratch_types=(
        [
            pltpu.VMEM_SHARED((NACC, FH), jnp.float32),
            pltpu.VMEM((HCPT, CHUNK), jnp.int32),
            pltpu.VMEM((HCPT, CHUNK), jnp.int32),
        ]
        + [pltpu.VMEM((CHUNK, FH), jnp.float32)] * 2
        + [pltpu.SemaphoreType.DMA] * 4
    ),
)



_RB = 1000


def _scale_body(x_ref, d0_ref, d1_ref, xs_ref, dinv_ref):
    dinv = lax.rsqrt(d0_ref[...] + d1_ref[...] + 1.0)
    dinv_ref[...] = dinv
    xs_ref[...] = (x_ref[...] * dinv)[None]


def _scale_call(x, d0, d1):
    return pl.pallas_call(
        _scale_body,
        grid=(N // _RB, NC),
        in_specs=[
            pl.BlockSpec((_RB, FH), lambda r, h: (r, h)),
            pl.BlockSpec((_RB, 1), lambda r, h: (r, 0)),
            pl.BlockSpec((_RB, 1), lambda r, h: (r, 0)),
        ],
        out_specs=[
            pl.BlockSpec((1, _RB, FH), lambda r, h: (h, r, 0)),
            pl.BlockSpec((_RB, 1), lambda r, h: (r, 0)),
        ],
        out_shape=[
            jax.ShapeDtypeStruct((NC, N, FH), jnp.float32),
            jax.ShapeDtypeStruct((N, 1), jnp.float32),
        ],
    )(x, d0, d1)


def _dense_body(acc_ref, dinv_ref, w1_ref, b1_ref, w2_ref, gs_ref):
    a = jnp.concatenate([acc_ref[0], acc_ref[1]], axis=1)
    dinv = dinv_ref[...]
    t = jnp.dot(a, w1_ref[...], preferred_element_type=jnp.float32)
    h = jnp.maximum(t * dinv + b1_ref[...], 0.0)
    g = jnp.dot(h, w2_ref[...], preferred_element_type=jnp.float32)
    gs = g * dinv
    gs_ref[0] = gs[:, :FH]
    gs_ref[1] = gs[:, FH:]


def _dense_call(acc1, dinv, W1, b1, W2):
    return pl.pallas_call(
        _dense_body,
        grid=(N // _RB,),
        in_specs=[
            pl.BlockSpec((NC, _RB, FH), lambda r: (0, r, 0)),
            pl.BlockSpec((_RB, 1), lambda r: (r, 0)),
            pl.BlockSpec(W1.shape, lambda r: (0, 0)),
            pl.BlockSpec((1, 512), lambda r: (0, 0)),
            pl.BlockSpec(W2.shape, lambda r: (0, 0)),
        ],
        out_specs=pl.BlockSpec((NC, _RB, FH), lambda r: (0, r, 0)),
        out_shape=jax.ShapeDtypeStruct((NC, N, FH), jnp.float32),
    )(acc1, dinv, W1, b1, W2)


def _final_body(acc_ref, dinv_ref, b2_ref, out_ref):
    a = jnp.concatenate([acc_ref[0], acc_ref[1]], axis=1)
    out_ref[...] = a * dinv_ref[...] + b2_ref[...]


def _final_call(acc2, dinv, b2):
    return pl.pallas_call(
        _final_body,
        grid=(N // _RB,),
        in_specs=[
            pl.BlockSpec((NC, _RB, FH), lambda r: (0, r, 0)),
            pl.BlockSpec((_RB, 1), lambda r: (r, 0)),
            pl.BlockSpec((1, F), lambda r: (0, 0)),
        ],
        out_specs=pl.BlockSpec((_RB, F), lambda r: (r, 0)),
        out_shape=jax.ShapeDtypeStruct((N, F), jnp.float32),
    )(acc2, dinv, b2)



def kernel(x, adj, W1, b1, W2, b2):
    src = adj[0].astype(jnp.int32)
    dst = adj[1].astype(jnp.int32)
    npad = EPAD - E
    src3 = jnp.concatenate([src, jnp.zeros((npad,), jnp.int32)]
                           ).reshape(NS, CPT, CHUNK)
    dst3 = jnp.concatenate([dst, jnp.full((npad,), DUMMY, jnp.int32)]
                           ).reshape(NS, CPT, CHUNK)

    degp = _deg_call(dst3)
    d0 = degp[0, :N, None]
    d1 = degp[1, :N, None]
    xs, dinv = _scale_call(x, d0, d1)
    acc1 = _agg_call(xs, src3, dst3)
    gs = _dense_call(acc1, dinv, W1, b1.reshape(1, 512), W2)
    acc2 = _agg_call(gs, src3, dst3)
    return _final_call(acc2, dinv, b2.reshape(1, F))

# --- scband reference (transcript-rebuilt; emitter-appended) ---
"""Pipeline reference for scband-graph-encoder-52398601011844 (READ-ONLY COPY).

The authoritative reference and input builder live on the scoring server;
editing this copy changes nothing except your own understanding.
"""

import jax, jax.numpy as jnp
import numpy as np

IN_DIM = 256
HID_DIM = 512
OUT_DIM = 256
N_NODES = 10000
N_EDGES = 160000


def gcn_conv(x, edge_index, W, b):
    # Faithful GCNConv: x' = D^{-1/2} (A + I) D^{-1/2} X W + b
    num_nodes = x.shape[0]
    src = edge_index[0]
    dst = edge_index[1]
    loop = jnp.arange(num_nodes, dtype=edge_index.dtype)
    src = jnp.concatenate([src, loop])
    dst = jnp.concatenate([dst, loop])
    deg = jnp.zeros((num_nodes,), dtype=x.dtype).at[dst].add(1.0)
    dinv = jnp.where(deg > 0, deg ** -0.5, 0.0)
    norm = dinv[src] * dinv[dst]
    h = x @ W  # dense transform first (compute-heavy)
    msg = jnp.take(h, src, axis=0) * norm[:, None]
    out = jnp.zeros((num_nodes, W.shape[1]), dtype=x.dtype).at[dst].add(msg)
    return out + b


def setup_inputs(seed: int = 0) -> dict:
    key = jax.random.key(seed)
    k_x, k_e, k_w1, k_w2 = jax.random.split(key, 4)
    x = jax.random.normal(k_x, (N_NODES, IN_DIM), dtype=jnp.float32)
    adj = jax.random.randint(k_e, (2, N_EDGES), 0, N_NODES, dtype=jnp.int64)
    # Glorot-ish init for GCN layer weights
    W1 = jax.random.normal(k_w1, (IN_DIM, HID_DIM), dtype=jnp.float32) * (1.0 / np.sqrt(IN_DIM))
    b1 = jnp.zeros((HID_DIM,), dtype=jnp.float32)
    W2 = jax.random.normal(k_w2, (HID_DIM, OUT_DIM), dtype=jnp.float32) * (1.0 / np.sqrt(HID_DIM))
    b2 = jnp.zeros((OUT_DIM,), dtype=jnp.float32)
    return {"x": x, "adj": adj, "W1": W1, "b1": b1, "W2": W2, "b2": b2}


def reference(x, adj, W1, b1, W2, b2):
    # GraphEncoder.forward with num_layers=2, dropout p=0.0 (eval), activate='relu'
    h = gcn_conv(x, adj, W1, b1)
    h = jax.nn.relu(h)
    out = gcn_conv(h, adj, W2, b2)
    return out

if __name__ == "__main__":
    import jax
    _d = setup_inputs()
    print(jax.jit(kernel)(*tuple(_d.values())))

</pallas_src>

<mosaic_0001>
#map = affine_map<(d0, d1) -> (0, 0, 0)>
#map1 = affine_map<(d0, d1) -> (0, 0)>
module attributes {stable_mosaic.version = 14 : i64} {
  func.func @_deg_body(%arg0: i32, %arg1: i32, %arg2: memref<16x80x128xi32, #tpu.memory_space<hbm>>, %arg3: memref<2x10240xf32, #tpu.memory_space<hbm>>, %arg4: memref<10240xf32, #tpu.memory_space<vmem_shared>>, %arg5: memref<40x128xi32, #tpu.memory_space<vmem>>, %arg6: memref<128xf32, #tpu.memory_space<vmem>>, %arg7: memref<640xf32, #tpu.memory_space<vmem>>) attributes {dimension_semantics = [#tpu.dimension_semantics<core_parallel>, #tpu.dimension_semantics<subcore_parallel>], iteration_bounds = array<i64: 2, 16>, scalar_prefetch = 0 : i64, scratch_operands = 4 : i64, tpu.core_type = #tpu.core_type<sc_vector_subcore>, window_params = [{transform_indices = #map}, {transform_indices = #map1}]} {
    %scan3A = arith.constant 0 : i32
    %scan3A_0 = arith.constant 0 : i32
    %scan3A_1 = arith.constant 40 : i32
    %scan3A_2 = arith.addi %scan3A_0, %scan3A_1 : i32
    %scan3A_3 = arith.constant 1 : i32
    %scan3A_4 = scf.for %scan3A_26 = %scan3A_0 to %scan3A_2 step %scan3A_3 iter_args(%scan3A_27 = %scan3A) -> (i32)  : i32 {
      %broadcast_in_dim3A = arith.constant 0.000000e+00 : f32
      %broadcast_in_dim3A_28 = vector.broadcast %broadcast_in_dim3A : f32 to vector<16xf32>
      %mul3A_29 = arith.constant 16 : i32
      %mul3A_30 = arith.muli %scan3A_26, %mul3A_29 : i32
      %swap3A = arith.index_cast %mul3A_30 : i32 to index
      %swap3A_31 = tpu.vector_load %arg7[%swap3A] {strides = array<i32>} : memref<640xf32, #tpu.memory_space<vmem>>, vector<16xf32>,
      %swap3A_32 = vector.shape_cast %swap3A_31 : vector<16xf32> to vector<16xf32>
      %swap3A_33 = vector.shape_cast %broadcast_in_dim3A_28 : vector<16xf32> to vector<16xf32>
      tpu.vector_store %arg7[%swap3A], %swap3A_33 {strides = array<i32>} : memref<640xf32, #tpu.memory_space<vmem>>, vector<16xf32>,
      %scan3A_34 = arith.constant 0 : i32
      scf.yield %scan3A_34 : i32
    }
    %scan3A_5 = arith.constant 40 : i32
    %mul3A = arith.constant 640 : i32
    %mul3A_6 = arith.muli %arg1, %mul3A : i32
    "tpu.region"() ({
      %run_scoped3A = tpu.sem_alloc : memref<!tpu.dma_semaphore, #tpu.memory_space<semaphore_mem>>
      %dma_start3A = tpu.memref_slice %arg4[%mul3A_6] : memref<10240xf32, #tpu.memory_space<vmem_shared>> -> memref<640xf32, #tpu.memory_space<vmem_shared>>
      %dma_start3A_26 = tpu.memref_slice %arg4[%mul3A_6] : memref<10240xf32, #tpu.memory_space<vmem_shared>> -> memref<640xf32, #tpu.memory_space<vmem_shared>>
      tpu.enqueue_dma source(%arg7 : memref<640xf32, #tpu.memory_space<vmem>>) target(%dma_start3A_26 : memref<640xf32, #tpu.memory_space<vmem_shared>>) target_semaphore(%run_scoped3A : memref<!tpu.dma_semaphore, #tpu.memory_space<semaphore_mem>>)
      %dma_wait3A = tpu.memref_slice %arg4[%mul3A_6] : memref<10240xf32, #tpu.memory_space<vmem_shared>> -> memref<640xf32, #tpu.memory_space<vmem_shared>>
      %dma_wait3A_27 = tpu.memref_slice %arg4[%mul3A_6] : memref<10240xf32, #tpu.memory_space<vmem_shared>> -> memref<640xf32, #tpu.memory_space<vmem_shared>>
      tpu.wait_dma2 semaphore(%run_scoped3A : memref<!tpu.dma_semaphore, #tpu.memory_space<semaphore_mem>>) src(%arg7 : memref<640xf32, #tpu.memory_space<vmem>>) dst(%dma_wait3A_27 : memref<640xf32, #tpu.memory_space<vmem_shared>>)
      tpu.yield
    }) : () -> ()
    %scan3A_7 = arith.constant 0 : i32
    %scan3A_8 = arith.constant 0 : i32
    %scan3A_9 = arith.constant 8 : i32
    %scan3A_10 = arith.addi %scan3A_8, %scan3A_9 : i32
    %scan3A_11 = arith.constant 1 : i32
    %scan3A_12 = scf.for %scan3A_26 = %scan3A_8 to %scan3A_10 step %scan3A_11 iter_args(%scan3A_27 = %scan3A_7) -> (i32)  : i32 {
      %broadcast_in_dim3A = arith.constant 1.000000e+00 : f32
      %broadcast_in_dim3A_28 = vector.broadcast %broadcast_in_dim3A : f32 to vector<16xf32>
      %mul3A_29 = arith.constant 16 : i32
      %mul3A_30 = arith.muli %scan3A_26, %mul3A_29 : i32
      %swap3A = arith.index_cast %mul3A_30 : i32 to index
      %swap3A_31 = tpu.vector_load %arg6[%swap3A] {strides = array<i32>} : memref<128xf32, #tpu.memory_space<vmem>>, vector<16xf32>,
      %swap3A_32 = vector.shape_cast %swap3A_31 : vector<16xf32> to vector<16xf32>
      %swap3A_33 = vector.shape_cast %broadcast_in_dim3A_28 : vector<16xf32> to vector<16xf32>
      tpu.vector_store %arg6[%swap3A], %swap3A_33 {strides = array<i32>} : memref<128xf32, #tpu.memory_space<vmem>>, vector<16xf32>,
      %scan3A_34 = arith.constant 0 : i32
      scf.yield %scan3A_34 : i32
    }
    %scan3A_13 = arith.constant 8 : i32
    %mul3A_14 = arith.constant 40 : i32
    %mul3A_15 = arith.muli %arg0, %mul3A_14 : i32
    "tpu.region"() ({
      %run_scoped3A = tpu.sem_alloc : memref<!tpu.dma_semaphore, #tpu.memory_space<semaphore_mem>>
      %dma_start3A = arith.constant 0 : i32
      %dma_start3A_26 = arith.constant 0 : i32
      %dma_start3A_27 = tpu.memref_slice %arg2[%arg1, %dma_start3A, %dma_start3A_26] : memref<16x80x128xi32, #tpu.memory_space<hbm>> -> memref<1x80x128xi32, #tpu.memory_space<hbm>>
      %dma_start3A_28 = tpu.memref_squeeze %dma_start3A_27 : memref<1x80x128xi32, #tpu.memory_space<hbm>> -> memref<80x128xi32, #tpu.memory_space<hbm>>
      %dma_start3A_29 = arith.constant 0 : i32
      %dma_start3A_30 = tpu.memref_slice %dma_start3A_28[%mul3A_15, %dma_start3A_29] : memref<80x128xi32, #tpu.memory_space<hbm>> -> memref<40x128xi32, #tpu.memory_space<hbm>>
      %dma_start3A_31 = arith.constant 0 : i32
      %dma_start3A_32 = arith.constant 0 : i32
      %dma_start3A_33 = tpu.memref_slice %arg2[%arg1, %dma_start3A_31, %dma_start3A_32] : memref<16x80x128xi32, #tpu.memory_space<hbm>> -> memref<1x80x128xi32, #tpu.memory_space<hbm>>
      %dma_start3A_34 = tpu.memref_squeeze %dma_start3A_33 : memref<1x80x128xi32, #tpu.memory_space<hbm>> -> memref<80x128xi32, #tpu.memory_space<hbm>>
      %dma_start3A_35 = arith.constant 0 : i32
      %dma_start3A_36 = tpu.memref_slice %dma_start3A_34[%mul3A_15, %dma_start3A_35] : memref<80x128xi32, #tpu.memory_space<hbm>> -> memref<40x128xi32, #tpu.memory_space<hbm>>
      tpu.enqueue_dma source(%dma_start3A_36 : memref<40x128xi32, #tpu.memory_space<hbm>>) target(%arg5 : memref<40x128xi32, #tpu.memory_space<vmem>>) target_semaphore(%run_scoped3A : memref<!tpu.dma_semaphore, #tpu.memory_space<semaphore_mem>>)
      %dma_wait3A = arith.constant 0 : i32
      %dma_wait3A_37 = arith.constant 0 : i32
      %dma_wait3A_38 = tpu.memref_slice %arg2[%arg1, %dma_wait3A, %dma_wait3A_37] : memref<16x80x128xi32, #tpu.memory_space<hbm>> -> memref<1x80x128xi32, #tpu.memory_space<hbm>>
      %dma_wait3A_39 = tpu.memref_squeeze %dma_wait3A_38 : memref<1x80x128xi32, #tpu.memory_space<hbm>> -> memref<80x128xi32, #tpu.memory_space<hbm>>
      %dma_wait3A_40 = arith.constant 0 : i32
      %dma_wait3A_41 = tpu.memref_slice %dma_wait3A_39[%mul3A_15, %dma_wait3A_40] : memref<80x128xi32, #tpu.memory_space<hbm>> -> memref<40x128xi32, #tpu.memory_space<hbm>>
      %dma_wait3A_42 = arith.constant 0 : i32
      %dma_wait3A_43 = arith.constant 0 : i32
      %dma_wait3A_44 = tpu.memref_slice %arg2[%arg1, %dma_wait3A_42, %dma_wait3A_43] : memref<16x80x128xi32, #tpu.memory_space<hbm>> -> memref<1x80x128xi32, #tpu.memory_space<hbm>>
      %dma_wait3A_45 = tpu.memref_squeeze %dma_wait3A_44 : memref<1x80x128xi32, #tpu.memory_space<hbm>> -> memref<80x128xi32, #tpu.memory_space<hbm>>
      %dma_wait3A_46 = arith.constant 0 : i32
      %dma_wait3A_47 = tpu.memref_slice %dma_wait3A_45[%mul3A_15, %dma_wait3A_46] : memref<80x128xi32, #tpu.memory_space<hbm>> -> memref<40x128xi32, #tpu.memory_space<hbm>>
      tpu.wait_dma2 semaphore(%run_scoped3A : memref<!tpu.dma_semaphore, #tpu.memory_space<semaphore_mem>>) src(%dma_wait3A_47 : memref<40x128xi32, #tpu.memory_space<hbm>>) dst(%arg5 : memref<40x128xi32, #tpu.memory_space<vmem>>)
      tpu.yield
    }) : () -> ()
    %barrier3A = arith.constant 0 : index
    tpu.barrier barrier_id(%barrier3A)
    %scan3A_16 = arith.constant 0 : i32
    %scan3A_17 = arith.constant 0 : i32
    %scan3A_18 = arith.constant 40 : i32
    %scan3A_19 = arith.addi %scan3A_17, %scan3A_18 : i32
    %scan3A_20 = arith.constant 1 : i32
    %scan3A_21 = scf.for %scan3A_26 = %scan3A_17 to %scan3A_19 step %scan3A_20 iter_args(%scan3A_27 = %scan3A_16) -> (i32)  : i32 {
      "tpu.region"() ({
        %run_scoped3A = tpu.sem_alloc : memref<!tpu.dma_semaphore, #tpu.memory_space<semaphore_mem>>
        %dma_start3A = arith.constant 0 : i32
        %dma_start3A_29 = tpu.memref_slice %arg5[%scan3A_26, %dma_start3A] : memref<40x128xi32, #tpu.memory_space<vmem>> -> memref<1x128xi32, #tpu.memory_space<vmem>>
        %dma_start3A_30 = tpu.memref_squeeze %dma_start3A_29 : memref<1x128xi32, #tpu.memory_space<vmem>> -> memref<128xi32, #tpu.memory_space<vmem>>
        %dma_start3A_31 = arith.constant 0 : i32
        %dma_start3A_32 = tpu.memref_slice %arg4[%dma_start3A_31] : memref<10240xf32, #tpu.memory_space<vmem_shared>> -> memref<10240xf32, #tpu.memory_space<vmem_shared>>
        tpu.enqueue_indirect_dma source(%arg6 : memref<128xf32, #tpu.memory_space<vmem>>) target(%dma_start3A_32 : memref<10240xf32, #tpu.memory_space<vmem_shared>>) offsets(%dma_start3A_30 : memref<128xi32, #tpu.memory_space<vmem>>) semaphore(%run_scoped3A : memref<!tpu.dma_semaphore, #tpu.memory_space<semaphore_mem>>) {add = true}
        %dma_wait3A = arith.constant 0 : i32
        %dma_wait3A_33 = tpu.memref_slice %arg5[%scan3A_26, %dma_wait3A] : memref<40x128xi32, #tpu.memory_space<vmem>> -> memref<1x128xi32, #tpu.memory_space<vmem>>
        %dma_wait3A_34 = tpu.memref_squeeze %dma_wait3A_33 : memref<1x128xi32, #tpu.memory_space<vmem>> -> memref<128xi32, #tpu.memory_space<vmem>>
        %dma_wait3A_35 = arith.constant 0 : i32
        %dma_wait3A_36 = tpu.memref_slice %arg4[%dma_wait3A_35] : memref<10240xf32, #tpu.memory_space<vmem_shared>> -> memref<10240xf32, #tpu.memory_space<vmem_shared>>
        tpu.wait_indirect_dma semaphore(%run_scoped3A : memref<!tpu.dma_semaphore, #tpu.memory_space<semaphore_mem>>) src(%arg6 : memref<128xf32, #tpu.memory_space<vmem>>) dst(%dma_wait3A_36 : memref<10240xf32, #tpu.memory_space<vmem_shared>>)
        tpu.yield
      }) : () -> ()
      %scan3A_28 = arith.constant 0 : i32
      scf.yield %scan3A_28 : i32
    }
    %scan3A_22 = arith.constant 40 : i32
    %barrier3A_23 = arith.constant 0 : index
    tpu.barrier barrier_id(%barrier3A_23)
    %eq3A = arith.constant 0 : i32
    %eq3A_24 = arith.cmpi eq, %arg1, %eq3A : i32
    %convert_element_type3A = arith.extui %eq3A_24 : i1 to i32
    %cond3A = arith.constant 0 : i32
    %cond3A_25 = arith.cmpi ne, %convert_element_type3A, %cond3A : i32
    scf.if %cond3A_25 {
      "tpu.region"() ({
        %run_scoped3A = tpu.sem_alloc : memref<!tpu.dma_semaphore, #tpu.memory_space<semaphore_mem>>
        %dma_start3A = arith.constant 0 : i32
        %dma_start3A_26 = tpu.memref_slice %arg3[%arg0, %dma_start3A] : memref<2x10240xf32, #tpu.memory_space<hbm>> -> memref<1x10240xf32, #tpu.memory_space<hbm>>
        %dma_start3A_27 = tpu.memref_squeeze %dma_start3A_26 : memref<1x10240xf32, #tpu.memory_space<hbm>> -> memref<10240xf32, #tpu.memory_space<hbm>>
        tpu.enqueue_dma source(%arg4 : memref<10240xf32, #tpu.memory_space<vmem_shared>>) target(%dma_start3A_27 : memref<10240xf32, #tpu.memory_space<hbm>>) target_semaphore(%run_scoped3A : memref<!tpu.dma_semaphore, #tpu.memory_space<semaphore_mem>>)
        %dma_wait3A = arith.constant 0 : i32
        %dma_wait3A_28 = tpu.memref_slice %arg3[%arg0, %dma_wait3A] : memref<2x10240xf32, #tpu.memory_space<hbm>> -> memref<1x10240xf32, #tpu.memory_space<hbm>>
        %dma_wait3A_29 = tpu.memref_squeeze %dma_wait3A_28 : memref<1x10240xf32, #tpu.memory_space<hbm>> -> memref<10240xf32, #tpu.memory_space<hbm>>
        tpu.wait_dma2 semaphore(%run_scoped3A : memref<!tpu.dma_semaphore, #tpu.memory_space<semaphore_mem>>) src(%arg4 : memref<10240xf32, #tpu.memory_space<vmem_shared>>) dst(%dma_wait3A_29 : memref<10240xf32, #tpu.memory_space<hbm>>)
        tpu.yield
      }) : () -> ()
    } else {
    }
    return
  }
}

#map = affine_map<(d0, d1) -> (0, 0, 0)>
module attributes {stable_mosaic.version = 14 : i64} {
  func.func @_agg_body(%arg0: i32, %arg1: i32, %arg2: memref<2x10000x128xf32, #tpu.memory_space<hbm>>, %arg3: memref<16x80x128xi32, #tpu.memory_space<hbm>>, %arg4: memref<16x80x128xi32, #tpu.memory_space<hbm>>, %arg5: memref<2x10000x128xf32, #tpu.memory_space<hbm>>, %arg6: memref<10016x128xf32, #tpu.memory_space<vmem_shared>>, %arg7: memref<40x128xi32, #tpu.memory_space<vmem>>, %arg8: memref<40x128xi32, #tpu.memory_space<vmem>>, %arg9: memref<128x128xf32, #tpu.memory_space<vmem>>, %arg10: memref<128x128xf32, #tpu.memory_space<vmem>>, %arg11: memref<!tpu.dma_semaphore, #tpu.memory_space<semaphore_mem>>, %arg12: memref<!tpu.dma_semaphore, #tpu.memory_space<semaphore_mem>>, %arg13: memref<!tpu.dma_semaphore, #tpu.memory_space<semaphore_mem>>, %arg14: memref<!tpu.dma_semaphore, #tpu.memory_space<semaphore_mem>>) attributes {dimension_semantics = [#tpu.dimension_semantics<core_parallel>, #tpu.dimension_semantics<subcore_parallel>], iteration_bounds = array<i64: 2, 16>, scalar_prefetch = 0 : i64, scratch_operands = 9 : i64, tpu.core_type = #tpu.core_type<sc_vector_subcore>, window_params = [{transform_indices = #map}, {transform_indices = #map}, {transform_indices = #map}, {transform_indices = #map}]} {
    %lt3A = arith.constant 15 : i32
    %lt3A_0 = arith.cmpi slt, %arg1, %lt3A : i32
    %convert_element_type3A = arith.extui %lt3A_0 : i1 to i32
    %cond3A = arith.constant 0 : i32
    %cond3A_1 = arith.cmpi ne, %convert_element_type3A, %cond3A : i32
    scf.if %cond3A_1 {
      %mul3A = arith.constant 640 : i32
      %mul3A_172 = arith.muli %arg1, %mul3A : i32
      %mul3A_173 = arith.constant 640 : i32
      %mul3A_174 = arith.muli %arg1, %mul3A_173 : i32
      "tpu.region"() ({
        %run_scoped3A = tpu.sem_alloc : memref<!tpu.dma_semaphore, #tpu.memory_space<semaphore_mem>>
        %dma_start3A_175 = arith.constant 0 : i32
        %dma_start3A_176 = tpu.memref_slice %arg6[%mul3A_174, %dma_start3A_175] : memref<10016x128xf32, #tpu.memory_space<vmem_shared>> -> memref<640x128xf32, #tpu.memory_space<vmem_shared>>
        %dma_start3A_177 = arith.constant 0 : i32
        %dma_start3A_178 = arith.constant 0 : i32
        %dma_start3A_179 = tpu.memref_slice %arg2[%arg0, %dma_start3A_177, %dma_start3A_178] : memref<2x10000x128xf32, #tpu.memory_space<hbm>> -> memref<1x10000x128xf32, #tpu.memory_space<hbm>>
        %dma_start3A_180 = tpu.memref_squeeze %dma_start3A_179 : memref<1x10000x128xf32, #tpu.memory_space<hbm>> -> memref<10000x128xf32, #tpu.memory_space<hbm>>
        %dma_start3A_181 = arith.constant 0 : i32
        %dma_start3A_182 = tpu.memref_slice %dma_start3A_180[%mul3A_172, %dma_start3A_181] : memref<10000x128xf32, #tpu.memory_space<hbm>> -> memref<640x128xf32, #tpu.memory_space<hbm>>
        tpu.enqueue_dma source(%dma_start3A_182 : memref<640x128xf32, #tpu.memory_space<hbm>>) target(%dma_start3A_176 : memref<640x128xf32, #tpu.memory_space<vmem_shared>>) target_semaphore(%run_scoped3A : memref<!tpu.dma_semaphore, #tpu.memory_space<semaphore_mem>>)
        %dma_wait3A_183 = arith.constant 0 : i32
        %dma_wait3A_184 = tpu.memref_slice %arg6[%mul3A_174, %dma_wait3A_183] : memref<10016x128xf32, #tpu.memory_space<vmem_shared>> -> memref<640x128xf32, #tpu.memory_space<vmem_shared>>
        %dma_wait3A_185 = arith.constant 0 : i32
        %dma_wait3A_186 = arith.constant 0 : i32
        %dma_wait3A_187 = tpu.memref_slice %arg2[%arg0, %dma_wait3A_185, %dma_wait3A_186] : memref<2x10000x128xf32, #tpu.memory_space<hbm>> -> memref<1x10000x128xf32, #tpu.memory_space<hbm>>
        %dma_wait3A_188 = tpu.memref_squeeze %dma_wait3A_187 : memref<1x10000x128xf32, #tpu.memory_space<hbm>> -> memref<10000x128xf32, #tpu.memory_space<hbm>>
        %dma_wait3A_189 = arith.constant 0 : i32
        %dma_wait3A_190 = tpu.memref_slice %dma_wait3A_188[%mul3A_172, %dma_wait3A_189] : memref<10000x128xf32, #tpu.memory_space<hbm>> -> memref<640x128xf32, #tpu.memory_space<hbm>>
        tpu.wait_dma2 semaphore(%run_scoped3A : memref<!tpu.dma_semaphore, #tpu.memory_space<semaphore_mem>>) src(%dma_wait3A_190 : memref<640x128xf32, #tpu.memory_space<hbm>>) dst(%dma_wait3A_184 : memref<640x128xf32, #tpu.memory_space<vmem_shared>>)
        tpu.yield
      }) : () -> ()
    } else {
    }
    %eq3A = arith.constant 15 : i32
    %eq3A_2 = arith.cmpi eq, %arg1, %eq3A : i32
    %convert_element_type3A_3 = arith.extui %eq3A_2 : i1 to i32
    %cond3A_4 = arith.constant 0 : i32
    %cond3A_5 = arith.cmpi ne, %convert_element_type3A_3, %cond3A_4 : i32
    scf.if %cond3A_5 {
      %mul3A = arith.constant 640 : i32
      %mul3A_172 = arith.muli %arg1, %mul3A : i32
      %mul3A_173 = arith.constant 640 : i32
      %mul3A_174 = arith.muli %arg1, %mul3A_173 : i32
      "tpu.region"() ({
        %run_scoped3A = tpu.sem_alloc : memref<!tpu.dma_semaphore, #tpu.memory_space<semaphore_mem>>
        %dma_start3A_175 = arith.constant 0 : i32
        %dma_start3A_176 = tpu.memref_slice %arg6[%mul3A_174, %dma_start3A_175] : memref<10016x128xf32, #tpu.memory_space<vmem_shared>> -> memref<400x128xf32, #tpu.memory_space<vmem_shared>>
        %dma_start3A_177 = arith.constant 0 : i32
        %dma_start3A_178 = arith.constant 0 : i32
        %dma_start3A_179 = tpu.memref_slice %arg2[%arg0, %dma_start3A_177, %dma_start3A_178] : memref<2x10000x128xf32, #tpu.memory_space<hbm>> -> memref<1x10000x128xf32, #tpu.memory_space<hbm>>
        %dma_start3A_180 = tpu.memref_squeeze %dma_start3A_179 : memref<1x10000x128xf32, #tpu.memory_space<hbm>> -> memref<10000x128xf32, #tpu.memory_space<hbm>>
        %dma_start3A_181 = arith.constant 0 : i32
        %dma_start3A_182 = tpu.memref_slice %dma_start3A_180[%mul3A_172, %dma_start3A_181] : memref<10000x128xf32, #tpu.memory_space<hbm>> -> memref<400x128xf32, #tpu.memory_space<hbm>>
        tpu.enqueue_dma source(%dma_start3A_182 : memref<400x128xf32, #tpu.memory_space<hbm>>) target(%dma_start3A_176 : memref<400x128xf32, #tpu.memory_space<vmem_shared>>) target_semaphore(%run_scoped3A : memref<!tpu.dma_semaphore, #tpu.memory_space<semaphore_mem>>)
        %dma_wait3A_183 = arith.constant 0 : i32
        %dma_wait3A_184 = tpu.memref_slice %arg6[%mul3A_174, %dma_wait3A_183] : memref<10016x128xf32, #tpu.memory_space<vmem_shared>> -> memref<400x128xf32, #tpu.memory_space<vmem_shared>>
        %dma_wait3A_185 = arith.constant 0 : i32
        %dma_wait3A_186 = arith.constant 0 : i32
        %dma_wait3A_187 = tpu.memref_slice %arg2[%arg0, %dma_wait3A_185, %dma_wait3A_186] : memref<2x10000x128xf32, #tpu.memory_space<hbm>> -> memref<1x10000x128xf32, #tpu.memory_space<hbm>>
        %dma_wait3A_188 = tpu.memref_squeeze %dma_wait3A_187 : memref<1x10000x128xf32, #tpu.memory_space<hbm>> -> memref<10000x128xf32, #tpu.memory_space<hbm>>
        %dma_wait3A_189 = arith.constant 0 : i32
        %dma_wait3A_190 = tpu.memref_slice %dma_wait3A_188[%mul3A_172, %dma_wait3A_189] : memref<10000x128xf32, #tpu.memory_space<hbm>> -> memref<400x128xf32, #tpu.memory_space<hbm>>
        tpu.wait_dma2 semaphore(%run_scoped3A : memref<!tpu.dma_semaphore, #tpu.memory_space<semaphore_mem>>) src(%dma_wait3A_190 : memref<400x128xf32, #tpu.memory_space<hbm>>) dst(%dma_wait3A_184 : memref<400x128xf32, #tpu.memory_space<vmem_shared>>)
        tpu.yield
      }) : () -> ()
    } else {
    }
    %barrier3A = arith.constant 0 : index
    tpu.barrier barrier_id(%barrier3A)
    "tpu.region"() ({
      %run_scoped3A = tpu.sem_alloc : memref<!tpu.dma_semaphore, #tpu.memory_space<semaphore_mem>>
      %dma_start3A_172 = arith.constant 0 : i32
      %dma_start3A_173 = arith.constant 0 : i32
      %dma_start3A_174 = tpu.memref_slice %arg3[%arg1, %dma_start3A_172, %dma_start3A_173] : memref<16x80x128xi32, #tpu.memory_space<hbm>> -> memref<1x80x128xi32, #tpu.memory_space<hbm>>
      %dma_start3A_175 = tpu.memref_squeeze %dma_start3A_174 : memref<1x80x128xi32, #tpu.memory_space<hbm>> -> memref<80x128xi32, #tpu.memory_space<hbm>>
      %dma_start3A_176 = arith.constant 0 : i32
      %dma_start3A_177 = arith.constant 0 : i32
      %dma_start3A_178 = tpu.memref_slice %dma_start3A_175[%dma_start3A_176, %dma_start3A_177] : memref<80x128xi32, #tpu.memory_space<hbm>> -> memref<40x128xi32, #tpu.memory_space<hbm>>
      %dma_start3A_179 = arith.constant 0 : i32
      %dma_start3A_180 = arith.constant 0 : i32
      %dma_start3A_181 = tpu.memref_slice %arg3[%arg1, %dma_start3A_179, %dma_start3A_180] : memref<16x80x128xi32, #tpu.memory_space<hbm>> -> memref<1x80x128xi32, #tpu.memory_space<hbm>>
      %dma_start3A_182 = tpu.memref_squeeze %dma_start3A_181 : memref<1x80x128xi32, #tpu.memory_space<hbm>> -> memref<80x128xi32, #tpu.memory_space<hbm>>
      %dma_start3A_183 = arith.constant 0 : i32
      %dma_start3A_184 = arith.constant 0 : i32
      %dma_start3A_185 = tpu.memref_slice %dma_start3A_182[%dma_start3A_183, %dma_start3A_184] : memref<80x128xi32, #tpu.memory_space<hbm>> -> memref<40x128xi32, #tpu.memory_space<hbm>>
      tpu.enqueue_dma source(%dma_start3A_185 : memref<40x128xi32, #tpu.memory_space<hbm>>) target(%arg7 : memref<40x128xi32, #tpu.memory_space<vmem>>) target_semaphore(%run_scoped3A : memref<!tpu.dma_semaphore, #tpu.memory_space<semaphore_mem>>)
      %dma_wait3A_186 = arith.constant 0 : i32
      %dma_wait3A_187 = arith.constant 0 : i32
      %dma_wait3A_188 = tpu.memref_slice %arg3[%arg1, %dma_wait3A_186, %dma_wait3A_187] : memref<16x80x128xi32, #tpu.memory_space<hbm>> -> memref<1x80x128xi32, #tpu.memory_space<hbm>>
      %dma_wait3A_189 = tpu.memref_squeeze %dma_wait3A_188 : memref<1x80x128xi32, #tpu.memory_space<hbm>> -> memref<80x128xi32, #tpu.memory_space<hbm>>
      %dma_wait3A_190 = arith.constant 0 : i32
      %dma_wait3A_191 = arith.constant 0 : i32
      %dma_wait3A_192 = tpu.memref_slice %dma_wait3A_189[%dma_wait3A_190, %dma_wait3A_191] : memref<80x128xi32, #tpu.memory_space<hbm>> -> memref<40x128xi32, #tpu.memory_space<hbm>>
      %dma_wait3A_193 = arith.constant 0 : i32
      %dma_wait3A_194 = arith.constant 0 : i32
      %dma_wait3A_195 = tpu.memref_slice %arg3[%arg1, %dma_wait3A_193, %dma_wait3A_194] : memref<16x80x128xi32, #tpu.memory_space<hbm>> -> memref<1x80x128xi32, #tpu.memory_space<hbm>>
      %dma_wait3A_196 = tpu.memref_squeeze %dma_wait3A_195 : memref<1x80x128xi32, #tpu.memory_space<hbm>> -> memref<80x128xi32, #tpu.memory_space<hbm>>
      %dma_wait3A_197 = arith.constant 0 : i32
      %dma_wait3A_198 = arith.constant 0 : i32
      %dma_wait3A_199 = tpu.memref_slice %dma_wait3A_196[%dma_wait3A_197, %dma_wait3A_198] : memref<80x128xi32, #tpu.memory_space<hbm>> -> memref<40x128xi32, #tpu.memory_space<hbm>>
      tpu.wait_dma2 semaphore(%run_scoped3A : memref<!tpu.dma_semaphore, #tpu.memory_space<semaphore_mem>>) src(%dma_wait3A_199 : memref<40x128xi32, #tpu.memory_space<hbm>>) dst(%arg7 : memref<40x128xi32, #tpu.memory_space<vmem>>)
      tpu.yield
    }) : () -> ()
    "tpu.region"() ({
      %run_scoped3A = tpu.sem_alloc : memref<!tpu.dma_semaphore, #tpu.memory_space<semaphore_mem>>
      %dma_start3A_172 = arith.constant 0 : i32
      %dma_start3A_173 = arith.constant 0 : i32
      %dma_start3A_174 = tpu.memref_slice %arg4[%arg1, %dma_start3A_172, %dma_start3A_173] : memref<16x80x128xi32, #tpu.memory_space<hbm>> -> memref<1x80x128xi32, #tpu.memory_space<hbm>>
      %dma_start3A_175 = tpu.memref_squeeze %dma_start3A_174 : memref<1x80x128xi32, #tpu.memory_space<hbm>> -> memref<80x128xi32, #tpu.memory_space<hbm>>
      %dma_start3A_176 = arith.constant 0 : i32
      %dma_start3A_177 = arith.constant 0 : i32
      %dma_start3A_178 = tpu.memref_slice %dma_start3A_175[%dma_start3A_176, %dma_start3A_177] : memref<80x128xi32, #tpu.memory_space<hbm>> -> memref<40x128xi32, #tpu.memory_space<hbm>>
      %dma_start3A_179 = arith.constant 0 : i32
      %dma_start3A_180 = arith.constant 0 : i32
      %dma_start3A_181 = tpu.memref_slice %arg4[%arg1, %dma_start3A_179, %dma_start3A_180] : memref<16x80x128xi32, #tpu.memory_space<hbm>> -> memref<1x80x128xi32, #tpu.memory_space<hbm>>
      %dma_start3A_182 = tpu.memref_squeeze %dma_start3A_181 : memref<1x80x128xi32, #tpu.memory_space<hbm>> -> memref<80x128xi32, #tpu.memory_space<hbm>>
      %dma_start3A_183 = arith.constant 0 : i32
      %dma_start3A_184 = arith.constant 0 : i32
      %dma_start3A_185 = tpu.memref_slice %dma_start3A_182[%dma_start3A_183, %dma_start3A_184] : memref<80x128xi32, #tpu.memory_space<hbm>> -> memref<40x128xi32, #tpu.memory_space<hbm>>
      tpu.enqueue_dma source(%dma_start3A_185 : memref<40x128xi32, #tpu.memory_space<hbm>>) target(%arg8 : memref<40x128xi32, #tpu.memory_space<vmem>>) target_semaphore(%run_scoped3A : memref<!tpu.dma_semaphore, #tpu.memory_space<semaphore_mem>>)
      %dma_wait3A_186 = arith.constant 0 : i32
      %dma_wait3A_187 = arith.constant 0 : i32
      %dma_wait3A_188 = tpu.memref_slice %arg4[%arg1, %dma_wait3A_186, %dma_wait3A_187] : memref<16x80x128xi32, #tpu.memory_space<hbm>> -> memref<1x80x128xi32, #tpu.memory_space<hbm>>
      %dma_wait3A_189 = tpu.memref_squeeze %dma_wait3A_188 : memref<1x80x128xi32, #tpu.memory_space<hbm>> -> memref<80x128xi32, #tpu.memory_space<hbm>>
      %dma_wait3A_190 = arith.constant 0 : i32
      %dma_wait3A_191 = arith.constant 0 : i32
      %dma_wait3A_192 = tpu.memref_slice %dma_wait3A_189[%dma_wait3A_190, %dma_wait3A_191] : memref<80x128xi32, #tpu.memory_space<hbm>> -> memref<40x128xi32, #tpu.memory_space<hbm>>
      %dma_wait3A_193 = arith.constant 0 : i32
      %dma_wait3A_194 = arith.constant 0 : i32
      %dma_wait3A_195 = tpu.memref_slice %arg4[%arg1, %dma_wait3A_193, %dma_wait3A_194] : memref<16x80x128xi32, #tpu.memory_space<hbm>> -> memref<1x80x128xi32, #tpu.memory_space<hbm>>
      %dma_wait3A_196 = tpu.memref_squeeze %dma_wait3A_195 : memref<1x80x128xi32, #tpu.memory_space<hbm>> -> memref<80x128xi32, #tpu.memory_space<hbm>>
      %dma_wait3A_197 = arith.constant 0 : i32
      %dma_wait3A_198 = arith.constant 0 : i32
      %dma_wait3A_199 = tpu.memref_slice %dma_wait3A_196[%dma_wait3A_197, %dma_wait3A_198] : memref<80x128xi32, #tpu.memory_space<hbm>> -> memref<40x128xi32, #tpu.memory_space<hbm>>
      tpu.wait_dma2 semaphore(%run_scoped3A : memref<!tpu.dma_semaphore, #tpu.memory_space<semaphore_mem>>) src(%dma_wait3A_199 : memref<40x128xi32, #tpu.memory_space<hbm>>) dst(%arg8 : memref<40x128xi32, #tpu.memory_space<vmem>>)
      tpu.yield
    }) : () -> ()
    %dma_start3A = arith.constant 0 : i32
    %dma_start3A_6 = arith.constant 0 : i32
    %dma_start3A_7 = tpu.memref_slice %arg7[%dma_start3A, %dma_start3A_6] : memref<40x128xi32, #tpu.memory_space<vmem>> -> memref<1x128xi32, #tpu.memory_space<vmem>>
    %dma_start3A_8 = tpu.memref_squeeze %dma_start3A_7 : memref<1x128xi32, #tpu.memory_space<vmem>> -> memref<128xi32, #tpu.memory_space<vmem>>
    %dma_start3A_9 = arith.constant 0 : i32
    %dma_start3A_10 = arith.constant 0 : i32
    %dma_start3A_11 = tpu.memref_slice %arg2[%arg0, %dma_start3A_9, %dma_start3A_10] : memref<2x10000x128xf32, #tpu.memory_space<hbm>> -> memref<1x10000x128xf32, #tpu.memory_space<hbm>>
    %dma_start3A_12 = tpu.memref_squeeze %dma_start3A_11 : memref<1x10000x128xf32, #tpu.memory_space<hbm>> -> memref<10000x128xf32, #tpu.memory_space<hbm>>
    %dma_start3A_13 = arith.constant 0 : i32
    %dma_start3A_14 = arith.constant 0 : i32
    %dma_start3A_15 = tpu.memref_slice %dma_start3A_12[%dma_start3A_13, %dma_start3A_14] : memref<10000x128xf32, #tpu.memory_space<hbm>> -> memref<10000x128xf32, #tpu.memory_space<hbm>>
    tpu.enqueue_indirect_dma source(%dma_start3A_15 : memref<10000x128xf32, #tpu.memory_space<hbm>>) target(%arg9 : memref<128x128xf32, #tpu.memory_space<vmem>>) offsets(%dma_start3A_8 : memref<128xi32, #tpu.memory_space<vmem>>) semaphore(%arg11 : memref<!tpu.dma_semaphore, #tpu.memory_space<semaphore_mem>>)
    %dma_start3A_16 = arith.constant 1 : i32
    %dma_start3A_17 = arith.constant 0 : i32
    %dma_start3A_18 = tpu.memref_slice %arg7[%dma_start3A_16, %dma_start3A_17] : memref<40x128xi32, #tpu.memory_space<vmem>> -> memref<1x128xi32, #tpu.memory_space<vmem>>
    %dma_start3A_19 = tpu.memref_squeeze %dma_start3A_18 : memref<1x128xi32, #tpu.memory_space<vmem>> -> memref<128xi32, #tpu.memory_space<vmem>>
    %dma_start3A_20 = arith.constant 0 : i32
    %dma_start3A_21 = arith.constant 0 : i32
    %dma_start3A_22 = tpu.memref_slice %arg2[%arg0, %dma_start3A_20, %dma_start3A_21] : memref<2x10000x128xf32, #tpu.memory_space<hbm>> -> memref<1x10000x128xf32, #tpu.memory_space<hbm>>
    %dma_start3A_23 = tpu.memref_squeeze %dma_start3A_22 : memref<1x10000x128xf32, #tpu.memory_space<hbm>> -> memref<10000x128xf32, #tpu.memory_space<hbm>>
    %dma_start3A_24 = arith.constant 0 : i32
    %dma_start3A_25 = arith.constant 0 : i32
    %dma_start3A_26 = tpu.memref_slice %dma_start3A_23[%dma_start3A_24, %dma_start3A_25] : memref<10000x128xf32, #tpu.memory_space<hbm>> -> memref<10000x128xf32, #tpu.memory_space<hbm>>
    tpu.enqueue_indirect_dma source(%dma_start3A_26 : memref<10000x128xf32, #tpu.memory_space<hbm>>) target(%arg10 : memref<128x128xf32, #tpu.memory_space<vmem>>) offsets(%dma_start3A_19 : memref<128xi32, #tpu.memory_space<vmem>>) semaphore(%arg12 : memref<!tpu.dma_semaphore, #tpu.memory_space<semaphore_mem>>)
    %scan3A = arith.constant 0 : i32
    %scan3A_27 = arith.constant 0 : i32
    %scan3A_28 = arith.constant 19 : i32
    %scan3A_29 = arith.addi %scan3A_27, %scan3A_28 : i32
    %scan3A_30 = arith.constant 1 : i32
    %scan3A_31 = scf.for %scan3A_172 = %scan3A_27 to %scan3A_29 step %scan3A_30 iter_args(%scan3A_173 = %scan3A) -> (i32)  : i32 {
      %mul3A = arith.constant 2 : i32
      %mul3A_174 = arith.muli %mul3A, %scan3A_172 : i32
      %add3A = arith.constant 0 : i32
      %add3A_175 = arith.addi %mul3A_174, %add3A : i32
      %dma_wait3A_176 = arith.constant 0 : i32
      %dma_wait3A_177 = tpu.memref_slice %arg7[%add3A_175, %dma_wait3A_176] : memref<40x128xi32, #tpu.memory_space<vmem>> -> memref<1x128xi32, #tpu.memory_space<vmem>>
      %dma_wait3A_178 = tpu.memref_squeeze %dma_wait3A_177 : memref<1x128xi32, #tpu.memory_space<vmem>> -> memref<128xi32, #tpu.memory_space<vmem>>
      %dma_wait3A_179 = arith.constant 0 : i32
      %dma_wait3A_180 = arith.constant 0 : i32
      %dma_wait3A_181 = tpu.memref_slice %arg2[%arg0, %dma_wait3A_179, %dma_wait3A_180] : memref<2x10000x128xf32, #tpu.memory_space<hbm>> -> memref<1x10000x128xf32, #tpu.memory_space<hbm>>
      %dma_wait3A_182 = tpu.memref_squeeze %dma_wait3A_181 : memref<1x10000x128xf32, #tpu.memory_space<hbm>> -> memref<10000x128xf32, #tpu.memory_space<hbm>>
      %dma_wait3A_183 = arith.constant 0 : i32
      %dma_wait3A_184 = arith.constant 0 : i32
      %dma_wait3A_185 = tpu.memref_slice %dma_wait3A_182[%dma_wait3A_183, %dma_wait3A_184] : memref<10000x128xf32, #tpu.memory_space<hbm>> -> memref<10000x128xf32, #tpu.memory_space<hbm>>
      tpu.wait_indirect_dma semaphore(%arg11 : memref<!tpu.dma_semaphore, #tpu.memory_space<semaphore_mem>>) src(%dma_wait3A_185 : memref<10000x128xf32, #tpu.memory_space<hbm>>) dst(%arg9 : memref<128x128xf32, #tpu.memory_space<vmem>>)
      %dma_start3A_186 = arith.constant 0 : i32
      %dma_start3A_187 = tpu.memref_slice %arg8[%add3A_175, %dma_start3A_186] : memref<40x128xi32, #tpu.memory_space<vmem>> -> memref<1x128xi32, #tpu.memory_space<vmem>>
      %dma_start3A_188 = tpu.memref_squeeze %dma_start3A_187 : memref<1x128xi32, #tpu.memory_space<vmem>> -> memref<128xi32, #tpu.memory_space<vmem>>
      %dma_start3A_189 = arith.constant 0 : i32
      %dma_start3A_190 = arith.constant 0 : i32
      %dma_start3A_191 = tpu.memref_slice %arg6[%dma_start3A_189, %dma_start3A_190] : memref<10016x128xf32, #tpu.memory_space<vmem_shared>> -> memref<10016x128xf32, #tpu.memory_space<vmem_shared>>
      tpu.enqueue_indirect_dma source(%arg9 : memref<128x128xf32, #tpu.memory_space<vmem>>) target(%dma_start3A_191 : memref<10016x128xf32, #tpu.memory_space<vmem_shared>>) offsets(%dma_start3A_188 : memref<128xi32, #tpu.memory_space<vmem>>) semaphore(%arg13 : memref<!tpu.dma_semaphore, #tpu.memory_space<semaphore_mem>>) {add = true}
      %dma_wait3A_192 = arith.constant 0 : i32
      %dma_wait3A_193 = tpu.memref_slice %arg8[%add3A_175, %dma_wait3A_192] : memref<40x128xi32, #tpu.memory_space<vmem>> -> memref<1x128xi32, #tpu.memory_space<vmem>>
      %dma_wait3A_194 = tpu.memref_squeeze %dma_wait3A_193 : memref<1x128xi32, #tpu.memory_space<vmem>> -> memref<128xi32, #tpu.memory_space<vmem>>
      %dma_wait3A_195 = arith.constant 0 : i32
      %dma_wait3A_196 = arith.constant 0 : i32
      %dma_wait3A_197 = tpu.memref_slice %arg6[%dma_wait3A_195, %dma_wait3A_196] : memref<10016x128xf32, #tpu.memory_space<vmem_shared>> -> memref<10016x128xf32, #tpu.memory_space<vmem_shared>>
      tpu.wait_indirect_dma semaphore(%arg13 : memref<!tpu.dma_semaphore, #tpu.memory_space<semaphore_mem>>) src(%arg9 : memref<128x128xf32, #tpu.memory_space<vmem>>) dst(%dma_wait3A_197 : memref<10016x128xf32, #tpu.memory_space<vmem_shared>>)
      %add3A_198 = arith.constant 2 : i32
      %add3A_199 = arith.addi %add3A_175, %add3A_198 : i32
      %dma_start3A_200 = arith.constant 0 : i32
      %dma_start3A_201 = tpu.memref_slice %arg7[%add3A_199, %dma_start3A_200] : memref<40x128xi32, #tpu.memory_space<vmem>> -> memref<1x128xi32, #tpu.memory_space<vmem>>
      %dma_start3A_202 = tpu.memref_squeeze %dma_start3A_201 : memref<1x128xi32, #tpu.memory_space<vmem>> -> memref<128xi32, #tpu.memory_space<vmem>>
      %dma_start3A_203 = arith.constant 0 : i32
      %dma_start3A_204 = arith.constant 0 : i32
      %dma_start3A_205 = tpu.memref_slice %arg2[%arg0, %dma_start3A_203, %dma_start3A_204] : memref<2x10000x128xf32, #tpu.memory_space<hbm>> -> memref<1x10000x128xf32, #tpu.memory_space<hbm>>
      %dma_start3A_206 = tpu.memref_squeeze %dma_start3A_205 : memref<1x10000x128xf32, #tpu.memory_space<hbm>> -> memref<10000x128xf32, #tpu.memory_space<hbm>>
      %dma_start3A_207 = arith.constant 0 : i32
      %dma_start3A_208 = arith.constant 0 : i32
      %dma_start3A_209 = tpu.memref_slice %dma_start3A_206[%dma_start3A_207, %dma_start3A_208] : memref<10000x128xf32, #tpu.memory_space<hbm>> -> memref<10000x128xf32, #tpu.memory_space<hbm>>
      tpu.enqueue_indirect_dma source(%dma_start3A_209 : memref<10000x128xf32, #tpu.memory_space<hbm>>) target(%arg9 : memref<128x128xf32, #tpu.memory_space<vmem>>) offsets(%dma_start3A_202 : memref<128xi32, #tpu.memory_space<vmem>>) semaphore(%arg11 : memref<!tpu.dma_semaphore, #tpu.memory_space<semaphore_mem>>)
      %mul3A_210 = arith.constant 2 : i32
      %mul3A_211 = arith.muli %mul3A_210, %scan3A_172 : i32
      %add3A_212 = arith.constant 1 : i32
      %add3A_213 = arith.addi %mul3A_211, %add3A_212 : i32
      %dma_wait3A_214 = arith.constant 0 : i32
      %dma_wait3A_215 = tpu.memref_slice %arg7[%add3A_213, %dma_wait3A_214] : memref<40x128xi32, #tpu.memory_space<vmem>> -> memref<1x128xi32, #tpu.memory_space<vmem>>
      %dma_wait3A_216 = tpu.memref_squeeze %dma_wait3A_215 : memref<1x128xi32, #tpu.memory_space<vmem>> -> memref<128xi32, #tpu.memory_space<vmem>>
      %dma_wait3A_217 = arith.constant 0 : i32
      %dma_wait3A_218 = arith.constant 0 : i32
      %dma_wait3A_219 = tpu.memref_slice %arg2[%arg0, %dma_wait3A_217, %dma_wait3A_218] : memref<2x10000x128xf32, #tpu.memory_space<hbm>> -> memref<1x10000x128xf32, #tpu.memory_space<hbm>>
      %dma_wait3A_220 = tpu.memref_squeeze %dma_wait3A_219 : memref<1x10000x128xf32, #tpu.memory_space<hbm>> -> memref<10000x128xf32, #tpu.memory_space<hbm>>
      %dma_wait3A_221 = arith.constant 0 : i32
      %dma_wait3A_222 = arith.constant 0 : i32
      %dma_wait3A_223 = tpu.memref_slice %dma_wait3A_220[%dma_wait3A_221, %dma_wait3A_222] : memref<10000x128xf32, #tpu.memory_space<hbm>> -> memref<10000x128xf32, #tpu.memory_space<hbm>>
      tpu.wait_indirect_dma semaphore(%arg12 : memref<!tpu.dma_semaphore, #tpu.memory_space<semaphore_mem>>) src(%dma_wait3A_223 : memref<10000x128xf32, #tpu.memory_space<hbm>>) dst(%arg10 : memref<128x128xf32, #tpu.memory_space<vmem>>)
      %dma_start3A_224 = arith.constant 0 : i32
      %dma_start3A_225 = tpu.memref_slice %arg8[%add3A_213, %dma_start3A_224] : memref<40x128xi32, #tpu.memory_space<vmem>> -> memref<1x128xi32, #tpu.memory_space<vmem>>
      %dma_start3A_226 = tpu.memref_squeeze %dma_start3A_225 : memref<1x128xi32, #tpu.memory_space<vmem>> -> memref<128xi32, #tpu.memory_space<vmem>>
      %dma_start3A_227 = arith.constant 0 : i32
      %dma_start3A_228 = arith.constant 0 : i32
      %dma_start3A_229 = tpu.memref_slice %arg6[%dma_start3A_227, %dma_start3A_228] : memref<10016x128xf32, #tpu.memory_space<vmem_shared>> -> memref<10016x128xf32, #tpu.memory_space<vmem_shared>>
      tpu.enqueue_indirect_dma source(%arg10 : memref<128x128xf32, #tpu.memory_space<vmem>>) target(%dma_start3A_229 : memref<10016x128xf32, #tpu.memory_space<vmem_shared>>) offsets(%dma_start3A_226 : memref<128xi32, #tpu.memory_space<vmem>>) semaphore(%arg14 : memref<!tpu.dma_semaphore, #tpu.memory_space<semaphore_mem>>) {add = true}
      %dma_wait3A_230 = arith.constant 0 : i32
      %dma_wait3A_231 = tpu.memref_slice %arg8[%add3A_213, %dma_wait3A_230] : memref<40x128xi32, #tpu.memory_space<vmem>> -> memref<1x128xi32, #tpu.memory_space<vmem>>
      %dma_wait3A_232 = tpu.memref_squeeze %dma_wait3A_231 : memref<1x128xi32, #tpu.memory_space<vmem>> -> memref<128xi32, #tpu.memory_space<vmem>>
      %dma_wait3A_233 = arith.constant 0 : i32
      %dma_wait3A_234 = arith.constant 0 : i32
      %dma_wait3A_235 = tpu.memref_slice %arg6[%dma_wait3A_233, %dma_wait3A_234] : memref<10016x128xf32, #tpu.memory_space<vmem_shared>> -> memref<10016x128xf32, #tpu.memory_space<vmem_shared>>
      tpu.wait_indirect_dma semaphore(%arg14 : memref<!tpu.dma_semaphore, #tpu.memory_space<semaphore_mem>>) src(%arg10 : memref<128x128xf32, #tpu.memory_space<vmem>>) dst(%dma_wait3A_235 : memref<10016x128xf32, #tpu.memory_space<vmem_shared>>)
      %add3A_236 = arith.constant 2 : i32
      %add3A_237 = arith.addi %add3A_213, %add3A_236 : i32
      %dma_start3A_238 = arith.constant 0 : i32
      %dma_start3A_239 = tpu.memref_slice %arg7[%add3A_237, %dma_start3A_238] : memref<40x128xi32, #tpu.memory_space<vmem>> -> memref<1x128xi32, #tpu.memory_space<vmem>>
      %dma_start3A_240 = tpu.memref_squeeze %dma_start3A_239 : memref<1x128xi32, #tpu.memory_space<vmem>> -> memref<128xi32, #tpu.memory_space<vmem>>
      %dma_start3A_241 = arith.constant 0 : i32
      %dma_start3A_242 = arith.constant 0 : i32
      %dma_start3A_243 = tpu.memref_slice %arg2[%arg0, %dma_start3A_241, %dma_start3A_242] : memref<2x10000x128xf32, #tpu.memory_space<hbm>> -> memref<1x10000x128xf32, #tpu.memory_space<hbm>>
      %dma_start3A_244 = tpu.memref_squeeze %dma_start3A_243 : memref<1x10000x128xf32, #tpu.memory_space<hbm>> -> memref<10000x128xf32, #tpu.memory_space<hbm>>
      %dma_start3A_245 = arith.constant 0 : i32
      %dma_start3A_246 = arith.constant 0 : i32
      %dma_start3A_247 = tpu.memref_slice %dma_start3A_244[%dma_start3A_245, %dma_start3A_246] : memref<10000x128xf32, #tpu.memory_space<hbm>> -> memref<10000x128xf32, #tpu.memory_space<hbm>>
      tpu.enqueue_indirect_dma source(%dma_start3A_247 : memref<10000x128xf32, #tpu.memory_space<hbm>>) target(%arg10 : memref<128x128xf32, #tpu.memory_space<vmem>>) offsets(%dma_start3A_240 : memref<128xi32, #tpu.memory_space<vmem>>) semaphore(%arg12 : memref<!tpu.dma_semaphore, #tpu.memory_space<semaphore_mem>>)
      %scan3A_248 = arith.constant 0 : i32
      scf.yield %scan3A_248 : i32
    }
    %scan3A_32 = arith.constant 19 : i32
    %dma_wait3A = arith.constant 38 : i32
    %dma_wait3A_33 = arith.constant 0 : i32
    %dma_wait3A_34 = tpu.memref_slice %arg7[%dma_wait3A, %dma_wait3A_33] : memref<40x128xi32, #tpu.memory_space<vmem>> -> memref<1x128xi32, #tpu.memory_space<vmem>>
    %dma_wait3A_35 = tpu.memref_squeeze %dma_wait3A_34 : memref<1x128xi32, #tpu.memory_space<vmem>> -> memref<128xi32, #tpu.memory_space<vmem>>
    %dma_wait3A_36 = arith.constant 0 : i32
    %dma_wait3A_37 = arith.constant 0 : i32
    %dma_wait3A_38 = tpu.memref_slice %arg2[%arg0, %dma_wait3A_36, %dma_wait3A_37] : memref<2x10000x128xf32, #tpu.memory_space<hbm>> -> memref<1x10000x128xf32, #tpu.memory_space<hbm>>
    %dma_wait3A_39 = tpu.memref_squeeze %dma_wait3A_38 : memref<1x10000x128xf32, #tpu.memory_space<hbm>> -> memref<10000x128xf32, #tpu.memory_space<hbm>>
    %dma_wait3A_40 = arith.constant 0 : i32
    %dma_wait3A_41 = arith.constant 0 : i32
    %dma_wait3A_42 = tpu.memref_slice %dma_wait3A_39[%dma_wait3A_40, %dma_wait3A_41] : memref<10000x128xf32, #tpu.memory_space<hbm>> -> memref<10000x128xf32, #tpu.memory_space<hbm>>
    tpu.wait_indirect_dma semaphore(%arg11 : memref<!tpu.dma_semaphore, #tpu.memory_space<semaphore_mem>>) src(%dma_wait3A_42 : memref<10000x128xf32, #tpu.memory_space<hbm>>) dst(%arg9 : memref<128x128xf32, #tpu.memory_space<vmem>>)
    %dma_start3A_43 = arith.constant 38 : i32
    %dma_start3A_44 = arith.constant 0 : i32
    %dma_start3A_45 = tpu.memref_slice %arg8[%dma_start3A_43, %dma_start3A_44] : memref<40x128xi32, #tpu.memory_space<vmem>> -> memref<1x128xi32, #tpu.memory_space<vmem>>
    %dma_start3A_46 = tpu.memref_squeeze %dma_start3A_45 : memref<1x128xi32, #tpu.memory_space<vmem>> -> memref<128xi32, #tpu.memory_space<vmem>>
    %dma_start3A_47 = arith.constant 0 : i32
    %dma_start3A_48 = arith.constant 0 : i32
    %dma_start3A_49 = tpu.memref_slice %arg6[%dma_start3A_47, %dma_start3A_48] : memref<10016x128xf32, #tpu.memory_space<vmem_shared>> -> memref<10016x128xf32, #tpu.memory_space<vmem_shared>>
    tpu.enqueue_indirect_dma source(%arg9 : memref<128x128xf32, #tpu.memory_space<vmem>>) target(%dma_start3A_49 : memref<10016x128xf32, #tpu.memory_space<vmem_shared>>) offsets(%dma_start3A_46 : memref<128xi32, #tpu.memory_space<vmem>>) semaphore(%arg13 : memref<!tpu.dma_semaphore, #tpu.memory_space<semaphore_mem>>) {add = true}
    %dma_wait3A_50 = arith.constant 38 : i32
    %dma_wait3A_51 = arith.constant 0 : i32
    %dma_wait3A_52 = tpu.memref_slice %arg8[%dma_wait3A_50, %dma_wait3A_51] : memref<40x128xi32, #tpu.memory_space<vmem>> -> memref<1x128xi32, #tpu.memory_space<vmem>>
    %dma_wait3A_53 = tpu.memref_squeeze %dma_wait3A_52 : memref<1x128xi32, #tpu.memory_space<vmem>> -> memref<128xi32, #tpu.memory_space<vmem>>
    %dma_wait3A_54 = arith.constant 0 : i32
    %dma_wait3A_55 = arith.constant 0 : i32
    %dma_wait3A_56 = tpu.memref_slice %arg6[%dma_wait3A_54, %dma_wait3A_55] : memref<10016x128xf32, #tpu.memory_space<vmem_shared>> -> memref<10016x128xf32, #tpu.memory_space<vmem_shared>>
    tpu.wait_indirect_dma semaphore(%arg13 : memref<!tpu.dma_semaphore, #tpu.memory_space<semaphore_mem>>) src(%arg9 : memref<128x128xf32, #tpu.memory_space<vmem>>) dst(%dma_wait3A_56 : memref<10016x128xf32, #tpu.memory_space<vmem_shared>>)
    %dma_wait3A_57 = arith.constant 39 : i32
    %dma_wait3A_58 = arith.constant 0 : i32
    %dma_wait3A_59 = tpu.memref_slice %arg7[%dma_wait3A_57, %dma_wait3A_58] : memref<40x128xi32, #tpu.memory_space<vmem>> -> memref<1x128xi32, #tpu.memory_space<vmem>>
    %dma_wait3A_60 = tpu.memref_squeeze %dma_wait3A_59 : memref<1x128xi32, #tpu.memory_space<vmem>> -> memref<128xi32, #tpu.memory_space<vmem>>
    %dma_wait3A_61 = arith.constant 0 : i32
    %dma_wait3A_62 = arith.constant 0 : i32
    %dma_wait3A_63 = tpu.memref_slice %arg2[%arg0, %dma_wait3A_61, %dma_wait3A_62] : memref<2x10000x128xf32, #tpu.memory_space<hbm>> -> memref<1x10000x128xf32, #tpu.memory_space<hbm>>
    %dma_wait3A_64 = tpu.memref_squeeze %dma_wait3A_63 : memref<1x10000x128xf32, #tpu.memory_space<hbm>> -> memref<10000x128xf32, #tpu.memory_space<hbm>>
    %dma_wait3A_65 = arith.constant 0 : i32
    %dma_wait3A_66 = arith.constant 0 : i32
    %dma_wait3A_67 = tpu.memref_slice %dma_wait3A_64[%dma_wait3A_65, %dma_wait3A_66] : memref<10000x128xf32, #tpu.memory_space<hbm>> -> memref<10000x128xf32, #tpu.memory_space<hbm>>
    tpu.wait_indirect_dma semaphore(%arg12 : memref<!tpu.dma_semaphore, #tpu.memory_space<semaphore_mem>>) src(%dma_wait3A_67 : memref<10000x128xf32, #tpu.memory_space<hbm>>) dst(%arg10 : memref<128x128xf32, #tpu.memory_space<vmem>>)
    %dma_start3A_68 = arith.constant 39 : i32
    %dma_start3A_69 = arith.constant 0 : i32
    %dma_start3A_70 = tpu.memref_slice %arg8[%dma_start3A_68, %dma_start3A_69] : memref<40x128xi32, #tpu.memory_space<vmem>> -> memref<1x128xi32, #tpu.memory_space<vmem>>
    %dma_start3A_71 = tpu.memref_squeeze %dma_start3A_70 : memref<1x128xi32, #tpu.memory_space<vmem>> -> memref<128xi32, #tpu.memory_space<vmem>>
    %dma_start3A_72 = arith.constant 0 : i32
    %dma_start3A_73 = arith.constant 0 : i32
    %dma_start3A_74 = tpu.memref_slice %arg6[%dma_start3A_72, %dma_start3A_73] : memref<10016x128xf32, #tpu.memory_space<vmem_shared>> -> memref<10016x128xf32, #tpu.memory_space<vmem_shared>>
    tpu.enqueue_indirect_dma source(%arg10 : memref<128x128xf32, #tpu.memory_space<vmem>>) target(%dma_start3A_74 : memref<10016x128xf32, #tpu.memory_space<vmem_shared>>) offsets(%dma_start3A_71 : memref<128xi32, #tpu.memory_space<vmem>>) semaphore(%arg14 : memref<!tpu.dma_semaphore, #tpu.memory_space<semaphore_mem>>) {add = true}
    %dma_wait3A_75 = arith.constant 39 : i32
    %dma_wait3A_76 = arith.constant 0 : i32
    %dma_wait3A_77 = tpu.memref_slice %arg8[%dma_wait3A_75, %dma_wait3A_76] : memref<40x128xi32, #tpu.memory_space<vmem>> -> memref<1x128xi32, #tpu.memory_space<vmem>>
    %dma_wait3A_78 = tpu.memref_squeeze %dma_wait3A_77 : memref<1x128xi32, #tpu.memory_space<vmem>> -> memref<128xi32, #tpu.memory_space<vmem>>
    %dma_wait3A_79 = arith.constant 0 : i32
    %dma_wait3A_80 = arith.constant 0 : i32
    %dma_wait3A_81 = tpu.memref_slice %arg6[%dma_wait3A_79, %dma_wait3A_80] : memref<10016x128xf32, #tpu.memory_space<vmem_shared>> -> memref<10016x128xf32, #tpu.memory_space<vmem_shared>>
    tpu.wait_indirect_dma semaphore(%arg14 : memref<!tpu.dma_semaphore, #tpu.memory_space<semaphore_mem>>) src(%arg10 : memref<128x128xf32, #tpu.memory_space<vmem>>) dst(%dma_wait3A_81 : memref<10016x128xf32, #tpu.memory_space<vmem_shared>>)
    "tpu.region"() ({
      %run_scoped3A = tpu.sem_alloc : memref<!tpu.dma_semaphore, #tpu.memory_space<semaphore_mem>>
      %dma_start3A_172 = arith.constant 0 : i32
      %dma_start3A_173 = arith.constant 0 : i32
      %dma_start3A_174 = tpu.memref_slice %arg3[%arg1, %dma_start3A_172, %dma_start3A_173] : memref<16x80x128xi32, #tpu.memory_space<hbm>> -> memref<1x80x128xi32, #tpu.memory_space<hbm>>
      %dma_start3A_175 = tpu.memref_squeeze %dma_start3A_174 : memref<1x80x128xi32, #tpu.memory_space<hbm>> -> memref<80x128xi32, #tpu.memory_space<hbm>>
      %dma_start3A_176 = arith.constant 40 : i32
      %dma_start3A_177 = arith.constant 0 : i32
      %dma_start3A_178 = tpu.memref_slice %dma_start3A_175[%dma_start3A_176, %dma_start3A_177] : memref<80x128xi32, #tpu.memory_space<hbm>> -> memref<40x128xi32, #tpu.memory_space<hbm>>
      %dma_start3A_179 = arith.constant 0 : i32
      %dma_start3A_180 = arith.constant 0 : i32
      %dma_start3A_181 = tpu.memref_slice %arg3[%arg1, %dma_start3A_179, %dma_start3A_180] : memref<16x80x128xi32, #tpu.memory_space<hbm>> -> memref<1x80x128xi32, #tpu.memory_space<hbm>>
      %dma_start3A_182 = tpu.memref_squeeze %dma_start3A_181 : memref<1x80x128xi32, #tpu.memory_space<hbm>> -> memref<80x128xi32, #tpu.memory_space<hbm>>
      %dma_start3A_183 = arith.constant 40 : i32
      %dma_start3A_184 = arith.constant 0 : i32
      %dma_start3A_185 = tpu.memref_slice %dma_start3A_182[%dma_start3A_183, %dma_start3A_184] : memref<80x128xi32, #tpu.memory_space<hbm>> -> memref<40x128xi32, #tpu.memory_space<hbm>>
      tpu.enqueue_dma source(%dma_start3A_185 : memref<40x128xi32, #tpu.memory_space<hbm>>) target(%arg7 : memref<40x128xi32, #tpu.memory_space<vmem>>) target_semaphore(%run_scoped3A : memref<!tpu.dma_semaphore, #tpu.memory_space<semaphore_mem>>)
      %dma_wait3A_186 = arith.constant 0 : i32
      %dma_wait3A_187 = arith.constant 0 : i32
      %dma_wait3A_188 = tpu.memref_slice %arg3[%arg1, %dma_wait3A_186, %dma_wait3A_187] : memref<16x80x128xi32, #tpu.memory_space<hbm>> -> memref<1x80x128xi32, #tpu.memory_space<hbm>>
      %dma_wait3A_189 = tpu.memref_squeeze %dma_wait3A_188 : memref<1x80x128xi32, #tpu.memory_space<hbm>> -> memref<80x128xi32, #tpu.memory_space<hbm>>
      %dma_wait3A_190 = arith.constant 40 : i32
      %dma_wait3A_191 = arith.constant 0 : i32
      %dma_wait3A_192 = tpu.memref_slice %dma_wait3A_189[%dma_wait3A_190, %dma_wait3A_191] : memref<80x128xi32, #tpu.memory_space<hbm>> -> memref<40x128xi32, #tpu.memory_space<hbm>>
      %dma_wait3A_193 = arith.constant 0 : i32
      %dma_wait3A_194 = arith.constant 0 : i32
      %dma_wait3A_195 = tpu.memref_slice %arg3[%arg1, %dma_wait3A_193, %dma_wait3A_194] : memref<16x80x128xi32, #tpu.memory_space<hbm>> -> memref<1x80x128xi32, #tpu.memory_space<hbm>>
      %dma_wait3A_196 = tpu.memref_squeeze %dma_wait3A_195 : memref<1x80x128xi32, #tpu.memory_space<hbm>> -> memref<80x128xi32, #tpu.memory_space<hbm>>
      %dma_wait3A_197 = arith.constant 40 : i32
      %dma_wait3A_198 = arith.constant 0 : i32
      %dma_wait3A_199 = tpu.memref_slice %dma_wait3A_196[%dma_wait3A_197, %dma_wait3A_198] : memref<80x128xi32, #tpu.memory_space<hbm>> -> memref<40x128xi32, #tpu.memory_space<hbm>>
      tpu.wait_dma2 semaphore(%run_scoped3A : memref<!tpu.dma_semaphore, #tpu.memory_space<semaphore_mem>>) src(%dma_wait3A_199 : memref<40x128xi32, #tpu.memory_space<hbm>>) dst(%arg7 : memref<40x128xi32, #tpu.memory_space<vmem>>)
      tpu.yield
    }) : () -> ()
    "tpu.region"() ({
      %run_scoped3A = tpu.sem_alloc : memref<!tpu.dma_semaphore, #tpu.memory_space<semaphore_mem>>
      %dma_start3A_172 = arith.constant 0 : i32
      %dma_start3A_173 = arith.constant 0 : i32
      %dma_start3A_174 = tpu.memref_slice %arg4[%arg1, %dma_start3A_172, %dma_start3A_173] : memref<16x80x128xi32, #tpu.memory_space<hbm>> -> memref<1x80x128xi32, #tpu.memory_space<hbm>>
      %dma_start3A_175 = tpu.memref_squeeze %dma_start3A_174 : memref<1x80x128xi32, #tpu.memory_space<hbm>> -> memref<80x128xi32, #tpu.memory_space<hbm>>
      %dma_start3A_176 = arith.constant 40 : i32
      %dma_start3A_177 = arith.constant 0 : i32
      %dma_start3A_178 = tpu.memref_slice %dma_start3A_175[%dma_start3A_176, %dma_start3A_177] : memref<80x128xi32, #tpu.memory_space<hbm>> -> memref<40x128xi32, #tpu.memory_space<hbm>>
      %dma_start3A_179 = arith.constant 0 : i32
      %dma_start3A_180 = arith.constant 0 : i32
      %dma_start3A_181 = tpu.memref_slice %arg4[%arg1, %dma_start3A_179, %dma_start3A_180] : memref<16x80x128xi32, #tpu.memory_space<hbm>> -> memref<1x80x128xi32, #tpu.memory_space<hbm>>
      %dma_start3A_182 = tpu.memref_squeeze %dma_start3A_181 : memref<1x80x128xi32, #tpu.memory_space<hbm>> -> memref<80x128xi32, #tpu.memory_space<hbm>>
      %dma_start3A_183 = arith.constant 40 : i32
      %dma_start3A_184 = arith.constant 0 : i32
      %dma_start3A_185 = tpu.memref_slice %dma_start3A_182[%dma_start3A_183, %dma_start3A_184] : memref<80x128xi32, #tpu.memory_space<hbm>> -> memref<40x128xi32, #tpu.memory_space<hbm>>
      tpu.enqueue_dma source(%dma_start3A_185 : memref<40x128xi32, #tpu.memory_space<hbm>>) target(%arg8 : memref<40x128xi32, #tpu.memory_space<vmem>>) target_semaphore(%run_scoped3A : memref<!tpu.dma_semaphore, #tpu.memory_space<semaphore_mem>>)
      %dma_wait3A_186 = arith.constant 0 : i32
      %dma_wait3A_187 = arith.constant 0 : i32
      %dma_wait3A_188 = tpu.memref_slice %arg4[%arg1, %dma_wait3A_186, %dma_wait3A_187] : memref<16x80x128xi32, #tpu.memory_space<hbm>> -> memref<1x80x128xi32, #tpu.memory_space<hbm>>
      %dma_wait3A_189 = tpu.memref_squeeze %dma_wait3A_188 : memref<1x80x128xi32, #tpu.memory_space<hbm>> -> memref<80x128xi32, #tpu.memory_space<hbm>>
      %dma_wait3A_190 = arith.constant 40 : i32
      %dma_wait3A_191 = arith.constant 0 : i32
      %dma_wait3A_192 = tpu.memref_slice %dma_wait3A_189[%dma_wait3A_190, %dma_wait3A_191] : memref<80x128xi32, #tpu.memory_space<hbm>> -> memref<40x128xi32, #tpu.memory_space<hbm>>
      %dma_wait3A_193 = arith.constant 0 : i32
      %dma_wait3A_194 = arith.constant 0 : i32
      %dma_wait3A_195 = tpu.memref_slice %arg4[%arg1, %dma_wait3A_193, %dma_wait3A_194] : memref<16x80x128xi32, #tpu.memory_space<hbm>> -> memref<1x80x128xi32, #tpu.memory_space<hbm>>
      %dma_wait3A_196 = tpu.memref_squeeze %dma_wait3A_195 : memref<1x80x128xi32, #tpu.memory_space<hbm>> -> memref<80x128xi32, #tpu.memory_space<hbm>>
      %dma_wait3A_197 = arith.constant 40 : i32
      %dma_wait3A_198 = arith.constant 0 : i32
      %dma_wait3A_199 = tpu.memref_slice %dma_wait3A_196[%dma_wait3A_197, %dma_wait3A_198] : memref<80x128xi32, #tpu.memory_space<hbm>> -> memref<40x128xi32, #tpu.memory_space<hbm>>
      tpu.wait_dma2 semaphore(%run_scoped3A : memref<!tpu.dma_semaphore, #tpu.memory_space<semaphore_mem>>) src(%dma_wait3A_199 : memref<40x128xi32, #tpu.memory_space<hbm>>) dst(%arg8 : memref<40x128xi32, #tpu.memory_space<vmem>>)
      tpu.yield
    }) : () -> ()
    %dma_start3A_82 = arith.constant 0 : i32
    %dma_start3A_83 = arith.constant 0 : i32
    %dma_start3A_84 = tpu.memref_slice %arg7[%dma_start3A_82, %dma_start3A_83] : memref<40x128xi32, #tpu.memory_space<vmem>> -> memref<1x128xi32, #tpu.memory_space<vmem>>
    %dma_start3A_85 = tpu.memref_squeeze %dma_start3A_84 : memref<1x128xi32, #tpu.memory_space<vmem>> -> memref<128xi32, #tpu.memory_space<vmem>>
    %dma_start3A_86 = arith.constant 0 : i32
    %dma_start3A_87 = arith.constant 0 : i32
    %dma_start3A_88 = tpu.memref_slice %arg2[%arg0, %dma_start3A_86, %dma_start3A_87] : memref<2x10000x128xf32, #tpu.memory_space<hbm>> -> memref<1x10000x128xf32, #tpu.memory_space<hbm>>
    %dma_start3A_89 = tpu.memref_squeeze %dma_start3A_88 : memref<1x10000x128xf32, #tpu.memory_space<hbm>> -> memref<10000x128xf32, #tpu.memory_space<hbm>>
    %dma_start3A_90 = arith.constant 0 : i32
    %dma_start3A_91 = arith.constant 0 : i32
    %dma_start3A_92 = tpu.memref_slice %dma_start3A_89[%dma_start3A_90, %dma_start3A_91] : memref<10000x128xf32, #tpu.memory_space<hbm>> -> memref<10000x128xf32, #tpu.memory_space<hbm>>
    tpu.enqueue_indirect_dma source(%dma_start3A_92 : memref<10000x128xf32, #tpu.memory_space<hbm>>) target(%arg9 : memref<128x128xf32, #tpu.memory_space<vmem>>) offsets(%dma_start3A_85 : memref<128xi32, #tpu.memory_space<vmem>>) semaphore(%arg11 : memref<!tpu.dma_semaphore, #tpu.memory_space<semaphore_mem>>)
    %dma_start3A_93 = arith.constant 1 : i32
    %dma_start3A_94 = arith.constant 0 : i32
    %dma_start3A_95 = tpu.memref_slice %arg7[%dma_start3A_93, %dma_start3A_94] : memref<40x128xi32, #tpu.memory_space<vmem>> -> memref<1x128xi32, #tpu.memory_space<vmem>>
    %dma_start3A_96 = tpu.memref_squeeze %dma_start3A_95 : memref<1x128xi32, #tpu.memory_space<vmem>> -> memref<128xi32, #tpu.memory_space<vmem>>
    %dma_start3A_97 = arith.constant 0 : i32
    %dma_start3A_98 = arith.constant 0 : i32
    %dma_start3A_99 = tpu.memref_slice %arg2[%arg0, %dma_start3A_97, %dma_start3A_98] : memref<2x10000x128xf32, #tpu.memory_space<hbm>> -> memref<1x10000x128xf32, #tpu.memory_space<hbm>>
    %dma_start3A_100 = tpu.memref_squeeze %dma_start3A_99 : memref<1x10000x128xf32, #tpu.memory_space<hbm>> -> memref<10000x128xf32, #tpu.memory_space<hbm>>
    %dma_start3A_101 = arith.constant 0 : i32
    %dma_start3A_102 = arith.constant 0 : i32
    %dma_start3A_103 = tpu.memref_slice %dma_start3A_100[%dma_start3A_101, %dma_start3A_102] : memref<10000x128xf32, #tpu.memory_space<hbm>> -> memref<10000x128xf32, #tpu.memory_space<hbm>>
    tpu.enqueue_indirect_dma source(%dma_start3A_103 : memref<10000x128xf32, #tpu.memory_space<hbm>>) target(%arg10 : memref<128x128xf32, #tpu.memory_space<vmem>>) offsets(%dma_start3A_96 : memref<128xi32, #tpu.memory_space<vmem>>) semaphore(%arg12 : memref<!tpu.dma_semaphore, #tpu.memory_space<semaphore_mem>>)
    %scan3A_104 = arith.constant 0 : i32
    %scan3A_105 = arith.constant 0 : i32
    %scan3A_106 = arith.constant 19 : i32
    %scan3A_107 = arith.addi %scan3A_105, %scan3A_106 : i32
    %scan3A_108 = arith.constant 1 : i32
    %scan3A_109 = scf.for %scan3A_172 = %scan3A_105 to %scan3A_107 step %scan3A_108 iter_args(%scan3A_173 = %scan3A_104) -> (i32)  : i32 {
      %mul3A = arith.constant 2 : i32
      %mul3A_174 = arith.muli %mul3A, %scan3A_172 : i32
      %add3A = arith.constant 0 : i32
      %add3A_175 = arith.addi %mul3A_174, %add3A : i32
      %dma_wait3A_176 = arith.constant 0 : i32
      %dma_wait3A_177 = tpu.memref_slice %arg7[%add3A_175, %dma_wait3A_176] : memref<40x128xi32, #tpu.memory_space<vmem>> -> memref<1x128xi32, #tpu.memory_space<vmem>>
      %dma_wait3A_178 = tpu.memref_squeeze %dma_wait3A_177 : memref<1x128xi32, #tpu.memory_space<vmem>> -> memref<128xi32, #tpu.memory_space<vmem>>
      %dma_wait3A_179 = arith.constant 0 : i32
      %dma_wait3A_180 = arith.constant 0 : i32
      %dma_wait3A_181 = tpu.memref_slice %arg2[%arg0, %dma_wait3A_179, %dma_wait3A_180] : memref<2x10000x128xf32, #tpu.memory_space<hbm>> -> memref<1x10000x128xf32, #tpu.memory_space<hbm>>
      %dma_wait3A_182 = tpu.memref_squeeze %dma_wait3A_181 : memref<1x10000x128xf32, #tpu.memory_space<hbm>> -> memref<10000x128xf32, #tpu.memory_space<hbm>>
      %dma_wait3A_183 = arith.constant 0 : i32
      %dma_wait3A_184 = arith.constant 0 : i32
      %dma_wait3A_185 = tpu.memref_slice %dma_wait3A_182[%dma_wait3A_183, %dma_wait3A_184] : memref<10000x128xf32, #tpu.memory_space<hbm>> -> memref<10000x128xf32, #tpu.memory_space<hbm>>
      tpu.wait_indirect_dma semaphore(%arg11 : memref<!tpu.dma_semaphore, #tpu.memory_space<semaphore_mem>>) src(%dma_wait3A_185 : memref<10000x128xf32, #tpu.memory_space<hbm>>) dst(%arg9 : memref<128x128xf32, #tpu.memory_space<vmem>>)
      %dma_start3A_186 = arith.constant 0 : i32
      %dma_start3A_187 = tpu.memref_slice %arg8[%add3A_175, %dma_start3A_186] : memref<40x128xi32, #tpu.memory_space<vmem>> -> memref<1x128xi32, #tpu.memory_space<vmem>>
      %dma_start3A_188 = tpu.memref_squeeze %dma_start3A_187 : memref<1x128xi32, #tpu.memory_space<vmem>> -> memref<128xi32, #tpu.memory_space<vmem>>
      %dma_start3A_189 = arith.constant 0 : i32
      %dma_start3A_190 = arith.constant 0 : i32
      %dma_start3A_191 = tpu.memref_slice %arg6[%dma_start3A_189, %dma_start3A_190] : memref<10016x128xf32, #tpu.memory_space<vmem_shared>> -> memref<10016x128xf32, #tpu.memory_space<vmem_shared>>
      tpu.enqueue_indirect_dma source(%arg9 : memref<128x128xf32, #tpu.memory_space<vmem>>) target(%dma_start3A_191 : memref<10016x128xf32, #tpu.memory_space<vmem_shared>>) offsets(%dma_start3A_188 : memref<128xi32, #tpu.memory_space<vmem>>) semaphore(%arg13 : memref<!tpu.dma_semaphore, #tpu.memory_space<semaphore_mem>>) {add = true}
      %dma_wait3A_192 = arith.constant 0 : i32
      %dma_wait3A_193 = tpu.memref_slice %arg8[%add3A_175, %dma_wait3A_192] : memref<40x128xi32, #tpu.memory_space<vmem>> -> memref<1x128xi32, #tpu.memory_space<vmem>>
      %dma_wait3A_194 = tpu.memref_squeeze %dma_wait3A_193 : memref<1x128xi32, #tpu.memory_space<vmem>> -> memref<128xi32, #tpu.memory_space<vmem>>
      %dma_wait3A_195 = arith.constant 0 : i32
      %dma_wait3A_196 = arith.constant 0 : i32
      %dma_wait3A_197 = tpu.memref_slice %arg6[%dma_wait3A_195, %dma_wait3A_196] : memref<10016x128xf32, #tpu.memory_space<vmem_shared>> -> memref<10016x128xf32, #tpu.memory_space<vmem_shared>>
      tpu.wait_indirect_dma semaphore(%arg13 : memref<!tpu.dma_semaphore, #tpu.memory_space<semaphore_mem>>) src(%arg9 : memref<128x128xf32, #tpu.memory_space<vmem>>) dst(%dma_wait3A_197 : memref<10016x128xf32, #tpu.memory_space<vmem_shared>>)
      %add3A_198 = arith.constant 2 : i32
      %add3A_199 = arith.addi %add3A_175, %add3A_198 : i32
      %dma_start3A_200 = arith.constant 0 : i32
      %dma_start3A_201 = tpu.memref_slice %arg7[%add3A_199, %dma_start3A_200] : memref<40x128xi32, #tpu.memory_space<vmem>> -> memref<1x128xi32, #tpu.memory_space<vmem>>
      %dma_start3A_202 = tpu.memref_squeeze %dma_start3A_201 : memref<1x128xi32, #tpu.memory_space<vmem>> -> memref<128xi32, #tpu.memory_space<vmem>>
      %dma_start3A_203 = arith.constant 0 : i32
      %dma_start3A_204 = arith.constant 0 : i32
      %dma_start3A_205 = tpu.memref_slice %arg2[%arg0, %dma_start3A_203, %dma_start3A_204] : memref<2x10000x128xf32, #tpu.memory_space<hbm>> -> memref<1x10000x128xf32, #tpu.memory_space<hbm>>
      %dma_start3A_206 = tpu.memref_squeeze %dma_start3A_205 : memref<1x10000x128xf32, #tpu.memory_space<hbm>> -> memref<10000x128xf32, #tpu.memory_space<hbm>>
      %dma_start3A_207 = arith.constant 0 : i32
      %dma_start3A_208 = arith.constant 0 : i32
      %dma_start3A_209 = tpu.memref_slice %dma_start3A_206[%dma_start3A_207, %dma_start3A_208] : memref<10000x128xf32, #tpu.memory_space<hbm>> -> memref<10000x128xf32, #tpu.memory_space<hbm>>
      tpu.enqueue_indirect_dma source(%dma_start3A_209 : memref<10000x128xf32, #tpu.memory_space<hbm>>) target(%arg9 : memref<128x128xf32, #tpu.memory_space<vmem>>) offsets(%dma_start3A_202 : memref<128xi32, #tpu.memory_space<vmem>>) semaphore(%arg11 : memref<!tpu.dma_semaphore, #tpu.memory_space<semaphore_mem>>)
      %mul3A_210 = arith.constant 2 : i32
      %mul3A_211 = arith.muli %mul3A_210, %scan3A_172 : i32
      %add3A_212 = arith.constant 1 : i32
      %add3A_213 = arith.addi %mul3A_211, %add3A_212 : i32
      %dma_wait3A_214 = arith.constant 0 : i32
      %dma_wait3A_215 = tpu.memref_slice %arg7[%add3A_213, %dma_wait3A_214] : memref<40x128xi32, #tpu.memory_space<vmem>> -> memref<1x128xi32, #tpu.memory_space<vmem>>
      %dma_wait3A_216 = tpu.memref_squeeze %dma_wait3A_215 : memref<1x128xi32, #tpu.memory_space<vmem>> -> memref<128xi32, #tpu.memory_space<vmem>>
      %dma_wait3A_217 = arith.constant 0 : i32
      %dma_wait3A_218 = arith.constant 0 : i32
      %dma_wait3A_219 = tpu.memref_slice %arg2[%arg0, %dma_wait3A_217, %dma_wait3A_218] : memref<2x10000x128xf32, #tpu.memory_space<hbm>> -> memref<1x10000x128xf32, #tpu.memory_space<hbm>>
      %dma_wait3A_220 = tpu.memref_squeeze %dma_wait3A_219 : memref<1x10000x128xf32, #tpu.memory_space<hbm>> -> memref<10000x128xf32, #tpu.memory_space<hbm>>
      %dma_wait3A_221 = arith.constant 0 : i32
      %dma_wait3A_222 = arith.constant 0 : i32
      %dma_wait3A_223 = tpu.memref_slice %dma_wait3A_220[%dma_wait3A_221, %dma_wait3A_222] : memref<10000x128xf32, #tpu.memory_space<hbm>> -> memref<10000x128xf32, #tpu.memory_space<hbm>>
      tpu.wait_indirect_dma semaphore(%arg12 : memref<!tpu.dma_semaphore, #tpu.memory_space<semaphore_mem>>) src(%dma_wait3A_223 : memref<10000x128xf32, #tpu.memory_space<hbm>>) dst(%arg10 : memref<128x128xf32, #tpu.memory_space<vmem>>)
      %dma_start3A_224 = arith.constant 0 : i32
      %dma_start3A_225 = tpu.memref_slice %arg8[%add3A_213, %dma_start3A_224] : memref<40x128xi32, #tpu.memory_space<vmem>> -> memref<1x128xi32, #tpu.memory_space<vmem>>
      %dma_start3A_226 = tpu.memref_squeeze %dma_start3A_225 : memref<1x128xi32, #tpu.memory_space<vmem>> -> memref<128xi32, #tpu.memory_space<vmem>>
      %dma_start3A_227 = arith.constant 0 : i32
      %dma_start3A_228 = arith.constant 0 : i32
      %dma_start3A_229 = tpu.memref_slice %arg6[%dma_start3A_227, %dma_start3A_228] : memref<10016x128xf32, #tpu.memory_space<vmem_shared>> -> memref<10016x128xf32, #tpu.memory_space<vmem_shared>>
      tpu.enqueue_indirect_dma source(%arg10 : memref<128x128xf32, #tpu.memory_space<vmem>>) target(%dma_start3A_229 : memref<10016x128xf32, #tpu.memory_space<vmem_shared>>) offsets(%dma_start3A_226 : memref<128xi32, #tpu.memory_space<vmem>>) semaphore(%arg14 : memref<!tpu.dma_semaphore, #tpu.memory_space<semaphore_mem>>) {add = true}
      %dma_wait3A_230 = arith.constant 0 : i32
      %dma_wait3A_231 = tpu.memref_slice %arg8[%add3A_213, %dma_wait3A_230] : memref<40x128xi32, #tpu.memory_space<vmem>> -> memref<1x128xi32, #tpu.memory_space<vmem>>
      %dma_wait3A_232 = tpu.memref_squeeze %dma_wait3A_231 : memref<1x128xi32, #tpu.memory_space<vmem>> -> memref<128xi32, #tpu.memory_space<vmem>>
      %dma_wait3A_233 = arith.constant 0 : i32
      %dma_wait3A_234 = arith.constant 0 : i32
      %dma_wait3A_235 = tpu.memref_slice %arg6[%dma_wait3A_233, %dma_wait3A_234] : memref<10016x128xf32, #tpu.memory_space<vmem_shared>> -> memref<10016x128xf32, #tpu.memory_space<vmem_shared>>
      tpu.wait_indirect_dma semaphore(%arg14 : memref<!tpu.dma_semaphore, #tpu.memory_space<semaphore_mem>>) src(%arg10 : memref<128x128xf32, #tpu.memory_space<vmem>>) dst(%dma_wait3A_235 : memref<10016x128xf32, #tpu.memory_space<vmem_shared>>)
      %add3A_236 = arith.constant 2 : i32
      %add3A_237 = arith.addi %add3A_213, %add3A_236 : i32
      %dma_start3A_238 = arith.constant 0 : i32
      %dma_start3A_239 = tpu.memref_slice %arg7[%add3A_237, %dma_start3A_238] : memref<40x128xi32, #tpu.memory_space<vmem>> -> memref<1x128xi32, #tpu.memory_space<vmem>>
      %dma_start3A_240 = tpu.memref_squeeze %dma_start3A_239 : memref<1x128xi32, #tpu.memory_space<vmem>> -> memref<128xi32, #tpu.memory_space<vmem>>
      %dma_start3A_241 = arith.constant 0 : i32
      %dma_start3A_242 = arith.constant 0 : i32
      %dma_start3A_243 = tpu.memref_slice %arg2[%arg0, %dma_start3A_241, %dma_start3A_242] : memref<2x10000x128xf32, #tpu.memory_space<hbm>> -> memref<1x10000x128xf32, #tpu.memory_space<hbm>>
      %dma_start3A_244 = tpu.memref_squeeze %dma_start3A_243 : memref<1x10000x128xf32, #tpu.memory_space<hbm>> -> memref<10000x128xf32, #tpu.memory_space<hbm>>
      %dma_start3A_245 = arith.constant 0 : i32
      %dma_start3A_246 = arith.constant 0 : i32
      %dma_start3A_247 = tpu.memref_slice %dma_start3A_244[%dma_start3A_245, %dma_start3A_246] : memref<10000x128xf32, #tpu.memory_space<hbm>> -> memref<10000x128xf32, #tpu.memory_space<hbm>>
      tpu.enqueue_indirect_dma source(%dma_start3A_247 : memref<10000x128xf32, #tpu.memory_space<hbm>>) target(%arg10 : memref<128x128xf32, #tpu.memory_space<vmem>>) offsets(%dma_start3A_240 : memref<128xi32, #tpu.memory_space<vmem>>) semaphore(%arg12 : memref<!tpu.dma_semaphore, #tpu.memory_space<semaphore_mem>>)
      %scan3A_248 = arith.constant 0 : i32
      scf.yield %scan3A_248 : i32
    }
    %scan3A_110 = arith.constant 19 : i32
    %dma_wait3A_111 = arith.constant 38 : i32
    %dma_wait3A_112 = arith.constant 0 : i32
    %dma_wait3A_113 = tpu.memref_slice %arg7[%dma_wait3A_111, %dma_wait3A_112] : memref<40x128xi32, #tpu.memory_space<vmem>> -> memref<1x128xi32, #tpu.memory_space<vmem>>
    %dma_wait3A_114 = tpu.memref_squeeze %dma_wait3A_113 : memref<1x128xi32, #tpu.memory_space<vmem>> -> memref<128xi32, #tpu.memory_space<vmem>>
    %dma_wait3A_115 = arith.constant 0 : i32
    %dma_wait3A_116 = arith.constant 0 : i32
    %dma_wait3A_117 = tpu.memref_slice %arg2[%arg0, %dma_wait3A_115, %dma_wait3A_116] : memref<2x10000x128xf32, #tpu.memory_space<hbm>> -> memref<1x10000x128xf32, #tpu.memory_space<hbm>>
    %dma_wait3A_118 = tpu.memref_squeeze %dma_wait3A_117 : memref<1x10000x128xf32, #tpu.memory_space<hbm>> -> memref<10000x128xf32, #tpu.memory_space<hbm>>
    %dma_wait3A_119 = arith.constant 0 : i32
    %dma_wait3A_120 = arith.constant 0 : i32
    %dma_wait3A_121 = tpu.memref_slice %dma_wait3A_118[%dma_wait3A_119, %dma_wait3A_120] : memref<10000x128xf32, #tpu.memory_space<hbm>> -> memref<10000x128xf32, #tpu.memory_space<hbm>>
    tpu.wait_indirect_dma semaphore(%arg11 : memref<!tpu.dma_semaphore, #tpu.memory_space<semaphore_mem>>) src(%dma_wait3A_121 : memref<10000x128xf32, #tpu.memory_space<hbm>>) dst(%arg9 : memref<128x128xf32, #tpu.memory_space<vmem>>)
    %dma_start3A_122 = arith.constant 38 : i32
    %dma_start3A_123 = arith.constant 0 : i32
    %dma_start3A_124 = tpu.memref_slice %arg8[%dma_start3A_122, %dma_start3A_123] : memref<40x128xi32, #tpu.memory_space<vmem>> -> memref<1x128xi32, #tpu.memory_space<vmem>>
    %dma_start3A_125 = tpu.memref_squeeze %dma_start3A_124 : memref<1x128xi32, #tpu.memory_space<vmem>> -> memref<128xi32, #tpu.memory_space<vmem>>
    %dma_start3A_126 = arith.constant 0 : i32
    %dma_start3A_127 = arith.constant 0 : i32
    %dma_start3A_128 = tpu.memref_slice %arg6[%dma_start3A_126, %dma_start3A_127] : memref<10016x128xf32, #tpu.memory_space<vmem_shared>> -> memref<10016x128xf32, #tpu.memory_space<vmem_shared>>
    tpu.enqueue_indirect_dma source(%arg9 : memref<128x128xf32, #tpu.memory_space<vmem>>) target(%dma_start3A_128 : memref<10016x128xf32, #tpu.memory_space<vmem_shared>>) offsets(%dma_start3A_125 : memref<128xi32, #tpu.memory_space<vmem>>) semaphore(%arg13 : memref<!tpu.dma_semaphore, #tpu.memory_space<semaphore_mem>>) {add = true}
    %dma_wait3A_129 = arith.constant 38 : i32
    %dma_wait3A_130 = arith.constant 0 : i32
    %dma_wait3A_131 = tpu.memref_slice %arg8[%dma_wait3A_129, %dma_wait3A_130] : memref<40x128xi32, #tpu.memory_space<vmem>> -> memref<1x128xi32, #tpu.memory_space<vmem>>
    %dma_wait3A_132 = tpu.memref_squeeze %dma_wait3A_131 : memref<1x128xi32, #tpu.memory_space<vmem>> -> memref<128xi32, #tpu.memory_space<vmem>>
    %dma_wait3A_133 = arith.constant 0 : i32
    %dma_wait3A_134 = arith.constant 0 : i32
    %dma_wait3A_135 = tpu.memref_slice %arg6[%dma_wait3A_133, %dma_wait3A_134] : memref<10016x128xf32, #tpu.memory_space<vmem_shared>> -> memref<10016x128xf32, #tpu.memory_space<vmem_shared>>
    tpu.wait_indirect_dma semaphore(%arg13 : memref<!tpu.dma_semaphore, #tpu.memory_space<semaphore_mem>>) src(%arg9 : memref<128x128xf32, #tpu.memory_space<vmem>>) dst(%dma_wait3A_135 : memref<10016x128xf32, #tpu.memory_space<vmem_shared>>)
    %dma_wait3A_136 = arith.constant 39 : i32
    %dma_wait3A_137 = arith.constant 0 : i32
    %dma_wait3A_138 = tpu.memref_slice %arg7[%dma_wait3A_136, %dma_wait3A_137] : memref<40x128xi32, #tpu.memory_space<vmem>> -> memref<1x128xi32, #tpu.memory_space<vmem>>
    %dma_wait3A_139 = tpu.memref_squeeze %dma_wait3A_138 : memref<1x128xi32, #tpu.memory_space<vmem>> -> memref<128xi32, #tpu.memory_space<vmem>>
    %dma_wait3A_140 = arith.constant 0 : i32
    %dma_wait3A_141 = arith.constant 0 : i32
    %dma_wait3A_142 = tpu.memref_slice %arg2[%arg0, %dma_wait3A_140, %dma_wait3A_141] : memref<2x10000x128xf32, #tpu.memory_space<hbm>> -> memref<1x10000x128xf32, #tpu.memory_space<hbm>>
    %dma_wait3A_143 = tpu.memref_squeeze %dma_wait3A_142 : memref<1x10000x128xf32, #tpu.memory_space<hbm>> -> memref<10000x128xf32, #tpu.memory_space<hbm>>
    %dma_wait3A_144 = arith.constant 0 : i32
    %dma_wait3A_145 = arith.constant 0 : i32
    %dma_wait3A_146 = tpu.memref_slice %dma_wait3A_143[%dma_wait3A_144, %dma_wait3A_145] : memref<10000x128xf32, #tpu.memory_space<hbm>> -> memref<10000x128xf32, #tpu.memory_space<hbm>>
    tpu.wait_indirect_dma semaphore(%arg12 : memref<!tpu.dma_semaphore, #tpu.memory_space<semaphore_mem>>) src(%dma_wait3A_146 : memref<10000x128xf32, #tpu.memory_space<hbm>>) dst(%arg10 : memref<128x128xf32, #tpu.memory_space<vmem>>)
    %dma_start3A_147 = arith.constant 39 : i32
    %dma_start3A_148 = arith.constant 0 : i32
    %dma_start3A_149 = tpu.memref_slice %arg8[%dma_start3A_147, %dma_start3A_148] : memref<40x128xi32, #tpu.memory_space<vmem>> -> memref<1x128xi32, #tpu.memory_space<vmem>>
    %dma_start3A_150 = tpu.memref_squeeze %dma_start3A_149 : memref<1x128xi32, #tpu.memory_space<vmem>> -> memref<128xi32, #tpu.memory_space<vmem>>
    %dma_start3A_151 = arith.constant 0 : i32
    %dma_start3A_152 = arith.constant 0 : i32
    %dma_start3A_153 = tpu.memref_slice %arg6[%dma_start3A_151, %dma_start3A_152] : memref<10016x128xf32, #tpu.memory_space<vmem_shared>> -> memref<10016x128xf32, #tpu.memory_space<vmem_shared>>
    tpu.enqueue_indirect_dma source(%arg10 : memref<128x128xf32, #tpu.memory_space<vmem>>) target(%dma_start3A_153 : memref<10016x128xf32, #tpu.memory_space<vmem_shared>>) offsets(%dma_start3A_150 : memref<128xi32, #tpu.memory_space<vmem>>) semaphore(%arg14 : memref<!tpu.dma_semaphore, #tpu.memory_space<semaphore_mem>>) {add = true}
    %dma_wait3A_154 = arith.constant 39 : i32
    %dma_wait3A_155 = arith.constant 0 : i32
    %dma_wait3A_156 = tpu.memref_slice %arg8[%dma_wait3A_154, %dma_wait3A_155] : memref<40x128xi32, #tpu.memory_space<vmem>> -> memref<1x128xi32, #tpu.memory_space<vmem>>
    %dma_wait3A_157 = tpu.memref_squeeze %dma_wait3A_156 : memref<1x128xi32, #tpu.memory_space<vmem>> -> memref<128xi32, #tpu.memory_space<vmem>>
    %dma_wait3A_158 = arith.constant 0 : i32
    %dma_wait3A_159 = arith.constant 0 : i32
    %dma_wait3A_160 = tpu.memref_slice %arg6[%dma_wait3A_158, %dma_wait3A_159] : memref<10016x128xf32, #tpu.memory_space<vmem_shared>> -> memref<10016x128xf32, #tpu.memory_space<vmem_shared>>
    tpu.wait_indirect_dma semaphore(%arg14 : memref<!tpu.dma_semaphore, #tpu.memory_space<semaphore_mem>>) src(%arg10 : memref<128x128xf32, #tpu.memory_space<vmem>>) dst(%dma_wait3A_160 : memref<10016x128xf32, #tpu.memory_space<vmem_shared>>)
    %barrier3A_161 = arith.constant 0 : index
    tpu.barrier barrier_id(%barrier3A_161)
    %lt3A_162 = arith.constant 15 : i32
    %lt3A_163 = arith.cmpi slt, %arg1, %lt3A_162 : i32
    %convert_element_type3A_164 = arith.extui %lt3A_163 : i1 to i32
    %cond3A_165 = arith.constant 0 : i32
    %cond3A_166 = arith.cmpi ne, %convert_element_type3A_164, %cond3A_165 : i32
    scf.if %cond3A_166 {
      %mul3A = arith.constant 640 : i32
      %mul3A_172 = arith.muli %arg1, %mul3A : i32
      %mul3A_173 = arith.constant 640 : i32
      %mul3A_174 = arith.muli %arg1, %mul3A_173 : i32
      "tpu.region"() ({
        %run_scoped3A = tpu.sem_alloc : memref<!tpu.dma_semaphore, #tpu.memory_space<semaphore_mem>>
        %dma_start3A_175 = arith.constant 0 : i32
        %dma_start3A_176 = arith.constant 0 : i32
        %dma_start3A_177 = tpu.memref_slice %arg5[%arg0, %dma_start3A_175, %dma_start3A_176] : memref<2x10000x128xf32, #tpu.memory_space<hbm>> -> memref<1x10000x128xf32, #tpu.memory_space<hbm>>
        %dma_start3A_178 = tpu.memref_squeeze %dma_start3A_177 : memref<1x10000x128xf32, #tpu.memory_space<hbm>> -> memref<10000x128xf32, #tpu.memory_space<hbm>>
        %dma_start3A_179 = arith.constant 0 : i32
        %dma_start3A_180 = tpu.memref_slice %dma_start3A_178[%mul3A_174, %dma_start3A_179] : memref<10000x128xf32, #tpu.memory_space<hbm>> -> memref<640x128xf32, #tpu.memory_space<hbm>>
        %dma_start3A_181 = arith.constant 0 : i32
        %dma_start3A_182 = tpu.memref_slice %arg6[%mul3A_172, %dma_start3A_181] : memref<10016x128xf32, #tpu.memory_space<vmem_shared>> -> memref<640x128xf32, #tpu.memory_space<vmem_shared>>
        tpu.enqueue_dma source(%dma_start3A_182 : memref<640x128xf32, #tpu.memory_space<vmem_shared>>) target(%dma_start3A_180 : memref<640x128xf32, #tpu.memory_space<hbm>>) target_semaphore(%run_scoped3A : memref<!tpu.dma_semaphore, #tpu.memory_space<semaphore_mem>>)
        %dma_wait3A_183 = arith.constant 0 : i32
        %dma_wait3A_184 = arith.constant 0 : i32
        %dma_wait3A_185 = tpu.memref_slice %arg5[%arg0, %dma_wait3A_183, %dma_wait3A_184] : memref<2x10000x128xf32, #tpu.memory_space<hbm>> -> memref<1x10000x128xf32, #tpu.memory_space<hbm>>
        %dma_wait3A_186 = tpu.memref_squeeze %dma_wait3A_185 : memref<1x10000x128xf32, #tpu.memory_space<hbm>> -> memref<10000x128xf32, #tpu.memory_space<hbm>>
        %dma_wait3A_187 = arith.constant 0 : i32
        %dma_wait3A_188 = tpu.memref_slice %dma_wait3A_186[%mul3A_174, %dma_wait3A_187] : memref<10000x128xf32, #tpu.memory_space<hbm>> -> memref<640x128xf32, #tpu.memory_space<hbm>>
        %dma_wait3A_189 = arith.constant 0 : i32
        %dma_wait3A_190 = tpu.memref_slice %arg6[%mul3A_172, %dma_wait3A_189] : memref<10016x128xf32, #tpu.memory_space<vmem_shared>> -> memref<640x128xf32, #tpu.memory_space<vmem_shared>>
        tpu.wait_dma2 semaphore(%run_scoped3A : memref<!tpu.dma_semaphore, #tpu.memory_space<semaphore_mem>>) src(%dma_wait3A_190 : memref<640x128xf32, #tpu.memory_space<vmem_shared>>) dst(%dma_wait3A_188 : memref<640x128xf32, #tpu.memory_space<hbm>>)
        tpu.yield
      }) : () -> ()
    } else {
    }
    %eq3A_167 = arith.constant 15 : i32
    %eq3A_168 = arith.cmpi eq, %arg1, %eq3A_167 : i32
    %convert_element_type3A_169 = arith.extui %eq3A_168 : i1 to i32
    %cond3A_170 = arith.constant 0 : i32
    %cond3A_171 = arith.cmpi ne, %convert_element_type3A_169, %cond3A_170 : i32
    scf.if %cond3A_171 {
      %mul3A = arith.constant 640 : i32
      %mul3A_172 = arith.muli %arg1, %mul3A : i32
      %mul3A_173 = arith.constant 640 : i32
      %mul3A_174 = arith.muli %arg1, %mul3A_173 : i32
      "tpu.region"() ({
        %run_scoped3A = tpu.sem_alloc : memref<!tpu.dma_semaphore, #tpu.memory_space<semaphore_mem>>
        %dma_start3A_175 = arith.constant 0 : i32
        %dma_start3A_176 = arith.constant 0 : i32
        %dma_start3A_177 = tpu.memref_slice %arg5[%arg0, %dma_start3A_175, %dma_start3A_176] : memref<2x10000x128xf32, #tpu.memory_space<hbm>> -> memref<1x10000x128xf32, #tpu.memory_space<hbm>>
        %dma_start3A_178 = tpu.memref_squeeze %dma_start3A_177 : memref<1x10000x128xf32, #tpu.memory_space<hbm>> -> memref<10000x128xf32, #tpu.memory_space<hbm>>
        %dma_start3A_179 = arith.constant 0 : i32
        %dma_start3A_180 = tpu.memref_slice %dma_start3A_178[%mul3A_174, %dma_start3A_179] : memref<10000x128xf32, #tpu.memory_space<hbm>> -> memref<400x128xf32, #tpu.memory_space<hbm>>
        %dma_start3A_181 = arith.constant 0 : i32
        %dma_start3A_182 = tpu.memref_slice %arg6[%mul3A_172, %dma_start3A_181] : memref<10016x128xf32, #tpu.memory_space<vmem_shared>> -> memref<400x128xf32, #tpu.memory_space<vmem_shared>>
        tpu.enqueue_dma source(%dma_start3A_182 : memref<400x128xf32, #tpu.memory_space<vmem_shared>>) target(%dma_start3A_180 : memref<400x128xf32, #tpu.memory_space<hbm>>) target_semaphore(%run_scoped3A : memref<!tpu.dma_semaphore, #tpu.memory_space<semaphore_mem>>)
        %dma_wait3A_183 = arith.constant 0 : i32
        %dma_wait3A_184 = arith.constant 0 : i32
        %dma_wait3A_185 = tpu.memref_slice %arg5[%arg0, %dma_wait3A_183, %dma_wait3A_184] : memref<2x10000x128xf32, #tpu.memory_space<hbm>> -> memref<1x10000x128xf32, #tpu.memory_space<hbm>>
        %dma_wait3A_186 = tpu.memref_squeeze %dma_wait3A_185 : memref<1x10000x128xf32, #tpu.memory_space<hbm>> -> memref<10000x128xf32, #tpu.memory_space<hbm>>
        %dma_wait3A_187 = arith.constant 0 : i32
        %dma_wait3A_188 = tpu.memref_slice %dma_wait3A_186[%mul3A_174, %dma_wait3A_187] : memref<10000x128xf32, #tpu.memory_space<hbm>> -> memref<400x128xf32, #tpu.memory_space<hbm>>
        %dma_wait3A_189 = arith.constant 0 : i32
        %dma_wait3A_190 = tpu.memref_slice %arg6[%mul3A_172, %dma_wait3A_189] : memref<10016x128xf32, #tpu.memory_space<vmem_shared>> -> memref<400x128xf32, #tpu.memory_space<vmem_shared>>
        tpu.wait_dma2 semaphore(%run_scoped3A : memref<!tpu.dma_semaphore, #tpu.memory_space<semaphore_mem>>) src(%dma_wait3A_190 : memref<400x128xf32, #tpu.memory_space<vmem_shared>>) dst(%dma_wait3A_188 : memref<400x128xf32, #tpu.memory_space<hbm>>)
        tpu.yield
      }) : () -> ()
    } else {
    }
    return
  }
}

#map = affine_map<(d0, d1) -> (0, 0, 0)>
module attributes {stable_mosaic.version = 14 : i64} {
  func.func @_agg_body(%arg0: i32, %arg1: i32, %arg2: memref<2x10000x128xf32, #tpu.memory_space<hbm>>, %arg3: memref<16x80x128xi32, #tpu.memory_space<hbm>>, %arg4: memref<16x80x128xi32, #tpu.memory_space<hbm>>, %arg5: memref<2x10000x128xf32, #tpu.memory_space<hbm>>, %arg6: memref<10016x128xf32, #tpu.memory_space<vmem_shared>>, %arg7: memref<40x128xi32, #tpu.memory_space<vmem>>, %arg8: memref<40x128xi32, #tpu.memory_space<vmem>>, %arg9: memref<128x128xf32, #tpu.memory_space<vmem>>, %arg10: memref<128x128xf32, #tpu.memory_space<vmem>>, %arg11: memref<!tpu.dma_semaphore, #tpu.memory_space<semaphore_mem>>, %arg12: memref<!tpu.dma_semaphore, #tpu.memory_space<semaphore_mem>>, %arg13: memref<!tpu.dma_semaphore, #tpu.memory_space<semaphore_mem>>, %arg14: memref<!tpu.dma_semaphore, #tpu.memory_space<semaphore_mem>>) attributes {dimension_semantics = [#tpu.dimension_semantics<core_parallel>, #tpu.dimension_semantics<subcore_parallel>], iteration_bounds = array<i64: 2, 16>, scalar_prefetch = 0 : i64, scratch_operands = 9 : i64, tpu.core_type = #tpu.core_type<sc_vector_subcore>, window_params = [{transform_indices = #map}, {transform_indices = #map}, {transform_indices = #map}, {transform_indices = #map}]} {
    %lt3A = arith.constant 15 : i32
    %lt3A_0 = arith.cmpi slt, %arg1, %lt3A : i32
    %convert_element_type3A = arith.extui %lt3A_0 : i1 to i32
    %cond3A = arith.constant 0 : i32
    %cond3A_1 = arith.cmpi ne, %convert_element_type3A, %cond3A : i32
    scf.if %cond3A_1 {
      %mul3A = arith.constant 640 : i32
      %mul3A_172 = arith.muli %arg1, %mul3A : i32
      %mul3A_173 = arith.constant 640 : i32
      %mul3A_174 = arith.muli %arg1, %mul3A_173 : i32
      "tpu.region"() ({
        %run_scoped3A = tpu.sem_alloc : memref<!tpu.dma_semaphore, #tpu.memory_space<semaphore_mem>>
        %dma_start3A_175 = arith.constant 0 : i32
        %dma_start3A_176 = tpu.memref_slice %arg6[%mul3A_174, %dma_start3A_175] : memref<10016x128xf32, #tpu.memory_space<vmem_shared>> -> memref<640x128xf32, #tpu.memory_space<vmem_shared>>
        %dma_start3A_177 = arith.constant 0 : i32
        %dma_start3A_178 = arith.constant 0 : i32
        %dma_start3A_179 = tpu.memref_slice %arg2[%arg0, %dma_start3A_177, %dma_start3A_178] : memref<2x10000x128xf32, #tpu.memory_space<hbm>> -> memref<1x10000x128xf32, #tpu.memory_space<hbm>>
        %dma_start3A_180 = tpu.memref_squeeze %dma_start3A_179 : memref<1x10000x128xf32, #tpu.memory_space<hbm>> -> memref<10000x128xf32, #tpu.memory_space<hbm>>
        %dma_start3A_181 = arith.constant 0 : i32
        %dma_start3A_182 = tpu.memref_slice %dma_start3A_180[%mul3A_172, %dma_start3A_181] : memref<10000x128xf32, #tpu.memory_space<hbm>> -> memref<640x128xf32, #tpu.memory_space<hbm>>
        tpu.enqueue_dma source(%dma_start3A_182 : memref<640x128xf32, #tpu.memory_space<hbm>>) target(%dma_start3A_176 : memref<640x128xf32, #tpu.memory_space<vmem_shared>>) target_semaphore(%run_scoped3A : memref<!tpu.dma_semaphore, #tpu.memory_space<semaphore_mem>>)
        %dma_wait3A_183 = arith.constant 0 : i32
        %dma_wait3A_184 = tpu.memref_slice %arg6[%mul3A_174, %dma_wait3A_183] : memref<10016x128xf32, #tpu.memory_space<vmem_shared>> -> memref<640x128xf32, #tpu.memory_space<vmem_shared>>
        %dma_wait3A_185 = arith.constant 0 : i32
        %dma_wait3A_186 = arith.constant 0 : i32
        %dma_wait3A_187 = tpu.memref_slice %arg2[%arg0, %dma_wait3A_185, %dma_wait3A_186] : memref<2x10000x128xf32, #tpu.memory_space<hbm>> -> memref<1x10000x128xf32, #tpu.memory_space<hbm>>
        %dma_wait3A_188 = tpu.memref_squeeze %dma_wait3A_187 : memref<1x10000x128xf32, #tpu.memory_space<hbm>> -> memref<10000x128xf32, #tpu.memory_space<hbm>>
        %dma_wait3A_189 = arith.constant 0 : i32
        %dma_wait3A_190 = tpu.memref_slice %dma_wait3A_188[%mul3A_172, %dma_wait3A_189] : memref<10000x128xf32, #tpu.memory_space<hbm>> -> memref<640x128xf32, #tpu.memory_space<hbm>>
        tpu.wait_dma2 semaphore(%run_scoped3A : memref<!tpu.dma_semaphore, #tpu.memory_space<semaphore_mem>>) src(%dma_wait3A_190 : memref<640x128xf32, #tpu.memory_space<hbm>>) dst(%dma_wait3A_184 : memref<640x128xf32, #tpu.memory_space<vmem_shared>>)
        tpu.yield
      }) : () -> ()
    } else {
    }
    %eq3A = arith.constant 15 : i32
    %eq3A_2 = arith.cmpi eq, %arg1, %eq3A : i32
    %convert_element_type3A_3 = arith.extui %eq3A_2 : i1 to i32
    %cond3A_4 = arith.constant 0 : i32
    %cond3A_5 = arith.cmpi ne, %convert_element_type3A_3, %cond3A_4 : i32
    scf.if %cond3A_5 {
      %mul3A = arith.constant 640 : i32
      %mul3A_172 = arith.muli %arg1, %mul3A : i32
      %mul3A_173 = arith.constant 640 : i32
      %mul3A_174 = arith.muli %arg1, %mul3A_173 : i32
      "tpu.region"() ({
        %run_scoped3A = tpu.sem_alloc : memref<!tpu.dma_semaphore, #tpu.memory_space<semaphore_mem>>
        %dma_start3A_175 = arith.constant 0 : i32
        %dma_start3A_176 = tpu.memref_slice %arg6[%mul3A_174, %dma_start3A_175] : memref<10016x128xf32, #tpu.memory_space<vmem_shared>> -> memref<400x128xf32, #tpu.memory_space<vmem_shared>>
        %dma_start3A_177 = arith.constant 0 : i32
        %dma_start3A_178 = arith.constant 0 : i32
        %dma_start3A_179 = tpu.memref_slice %arg2[%arg0, %dma_start3A_177, %dma_start3A_178] : memref<2x10000x128xf32, #tpu.memory_space<hbm>> -> memref<1x10000x128xf32, #tpu.memory_space<hbm>>
        %dma_start3A_180 = tpu.memref_squeeze %dma_start3A_179 : memref<1x10000x128xf32, #tpu.memory_space<hbm>> -> memref<10000x128xf32, #tpu.memory_space<hbm>>
        %dma_start3A_181 = arith.constant 0 : i32
        %dma_start3A_182 = tpu.memref_slice %dma_start3A_180[%mul3A_172, %dma_start3A_181] : memref<10000x128xf32, #tpu.memory_space<hbm>> -> memref<400x128xf32, #tpu.memory_space<hbm>>
        tpu.enqueue_dma source(%dma_start3A_182 : memref<400x128xf32, #tpu.memory_space<hbm>>) target(%dma_start3A_176 : memref<400x128xf32, #tpu.memory_space<vmem_shared>>) target_semaphore(%run_scoped3A : memref<!tpu.dma_semaphore, #tpu.memory_space<semaphore_mem>>)
        %dma_wait3A_183 = arith.constant 0 : i32
        %dma_wait3A_184 = tpu.memref_slice %arg6[%mul3A_174, %dma_wait3A_183] : memref<10016x128xf32, #tpu.memory_space<vmem_shared>> -> memref<400x128xf32, #tpu.memory_space<vmem_shared>>
        %dma_wait3A_185 = arith.constant 0 : i32
        %dma_wait3A_186 = arith.constant 0 : i32
        %dma_wait3A_187 = tpu.memref_slice %arg2[%arg0, %dma_wait3A_185, %dma_wait3A_186] : memref<2x10000x128xf32, #tpu.memory_space<hbm>> -> memref<1x10000x128xf32, #tpu.memory_space<hbm>>
        %dma_wait3A_188 = tpu.memref_squeeze %dma_wait3A_187 : memref<1x10000x128xf32, #tpu.memory_space<hbm>> -> memref<10000x128xf32, #tpu.memory_space<hbm>>
        %dma_wait3A_189 = arith.constant 0 : i32
        %dma_wait3A_190 = tpu.memref_slice %dma_wait3A_188[%mul3A_172, %dma_wait3A_189] : memref<10000x128xf32, #tpu.memory_space<hbm>> -> memref<400x128xf32, #tpu.memory_space<hbm>>
        tpu.wait_dma2 semaphore(%run_scoped3A : memref<!tpu.dma_semaphore, #tpu.memory_space<semaphore_mem>>) src(%dma_wait3A_190 : memref<400x128xf32, #tpu.memory_space<hbm>>) dst(%dma_wait3A_184 : memref<400x128xf32, #tpu.memory_space<vmem_shared>>)
        tpu.yield
      }) : () -> ()
    } else {
    }
    %barrier3A = arith.constant 0 : index
    tpu.barrier barrier_id(%barrier3A)
    "tpu.region"() ({
      %run_scoped3A = tpu.sem_alloc : memref<!tpu.dma_semaphore, #tpu.memory_space<semaphore_mem>>
      %dma_start3A_172 = arith.constant 0 : i32
      %dma_start3A_173 = arith.constant 0 : i32
      %dma_start3A_174 = tpu.memref_slice %arg3[%arg1, %dma_start3A_172, %dma_start3A_173] : memref<16x80x128xi32, #tpu.memory_space<hbm>> -> memref<1x80x128xi32, #tpu.memory_space<hbm>>
      %dma_start3A_175 = tpu.memref_squeeze %dma_start3A_174 : memref<1x80x128xi32, #tpu.memory_space<hbm>> -> memref<80x128xi32, #tpu.memory_space<hbm>>
      %dma_start3A_176 = arith.constant 0 : i32
      %dma_start3A_177 = arith.constant 0 : i32
      %dma_start3A_178 = tpu.memref_slice %dma_start3A_175[%dma_start3A_176, %dma_start3A_177] : memref<80x128xi32, #tpu.memory_space<hbm>> -> memref<40x128xi32, #tpu.memory_space<hbm>>
      %dma_start3A_179 = arith.constant 0 : i32
      %dma_start3A_180 = arith.constant 0 : i32
      %dma_start3A_181 = tpu.memref_slice %arg3[%arg1, %dma_start3A_179, %dma_start3A_180] : memref<16x80x128xi32, #tpu.memory_space<hbm>> -> memref<1x80x128xi32, #tpu.memory_space<hbm>>
      %dma_start3A_182 = tpu.memref_squeeze %dma_start3A_181 : memref<1x80x128xi32, #tpu.memory_space<hbm>> -> memref<80x128xi32, #tpu.memory_space<hbm>>
      %dma_start3A_183 = arith.constant 0 : i32
      %dma_start3A_184 = arith.constant 0 : i32
      %dma_start3A_185 = tpu.memref_slice %dma_start3A_182[%dma_start3A_183, %dma_start3A_184] : memref<80x128xi32, #tpu.memory_space<hbm>> -> memref<40x128xi32, #tpu.memory_space<hbm>>
      tpu.enqueue_dma source(%dma_start3A_185 : memref<40x128xi32, #tpu.memory_space<hbm>>) target(%arg7 : memref<40x128xi32, #tpu.memory_space<vmem>>) target_semaphore(%run_scoped3A : memref<!tpu.dma_semaphore, #tpu.memory_space<semaphore_mem>>)
      %dma_wait3A_186 = arith.constant 0 : i32
      %dma_wait3A_187 = arith.constant 0 : i32
      %dma_wait3A_188 = tpu.memref_slice %arg3[%arg1, %dma_wait3A_186, %dma_wait3A_187] : memref<16x80x128xi32, #tpu.memory_space<hbm>> -> memref<1x80x128xi32, #tpu.memory_space<hbm>>
      %dma_wait3A_189 = tpu.memref_squeeze %dma_wait3A_188 : memref<1x80x128xi32, #tpu.memory_space<hbm>> -> memref<80x128xi32, #tpu.memory_space<hbm>>
      %dma_wait3A_190 = arith.constant 0 : i32
      %dma_wait3A_191 = arith.constant 0 : i32
      %dma_wait3A_192 = tpu.memref_slice %dma_wait3A_189[%dma_wait3A_190, %dma_wait3A_191] : memref<80x128xi32, #tpu.memory_space<hbm>> -> memref<40x128xi32, #tpu.memory_space<hbm>>
      %dma_wait3A_193 = arith.constant 0 : i32
      %dma_wait3A_194 = arith.constant 0 : i32
      %dma_wait3A_195 = tpu.memref_slice %arg3[%arg1, %dma_wait3A_193, %dma_wait3A_194] : memref<16x80x128xi32, #tpu.memory_space<hbm>> -> memref<1x80x128xi32, #tpu.memory_space<hbm>>
      %dma_wait3A_196 = tpu.memref_squeeze %dma_wait3A_195 : memref<1x80x128xi32, #tpu.memory_space<hbm>> -> memref<80x128xi32, #tpu.memory_space<hbm>>
      %dma_wait3A_197 = arith.constant 0 : i32
      %dma_wait3A_198 = arith.constant 0 : i32
      %dma_wait3A_199 = tpu.memref_slice %dma_wait3A_196[%dma_wait3A_197, %dma_wait3A_198] : memref<80x128xi32, #tpu.memory_space<hbm>> -> memref<40x128xi32, #tpu.memory_space<hbm>>
      tpu.wait_dma2 semaphore(%run_scoped3A : memref<!tpu.dma_semaphore, #tpu.memory_space<semaphore_mem>>) src(%dma_wait3A_199 : memref<40x128xi32, #tpu.memory_space<hbm>>) dst(%arg7 : memref<40x128xi32, #tpu.memory_space<vmem>>)
      tpu.yield
    }) : () -> ()
    "tpu.region"() ({
      %run_scoped3A = tpu.sem_alloc : memref<!tpu.dma_semaphore, #tpu.memory_space<semaphore_mem>>
      %dma_start3A_172 = arith.constant 0 : i32
      %dma_start3A_173 = arith.constant 0 : i32
      %dma_start3A_174 = tpu.memref_slice %arg4[%arg1, %dma_start3A_172, %dma_start3A_173] : memref<16x80x128xi32, #tpu.memory_space<hbm>> -> memref<1x80x128xi32, #tpu.memory_space<hbm>>
      %dma_start3A_175 = tpu.memref_squeeze %dma_start3A_174 : memref<1x80x128xi32, #tpu.memory_space<hbm>> -> memref<80x128xi32, #tpu.memory_space<hbm>>
      %dma_start3A_176 = arith.constant 0 : i32
      %dma_start3A_177 = arith.constant 0 : i32
      %dma_start3A_178 = tpu.memref_slice %dma_start3A_175[%dma_start3A_176, %dma_start3A_177] : memref<80x128xi32, #tpu.memory_space<hbm>> -> memref<40x128xi32, #tpu.memory_space<hbm>>
      %dma_start3A_179 = arith.constant 0 : i32
      %dma_start3A_180 = arith.constant 0 : i32
      %dma_start3A_181 = tpu.memref_slice %arg4[%arg1, %dma_start3A_179, %dma_start3A_180] : memref<16x80x128xi32, #tpu.memory_space<hbm>> -> memref<1x80x128xi32, #tpu.memory_space<hbm>>
      %dma_start3A_182 = tpu.memref_squeeze %dma_start3A_181 : memref<1x80x128xi32, #tpu.memory_space<hbm>> -> memref<80x128xi32, #tpu.memory_space<hbm>>
      %dma_start3A_183 = arith.constant 0 : i32
      %dma_start3A_184 = arith.constant 0 : i32
      %dma_start3A_185 = tpu.memref_slice %dma_start3A_182[%dma_start3A_183, %dma_start3A_184] : memref<80x128xi32, #tpu.memory_space<hbm>> -> memref<40x128xi32, #tpu.memory_space<hbm>>
      tpu.enqueue_dma source(%dma_start3A_185 : memref<40x128xi32, #tpu.memory_space<hbm>>) target(%arg8 : memref<40x128xi32, #tpu.memory_space<vmem>>) target_semaphore(%run_scoped3A : memref<!tpu.dma_semaphore, #tpu.memory_space<semaphore_mem>>)
      %dma_wait3A_186 = arith.constant 0 : i32
      %dma_wait3A_187 = arith.constant 0 : i32
      %dma_wait3A_188 = tpu.memref_slice %arg4[%arg1, %dma_wait3A_186, %dma_wait3A_187] : memref<16x80x128xi32, #tpu.memory_space<hbm>> -> memref<1x80x128xi32, #tpu.memory_space<hbm>>
      %dma_wait3A_189 = tpu.memref_squeeze %dma_wait3A_188 : memref<1x80x128xi32, #tpu.memory_space<hbm>> -> memref<80x128xi32, #tpu.memory_space<hbm>>
      %dma_wait3A_190 = arith.constant 0 : i32
      %dma_wait3A_191 = arith.constant 0 : i32
      %dma_wait3A_192 = tpu.memref_slice %dma_wait3A_189[%dma_wait3A_190, %dma_wait3A_191] : memref<80x128xi32, #tpu.memory_space<hbm>> -> memref<40x128xi32, #tpu.memory_space<hbm>>
      %dma_wait3A_193 = arith.constant 0 : i32
      %dma_wait3A_194 = arith.constant 0 : i32
      %dma_wait3A_195 = tpu.memref_slice %arg4[%arg1, %dma_wait3A_193, %dma_wait3A_194] : memref<16x80x128xi32, #tpu.memory_space<hbm>> -> memref<1x80x128xi32, #tpu.memory_space<hbm>>
      %dma_wait3A_196 = tpu.memref_squeeze %dma_wait3A_195 : memref<1x80x128xi32, #tpu.memory_space<hbm>> -> memref<80x128xi32, #tpu.memory_space<hbm>>
      %dma_wait3A_197 = arith.constant 0 : i32
      %dma_wait3A_198 = arith.constant 0 : i32
      %dma_wait3A_199 = tpu.memref_slice %dma_wait3A_196[%dma_wait3A_197, %dma_wait3A_198] : memref<80x128xi32, #tpu.memory_space<hbm>> -> memref<40x128xi32, #tpu.memory_space<hbm>>
      tpu.wait_dma2 semaphore(%run_scoped3A : memref<!tpu.dma_semaphore, #tpu.memory_space<semaphore_mem>>) src(%dma_wait3A_199 : memref<40x128xi32, #tpu.memory_space<hbm>>) dst(%arg8 : memref<40x128xi32, #tpu.memory_space<vmem>>)
      tpu.yield
    }) : () -> ()
    %dma_start3A = arith.constant 0 : i32
    %dma_start3A_6 = arith.constant 0 : i32
    %dma_start3A_7 = tpu.memref_slice %arg7[%dma_start3A, %dma_start3A_6] : memref<40x128xi32, #tpu.memory_space<vmem>> -> memref<1x128xi32, #tpu.memory_space<vmem>>
    %dma_start3A_8 = tpu.memref_squeeze %dma_start3A_7 : memref<1x128xi32, #tpu.memory_space<vmem>> -> memref<128xi32, #tpu.memory_space<vmem>>
    %dma_start3A_9 = arith.constant 0 : i32
    %dma_start3A_10 = arith.constant 0 : i32
    %dma_start3A_11 = tpu.memref_slice %arg2[%arg0, %dma_start3A_9, %dma_start3A_10] : memref<2x10000x128xf32, #tpu.memory_space<hbm>> -> memref<1x10000x128xf32, #tpu.memory_space<hbm>>
    %dma_start3A_12 = tpu.memref_squeeze %dma_start3A_11 : memref<1x10000x128xf32, #tpu.memory_space<hbm>> -> memref<10000x128xf32, #tpu.memory_space<hbm>>
    %dma_start3A_13 = arith.constant 0 : i32
    %dma_start3A_14 = arith.constant 0 : i32
    %dma_start3A_15 = tpu.memref_slice %dma_start3A_12[%dma_start3A_13, %dma_start3A_14] : memref<10000x128xf32, #tpu.memory_space<hbm>> -> memref<10000x128xf32, #tpu.memory_space<hbm>>
    tpu.enqueue_indirect_dma source(%dma_start3A_15 : memref<10000x128xf32, #tpu.memory_space<hbm>>) target(%arg9 : memref<128x128xf32, #tpu.memory_space<vmem>>) offsets(%dma_start3A_8 : memref<128xi32, #tpu.memory_space<vmem>>) semaphore(%arg11 : memref<!tpu.dma_semaphore, #tpu.memory_space<semaphore_mem>>)
    %dma_start3A_16 = arith.constant 1 : i32
    %dma_start3A_17 = arith.constant 0 : i32
    %dma_start3A_18 = tpu.memref_slice %arg7[%dma_start3A_16, %dma_start3A_17] : memref<40x128xi32, #tpu.memory_space<vmem>> -> memref<1x128xi32, #tpu.memory_space<vmem>>
    %dma_start3A_19 = tpu.memref_squeeze %dma_start3A_18 : memref<1x128xi32, #tpu.memory_space<vmem>> -> memref<128xi32, #tpu.memory_space<vmem>>
    %dma_start3A_20 = arith.constant 0 : i32
    %dma_start3A_21 = arith.constant 0 : i32
    %dma_start3A_22 = tpu.memref_slice %arg2[%arg0, %dma_start3A_20, %dma_start3A_21] : memref<2x10000x128xf32, #tpu.memory_space<hbm>> -> memref<1x10000x128xf32, #tpu.memory_space<hbm>>
    %dma_start3A_23 = tpu.memref_squeeze %dma_start3A_22 : memref<1x10000x128xf32, #tpu.memory_space<hbm>> -> memref<10000x128xf32, #tpu.memory_space<hbm>>
    %dma_start3A_24 = arith.constant 0 : i32
    %dma_start3A_25 = arith.constant 0 : i32
    %dma_start3A_26 = tpu.memref_slice %dma_start3A_23[%dma_start3A_24, %dma_start3A_25] : memref<10000x128xf32, #tpu.memory_space<hbm>> -> memref<10000x128xf32, #tpu.memory_space<hbm>>
    tpu.enqueue_indirect_dma source(%dma_start3A_26 : memref<10000x128xf32, #tpu.memory_space<hbm>>) target(%arg10 : memref<128x128xf32, #tpu.memory_space<vmem>>) offsets(%dma_start3A_19 : memref<128xi32, #tpu.memory_space<vmem>>) semaphore(%arg12 : memref<!tpu.dma_semaphore, #tpu.memory_space<semaphore_mem>>)
    %scan3A = arith.constant 0 : i32
    %scan3A_27 = arith.constant 0 : i32
    %scan3A_28 = arith.constant 19 : i32
    %scan3A_29 = arith.addi %scan3A_27, %scan3A_28 : i32
    %scan3A_30 = arith.constant 1 : i32
    %scan3A_31 = scf.for %scan3A_172 = %scan3A_27 to %scan3A_29 step %scan3A_30 iter_args(%scan3A_173 = %scan3A) -> (i32)  : i32 {
      %mul3A = arith.constant 2 : i32
      %mul3A_174 = arith.muli %mul3A, %scan3A_172 : i32
      %add3A = arith.constant 0 : i32
      %add3A_175 = arith.addi %mul3A_174, %add3A : i32
      %dma_wait3A_176 = arith.constant 0 : i32
      %dma_wait3A_177 = tpu.memref_slice %arg7[%add3A_175, %dma_wait3A_176] : memref<40x128xi32, #tpu.memory_space<vmem>> -> memref<1x128xi32, #tpu.memory_space<vmem>>
      %dma_wait3A_178 = tpu.memref_squeeze %dma_wait3A_177 : memref<1x128xi32, #tpu.memory_space<vmem>> -> memref<128xi32, #tpu.memory_space<vmem>>
      %dma_wait3A_179 = arith.constant 0 : i32
      %dma_wait3A_180 = arith.constant 0 : i32
      %dma_wait3A_181 = tpu.memref_slice %arg2[%arg0, %dma_wait3A_179, %dma_wait3A_180] : memref<2x10000x128xf32, #tpu.memory_space<hbm>> -> memref<1x10000x128xf32, #tpu.memory_space<hbm>>
      %dma_wait3A_182 = tpu.memref_squeeze %dma_wait3A_181 : memref<1x10000x128xf32, #tpu.memory_space<hbm>> -> memref<10000x128xf32, #tpu.memory_space<hbm>>
      %dma_wait3A_183 = arith.constant 0 : i32
      %dma_wait3A_184 = arith.constant 0 : i32
      %dma_wait3A_185 = tpu.memref_slice %dma_wait3A_182[%dma_wait3A_183, %dma_wait3A_184] : memref<10000x128xf32, #tpu.memory_space<hbm>> -> memref<10000x128xf32, #tpu.memory_space<hbm>>
      tpu.wait_indirect_dma semaphore(%arg11 : memref<!tpu.dma_semaphore, #tpu.memory_space<semaphore_mem>>) src(%dma_wait3A_185 : memref<10000x128xf32, #tpu.memory_space<hbm>>) dst(%arg9 : memref<128x128xf32, #tpu.memory_space<vmem>>)
      %dma_start3A_186 = arith.constant 0 : i32
      %dma_start3A_187 = tpu.memref_slice %arg8[%add3A_175, %dma_start3A_186] : memref<40x128xi32, #tpu.memory_space<vmem>> -> memref<1x128xi32, #tpu.memory_space<vmem>>
      %dma_start3A_188 = tpu.memref_squeeze %dma_start3A_187 : memref<1x128xi32, #tpu.memory_space<vmem>> -> memref<128xi32, #tpu.memory_space<vmem>>
      %dma_start3A_189 = arith.constant 0 : i32
      %dma_start3A_190 = arith.constant 0 : i32
      %dma_start3A_191 = tpu.memref_slice %arg6[%dma_start3A_189, %dma_start3A_190] : memref<10016x128xf32, #tpu.memory_space<vmem_shared>> -> memref<10016x128xf32, #tpu.memory_space<vmem_shared>>
      tpu.enqueue_indirect_dma source(%arg9 : memref<128x128xf32, #tpu.memory_space<vmem>>) target(%dma_start3A_191 : memref<10016x128xf32, #tpu.memory_space<vmem_shared>>) offsets(%dma_start3A_188 : memref<128xi32, #tpu.memory_space<vmem>>) semaphore(%arg13 : memref<!tpu.dma_semaphore, #tpu.memory_space<semaphore_mem>>) {add = true}
      %dma_wait3A_192 = arith.constant 0 : i32
      %dma_wait3A_193 = tpu.memref_slice %arg8[%add3A_175, %dma_wait3A_192] : memref<40x128xi32, #tpu.memory_space<vmem>> -> memref<1x128xi32, #tpu.memory_space<vmem>>
      %dma_wait3A_194 = tpu.memref_squeeze %dma_wait3A_193 : memref<1x128xi32, #tpu.memory_space<vmem>> -> memref<128xi32, #tpu.memory_space<vmem>>
      %dma_wait3A_195 = arith.constant 0 : i32
      %dma_wait3A_196 = arith.constant 0 : i32
      %dma_wait3A_197 = tpu.memref_slice %arg6[%dma_wait3A_195, %dma_wait3A_196] : memref<10016x128xf32, #tpu.memory_space<vmem_shared>> -> memref<10016x128xf32, #tpu.memory_space<vmem_shared>>
      tpu.wait_indirect_dma semaphore(%arg13 : memref<!tpu.dma_semaphore, #tpu.memory_space<semaphore_mem>>) src(%arg9 : memref<128x128xf32, #tpu.memory_space<vmem>>) dst(%dma_wait3A_197 : memref<10016x128xf32, #tpu.memory_space<vmem_shared>>)
      %add3A_198 = arith.constant 2 : i32
      %add3A_199 = arith.addi %add3A_175, %add3A_198 : i32
      %dma_start3A_200 = arith.constant 0 : i32
      %dma_start3A_201 = tpu.memref_slice %arg7[%add3A_199, %dma_start3A_200] : memref<40x128xi32, #tpu.memory_space<vmem>> -> memref<1x128xi32, #tpu.memory_space<vmem>>
      %dma_start3A_202 = tpu.memref_squeeze %dma_start3A_201 : memref<1x128xi32, #tpu.memory_space<vmem>> -> memref<128xi32, #tpu.memory_space<vmem>>
      %dma_start3A_203 = arith.constant 0 : i32
      %dma_start3A_204 = arith.constant 0 : i32
      %dma_start3A_205 = tpu.memref_slice %arg2[%arg0, %dma_start3A_203, %dma_start3A_204] : memref<2x10000x128xf32, #tpu.memory_space<hbm>> -> memref<1x10000x128xf32, #tpu.memory_space<hbm>>
      %dma_start3A_206 = tpu.memref_squeeze %dma_start3A_205 : memref<1x10000x128xf32, #tpu.memory_space<hbm>> -> memref<10000x128xf32, #tpu.memory_space<hbm>>
      %dma_start3A_207 = arith.constant 0 : i32
      %dma_start3A_208 = arith.constant 0 : i32
      %dma_start3A_209 = tpu.memref_slice %dma_start3A_206[%dma_start3A_207, %dma_start3A_208] : memref<10000x128xf32, #tpu.memory_space<hbm>> -> memref<10000x128xf32, #tpu.memory_space<hbm>>
      tpu.enqueue_indirect_dma source(%dma_start3A_209 : memref<10000x128xf32, #tpu.memory_space<hbm>>) target(%arg9 : memref<128x128xf32, #tpu.memory_space<vmem>>) offsets(%dma_start3A_202 : memref<128xi32, #tpu.memory_space<vmem>>) semaphore(%arg11 : memref<!tpu.dma_semaphore, #tpu.memory_space<semaphore_mem>>)
      %mul3A_210 = arith.constant 2 : i32
      %mul3A_211 = arith.muli %mul3A_210, %scan3A_172 : i32
      %add3A_212 = arith.constant 1 : i32
      %add3A_213 = arith.addi %mul3A_211, %add3A_212 : i32
      %dma_wait3A_214 = arith.constant 0 : i32
      %dma_wait3A_215 = tpu.memref_slice %arg7[%add3A_213, %dma_wait3A_214] : memref<40x128xi32, #tpu.memory_space<vmem>> -> memref<1x128xi32, #tpu.memory_space<vmem>>
      %dma_wait3A_216 = tpu.memref_squeeze %dma_wait3A_215 : memref<1x128xi32, #tpu.memory_space<vmem>> -> memref<128xi32, #tpu.memory_space<vmem>>
      %dma_wait3A_217 = arith.constant 0 : i32
      %dma_wait3A_218 = arith.constant 0 : i32
      %dma_wait3A_219 = tpu.memref_slice %arg2[%arg0, %dma_wait3A_217, %dma_wait3A_218] : memref<2x10000x128xf32, #tpu.memory_space<hbm>> -> memref<1x10000x128xf32, #tpu.memory_space<hbm>>
      %dma_wait3A_220 = tpu.memref_squeeze %dma_wait3A_219 : memref<1x10000x128xf32, #tpu.memory_space<hbm>> -> memref<10000x128xf32, #tpu.memory_space<hbm>>
      %dma_wait3A_221 = arith.constant 0 : i32
      %dma_wait3A_222 = arith.constant 0 : i32
      %dma_wait3A_223 = tpu.memref_slice %dma_wait3A_220[%dma_wait3A_221, %dma_wait3A_222] : memref<10000x128xf32, #tpu.memory_space<hbm>> -> memref<10000x128xf32, #tpu.memory_space<hbm>>
      tpu.wait_indirect_dma semaphore(%arg12 : memref<!tpu.dma_semaphore, #tpu.memory_space<semaphore_mem>>) src(%dma_wait3A_223 : memref<10000x128xf32, #tpu.memory_space<hbm>>) dst(%arg10 : memref<128x128xf32, #tpu.memory_space<vmem>>)
      %dma_start3A_224 = arith.constant 0 : i32
      %dma_start3A_225 = tpu.memref_slice %arg8[%add3A_213, %dma_start3A_224] : memref<40x128xi32, #tpu.memory_space<vmem>> -> memref<1x128xi32, #tpu.memory_space<vmem>>
      %dma_start3A_226 = tpu.memref_squeeze %dma_start3A_225 : memref<1x128xi32, #tpu.memory_space<vmem>> -> memref<128xi32, #tpu.memory_space<vmem>>
      %dma_start3A_227 = arith.constant 0 : i32
      %dma_start3A_228 = arith.constant 0 : i32
      %dma_start3A_229 = tpu.memref_slice %arg6[%dma_start3A_227, %dma_start3A_228] : memref<10016x128xf32, #tpu.memory_space<vmem_shared>> -> memref<10016x128xf32, #tpu.memory_space<vmem_shared>>
      tpu.enqueue_indirect_dma source(%arg10 : memref<128x128xf32, #tpu.memory_space<vmem>>) target(%dma_start3A_229 : memref<10016x128xf32, #tpu.memory_space<vmem_shared>>) offsets(%dma_start3A_226 : memref<128xi32, #tpu.memory_space<vmem>>) semaphore(%arg14 : memref<!tpu.dma_semaphore, #tpu.memory_space<semaphore_mem>>) {add = true}
      %dma_wait3A_230 = arith.constant 0 : i32
      %dma_wait3A_231 = tpu.memref_slice %arg8[%add3A_213, %dma_wait3A_230] : memref<40x128xi32, #tpu.memory_space<vmem>> -> memref<1x128xi32, #tpu.memory_space<vmem>>
      %dma_wait3A_232 = tpu.memref_squeeze %dma_wait3A_231 : memref<1x128xi32, #tpu.memory_space<vmem>> -> memref<128xi32, #tpu.memory_space<vmem>>
      %dma_wait3A_233 = arith.constant 0 : i32
      %dma_wait3A_234 = arith.constant 0 : i32
      %dma_wait3A_235 = tpu.memref_slice %arg6[%dma_wait3A_233, %dma_wait3A_234] : memref<10016x128xf32, #tpu.memory_space<vmem_shared>> -> memref<10016x128xf32, #tpu.memory_space<vmem_shared>>
      tpu.wait_indirect_dma semaphore(%arg14 : memref<!tpu.dma_semaphore, #tpu.memory_space<semaphore_mem>>) src(%arg10 : memref<128x128xf32, #tpu.memory_space<vmem>>) dst(%dma_wait3A_235 : memref<10016x128xf32, #tpu.memory_space<vmem_shared>>)
      %add3A_236 = arith.constant 2 : i32
      %add3A_237 = arith.addi %add3A_213, %add3A_236 : i32
      %dma_start3A_238 = arith.constant 0 : i32
      %dma_start3A_239 = tpu.memref_slice %arg7[%add3A_237, %dma_start3A_238] : memref<40x128xi32, #tpu.memory_space<vmem>> -> memref<1x128xi32, #tpu.memory_space<vmem>>
      %dma_start3A_240 = tpu.memref_squeeze %dma_start3A_239 : memref<1x128xi32, #tpu.memory_space<vmem>> -> memref<128xi32, #tpu.memory_space<vmem>>
      %dma_start3A_241 = arith.constant 0 : i32
      %dma_start3A_242 = arith.constant 0 : i32
      %dma_start3A_243 = tpu.memref_slice %arg2[%arg0, %dma_start3A_241, %dma_start3A_242] : memref<2x10000x128xf32, #tpu.memory_space<hbm>> -> memref<1x10000x128xf32, #tpu.memory_space<hbm>>
      %dma_start3A_244 = tpu.memref_squeeze %dma_start3A_243 : memref<1x10000x128xf32, #tpu.memory_space<hbm>> -> memref<10000x128xf32, #tpu.memory_space<hbm>>
      %dma_start3A_245 = arith.constant 0 : i32
      %dma_start3A_246 = arith.constant 0 : i32
      %dma_start3A_247 = tpu.memref_slice %dma_start3A_244[%dma_start3A_245, %dma_start3A_246] : memref<10000x128xf32, #tpu.memory_space<hbm>> -> memref<10000x128xf32, #tpu.memory_space<hbm>>
      tpu.enqueue_indirect_dma source(%dma_start3A_247 : memref<10000x128xf32, #tpu.memory_space<hbm>>) target(%arg10 : memref<128x128xf32, #tpu.memory_space<vmem>>) offsets(%dma_start3A_240 : memref<128xi32, #tpu.memory_space<vmem>>) semaphore(%arg12 : memref<!tpu.dma_semaphore, #tpu.memory_space<semaphore_mem>>)
      %scan3A_248 = arith.constant 0 : i32
      scf.yield %scan3A_248 : i32
    }
    %scan3A_32 = arith.constant 19 : i32
    %dma_wait3A = arith.constant 38 : i32
    %dma_wait3A_33 = arith.constant 0 : i32
    %dma_wait3A_34 = tpu.memref_slice %arg7[%dma_wait3A, %dma_wait3A_33] : memref<40x128xi32, #tpu.memory_space<vmem>> -> memref<1x128xi32, #tpu.memory_space<vmem>>
    %dma_wait3A_35 = tpu.memref_squeeze %dma_wait3A_34 : memref<1x128xi32, #tpu.memory_space<vmem>> -> memref<128xi32, #tpu.memory_space<vmem>>
    %dma_wait3A_36 = arith.constant 0 : i32
    %dma_wait3A_37 = arith.constant 0 : i32
    %dma_wait3A_38 = tpu.memref_slice %arg2[%arg0, %dma_wait3A_36, %dma_wait3A_37] : memref<2x10000x128xf32, #tpu.memory_space<hbm>> -> memref<1x10000x128xf32, #tpu.memory_space<hbm>>
    %dma_wait3A_39 = tpu.memref_squeeze %dma_wait3A_38 : memref<1x10000x128xf32, #tpu.memory_space<hbm>> -> memref<10000x128xf32, #tpu.memory_space<hbm>>
    %dma_wait3A_40 = arith.constant 0 : i32
    %dma_wait3A_41 = arith.constant 0 : i32
    %dma_wait3A_42 = tpu.memref_slice %dma_wait3A_39[%dma_wait3A_40, %dma_wait3A_41] : memref<10000x128xf32, #tpu.memory_space<hbm>> -> memref<10000x128xf32, #tpu.memory_space<hbm>>
    tpu.wait_indirect_dma semaphore(%arg11 : memref<!tpu.dma_semaphore, #tpu.memory_space<semaphore_mem>>) src(%dma_wait3A_42 : memref<10000x128xf32, #tpu.memory_space<hbm>>) dst(%arg9 : memref<128x128xf32, #tpu.memory_space<vmem>>)
    %dma_start3A_43 = arith.constant 38 : i32
    %dma_start3A_44 = arith.constant 0 : i32
    %dma_start3A_45 = tpu.memref_slice %arg8[%dma_start3A_43, %dma_start3A_44] : memref<40x128xi32, #tpu.memory_space<vmem>> -> memref<1x128xi32, #tpu.memory_space<vmem>>
    %dma_start3A_46 = tpu.memref_squeeze %dma_start3A_45 : memref<1x128xi32, #tpu.memory_space<vmem>> -> memref<128xi32, #tpu.memory_space<vmem>>
    %dma_start3A_47 = arith.constant 0 : i32
    %dma_start3A_48 = arith.constant 0 : i32
    %dma_start3A_49 = tpu.memref_slice %arg6[%dma_start3A_47, %dma_start3A_48] : memref<10016x128xf32, #tpu.memory_space<vmem_shared>> -> memref<10016x128xf32, #tpu.memory_space<vmem_shared>>
    tpu.enqueue_indirect_dma source(%arg9 : memref<128x128xf32, #tpu.memory_space<vmem>>) target(%dma_start3A_49 : memref<10016x128xf32, #tpu.memory_space<vmem_shared>>) offsets(%dma_start3A_46 : memref<128xi32, #tpu.memory_space<vmem>>) semaphore(%arg13 : memref<!tpu.dma_semaphore, #tpu.memory_space<semaphore_mem>>) {add = true}
    %dma_wait3A_50 = arith.constant 38 : i32
    %dma_wait3A_51 = arith.constant 0 : i32
    %dma_wait3A_52 = tpu.memref_slice %arg8[%dma_wait3A_50, %dma_wait3A_51] : memref<40x128xi32, #tpu.memory_space<vmem>> -> memref<1x128xi32, #tpu.memory_space<vmem>>
    %dma_wait3A_53 = tpu.memref_squeeze %dma_wait3A_52 : memref<1x128xi32, #tpu.memory_space<vmem>> -> memref<128xi32, #tpu.memory_space<vmem>>
    %dma_wait3A_54 = arith.constant 0 : i32
    %dma_wait3A_55 = arith.constant 0 : i32
    %dma_wait3A_56 = tpu.memref_slice %arg6[%dma_wait3A_54, %dma_wait3A_55] : memref<10016x128xf32, #tpu.memory_space<vmem_shared>> -> memref<10016x128xf32, #tpu.memory_space<vmem_shared>>
    tpu.wait_indirect_dma semaphore(%arg13 : memref<!tpu.dma_semaphore, #tpu.memory_space<semaphore_mem>>) src(%arg9 : memref<128x128xf32, #tpu.memory_space<vmem>>) dst(%dma_wait3A_56 : memref<10016x128xf32, #tpu.memory_space<vmem_shared>>)
    %dma_wait3A_57 = arith.constant 39 : i32
    %dma_wait3A_58 = arith.constant 0 : i32
    %dma_wait3A_59 = tpu.memref_slice %arg7[%dma_wait3A_57, %dma_wait3A_58] : memref<40x128xi32, #tpu.memory_space<vmem>> -> memref<1x128xi32, #tpu.memory_space<vmem>>
    %dma_wait3A_60 = tpu.memref_squeeze %dma_wait3A_59 : memref<1x128xi32, #tpu.memory_space<vmem>> -> memref<128xi32, #tpu.memory_space<vmem>>
    %dma_wait3A_61 = arith.constant 0 : i32
    %dma_wait3A_62 = arith.constant 0 : i32
    %dma_wait3A_63 = tpu.memref_slice %arg2[%arg0, %dma_wait3A_61, %dma_wait3A_62] : memref<2x10000x128xf32, #tpu.memory_space<hbm>> -> memref<1x10000x128xf32, #tpu.memory_space<hbm>>
    %dma_wait3A_64 = tpu.memref_squeeze %dma_wait3A_63 : memref<1x10000x128xf32, #tpu.memory_space<hbm>> -> memref<10000x128xf32, #tpu.memory_space<hbm>>
    %dma_wait3A_65 = arith.constant 0 : i32
    %dma_wait3A_66 = arith.constant 0 : i32
    %dma_wait3A_67 = tpu.memref_slice %dma_wait3A_64[%dma_wait3A_65, %dma_wait3A_66] : memref<10000x128xf32, #tpu.memory_space<hbm>> -> memref<10000x128xf32, #tpu.memory_space<hbm>>
    tpu.wait_indirect_dma semaphore(%arg12 : memref<!tpu.dma_semaphore, #tpu.memory_space<semaphore_mem>>) src(%dma_wait3A_67 : memref<10000x128xf32, #tpu.memory_space<hbm>>) dst(%arg10 : memref<128x128xf32, #tpu.memory_space<vmem>>)
    %dma_start3A_68 = arith.constant 39 : i32
    %dma_start3A_69 = arith.constant 0 : i32
    %dma_start3A_70 = tpu.memref_slice %arg8[%dma_start3A_68, %dma_start3A_69] : memref<40x128xi32, #tpu.memory_space<vmem>> -> memref<1x128xi32, #tpu.memory_space<vmem>>
    %dma_start3A_71 = tpu.memref_squeeze %dma_start3A_70 : memref<1x128xi32, #tpu.memory_space<vmem>> -> memref<128xi32, #tpu.memory_space<vmem>>
    %dma_start3A_72 = arith.constant 0 : i32
    %dma_start3A_73 = arith.constant 0 : i32
    %dma_start3A_74 = tpu.memref_slice %arg6[%dma_start3A_72, %dma_start3A_73] : memref<10016x128xf32, #tpu.memory_space<vmem_shared>> -> memref<10016x128xf32, #tpu.memory_space<vmem_shared>>
    tpu.enqueue_indirect_dma source(%arg10 : memref<128x128xf32, #tpu.memory_space<vmem>>) target(%dma_start3A_74 : memref<10016x128xf32, #tpu.memory_space<vmem_shared>>) offsets(%dma_start3A_71 : memref<128xi32, #tpu.memory_space<vmem>>) semaphore(%arg14 : memref<!tpu.dma_semaphore, #tpu.memory_space<semaphore_mem>>) {add = true}
    %dma_wait3A_75 = arith.constant 39 : i32
    %dma_wait3A_76 = arith.constant 0 : i32
    %dma_wait3A_77 = tpu.memref_slice %arg8[%dma_wait3A_75, %dma_wait3A_76] : memref<40x128xi32, #tpu.memory_space<vmem>> -> memref<1x128xi32, #tpu.memory_space<vmem>>
    %dma_wait3A_78 = tpu.memref_squeeze %dma_wait3A_77 : memref<1x128xi32, #tpu.memory_space<vmem>> -> memref<128xi32, #tpu.memory_space<vmem>>
    %dma_wait3A_79 = arith.constant 0 : i32
    %dma_wait3A_80 = arith.constant 0 : i32
    %dma_wait3A_81 = tpu.memref_slice %arg6[%dma_wait3A_79, %dma_wait3A_80] : memref<10016x128xf32, #tpu.memory_space<vmem_shared>> -> memref<10016x128xf32, #tpu.memory_space<vmem_shared>>
    tpu.wait_indirect_dma semaphore(%arg14 : memref<!tpu.dma_semaphore, #tpu.memory_space<semaphore_mem>>) src(%arg10 : memref<128x128xf32, #tpu.memory_space<vmem>>) dst(%dma_wait3A_81 : memref<10016x128xf32, #tpu.memory_space<vmem_shared>>)
    "tpu.region"() ({
      %run_scoped3A = tpu.sem_alloc : memref<!tpu.dma_semaphore, #tpu.memory_space<semaphore_mem>>
      %dma_start3A_172 = arith.constant 0 : i32
      %dma_start3A_173 = arith.constant 0 : i32
      %dma_start3A_174 = tpu.memref_slice %arg3[%arg1, %dma_start3A_172, %dma_start3A_173] : memref<16x80x128xi32, #tpu.memory_space<hbm>> -> memref<1x80x128xi32, #tpu.memory_space<hbm>>
      %dma_start3A_175 = tpu.memref_squeeze %dma_start3A_174 : memref<1x80x128xi32, #tpu.memory_space<hbm>> -> memref<80x128xi32, #tpu.memory_space<hbm>>
      %dma_start3A_176 = arith.constant 40 : i32
      %dma_start3A_177 = arith.constant 0 : i32
      %dma_start3A_178 = tpu.memref_slice %dma_start3A_175[%dma_start3A_176, %dma_start3A_177] : memref<80x128xi32, #tpu.memory_space<hbm>> -> memref<40x128xi32, #tpu.memory_space<hbm>>
      %dma_start3A_179 = arith.constant 0 : i32
      %dma_start3A_180 = arith.constant 0 : i32
      %dma_start3A_181 = tpu.memref_slice %arg3[%arg1, %dma_start3A_179, %dma_start3A_180] : memref<16x80x128xi32, #tpu.memory_space<hbm>> -> memref<1x80x128xi32, #tpu.memory_space<hbm>>
      %dma_start3A_182 = tpu.memref_squeeze %dma_start3A_181 : memref<1x80x128xi32, #tpu.memory_space<hbm>> -> memref<80x128xi32, #tpu.memory_space<hbm>>
      %dma_start3A_183 = arith.constant 40 : i32
      %dma_start3A_184 = arith.constant 0 : i32
      %dma_start3A_185 = tpu.memref_slice %dma_start3A_182[%dma_start3A_183, %dma_start3A_184] : memref<80x128xi32, #tpu.memory_space<hbm>> -> memref<40x128xi32, #tpu.memory_space<hbm>>
      tpu.enqueue_dma source(%dma_start3A_185 : memref<40x128xi32, #tpu.memory_space<hbm>>) target(%arg7 : memref<40x128xi32, #tpu.memory_space<vmem>>) target_semaphore(%run_scoped3A : memref<!tpu.dma_semaphore, #tpu.memory_space<semaphore_mem>>)
      %dma_wait3A_186 = arith.constant 0 : i32
      %dma_wait3A_187 = arith.constant 0 : i32
      %dma_wait3A_188 = tpu.memref_slice %arg3[%arg1, %dma_wait3A_186, %dma_wait3A_187] : memref<16x80x128xi32, #tpu.memory_space<hbm>> -> memref<1x80x128xi32, #tpu.memory_space<hbm>>
      %dma_wait3A_189 = tpu.memref_squeeze %dma_wait3A_188 : memref<1x80x128xi32, #tpu.memory_space<hbm>> -> memref<80x128xi32, #tpu.memory_space<hbm>>
      %dma_wait3A_190 = arith.constant 40 : i32
      %dma_wait3A_191 = arith.constant 0 : i32
      %dma_wait3A_192 = tpu.memref_slice %dma_wait3A_189[%dma_wait3A_190, %dma_wait3A_191] : memref<80x128xi32, #tpu.memory_space<hbm>> -> memref<40x128xi32, #tpu.memory_space<hbm>>
      %dma_wait3A_193 = arith.constant 0 : i32
      %dma_wait3A_194 = arith.constant 0 : i32
      %dma_wait3A_195 = tpu.memref_slice %arg3[%arg1, %dma_wait3A_193, %dma_wait3A_194] : memref<16x80x128xi32, #tpu.memory_space<hbm>> -> memref<1x80x128xi32, #tpu.memory_space<hbm>>
      %dma_wait3A_196 = tpu.memref_squeeze %dma_wait3A_195 : memref<1x80x128xi32, #tpu.memory_space<hbm>> -> memref<80x128xi32, #tpu.memory_space<hbm>>
      %dma_wait3A_197 = arith.constant 40 : i32
      %dma_wait3A_198 = arith.constant 0 : i32
      %dma_wait3A_199 = tpu.memref_slice %dma_wait3A_196[%dma_wait3A_197, %dma_wait3A_198] : memref<80x128xi32, #tpu.memory_space<hbm>> -> memref<40x128xi32, #tpu.memory_space<hbm>>
      tpu.wait_dma2 semaphore(%run_scoped3A : memref<!tpu.dma_semaphore, #tpu.memory_space<semaphore_mem>>) src(%dma_wait3A_199 : memref<40x128xi32, #tpu.memory_space<hbm>>) dst(%arg7 : memref<40x128xi32, #tpu.memory_space<vmem>>)
      tpu.yield
    }) : () -> ()
    "tpu.region"() ({
      %run_scoped3A = tpu.sem_alloc : memref<!tpu.dma_semaphore, #tpu.memory_space<semaphore_mem>>
      %dma_start3A_172 = arith.constant 0 : i32
      %dma_start3A_173 = arith.constant 0 : i32
      %dma_start3A_174 = tpu.memref_slice %arg4[%arg1, %dma_start3A_172, %dma_start3A_173] : memref<16x80x128xi32, #tpu.memory_space<hbm>> -> memref<1x80x128xi32, #tpu.memory_space<hbm>>
      %dma_start3A_175 = tpu.memref_squeeze %dma_start3A_174 : memref<1x80x128xi32, #tpu.memory_space<hbm>> -> memref<80x128xi32, #tpu.memory_space<hbm>>
      %dma_start3A_176 = arith.constant 40 : i32
      %dma_start3A_177 = arith.constant 0 : i32
      %dma_start3A_178 = tpu.memref_slice %dma_start3A_175[%dma_start3A_176, %dma_start3A_177] : memref<80x128xi32, #tpu.memory_space<hbm>> -> memref<40x128xi32, #tpu.memory_space<hbm>>
      %dma_start3A_179 = arith.constant 0 : i32
      %dma_start3A_180 = arith.constant 0 : i32
      %dma_start3A_181 = tpu.memref_slice %arg4[%arg1, %dma_start3A_179, %dma_start3A_180] : memref<16x80x128xi32, #tpu.memory_space<hbm>> -> memref<1x80x128xi32, #tpu.memory_space<hbm>>
      %dma_start3A_182 = tpu.memref_squeeze %dma_start3A_181 : memref<1x80x128xi32, #tpu.memory_space<hbm>> -> memref<80x128xi32, #tpu.memory_space<hbm>>
      %dma_start3A_183 = arith.constant 40 : i32
      %dma_start3A_184 = arith.constant 0 : i32
      %dma_start3A_185 = tpu.memref_slice %dma_start3A_182[%dma_start3A_183, %dma_start3A_184] : memref<80x128xi32, #tpu.memory_space<hbm>> -> memref<40x128xi32, #tpu.memory_space<hbm>>
      tpu.enqueue_dma source(%dma_start3A_185 : memref<40x128xi32, #tpu.memory_space<hbm>>) target(%arg8 : memref<40x128xi32, #tpu.memory_space<vmem>>) target_semaphore(%run_scoped3A : memref<!tpu.dma_semaphore, #tpu.memory_space<semaphore_mem>>)
      %dma_wait3A_186 = arith.constant 0 : i32
      %dma_wait3A_187 = arith.constant 0 : i32
      %dma_wait3A_188 = tpu.memref_slice %arg4[%arg1, %dma_wait3A_186, %dma_wait3A_187] : memref<16x80x128xi32, #tpu.memory_space<hbm>> -> memref<1x80x128xi32, #tpu.memory_space<hbm>>
      %dma_wait3A_189 = tpu.memref_squeeze %dma_wait3A_188 : memref<1x80x128xi32, #tpu.memory_space<hbm>> -> memref<80x128xi32, #tpu.memory_space<hbm>>
      %dma_wait3A_190 = arith.constant 40 : i32
      %dma_wait3A_191 = arith.constant 0 : i32
      %dma_wait3A_192 = tpu.memref_slice %dma_wait3A_189[%dma_wait3A_190, %dma_wait3A_191] : memref<80x128xi32, #tpu.memory_space<hbm>> -> memref<40x128xi32, #tpu.memory_space<hbm>>
      %dma_wait3A_193 = arith.constant 0 : i32
      %dma_wait3A_194 = arith.constant 0 : i32
      %dma_wait3A_195 = tpu.memref_slice %arg4[%arg1, %dma_wait3A_193, %dma_wait3A_194] : memref<16x80x128xi32, #tpu.memory_space<hbm>> -> memref<1x80x128xi32, #tpu.memory_space<hbm>>
      %dma_wait3A_196 = tpu.memref_squeeze %dma_wait3A_195 : memref<1x80x128xi32, #tpu.memory_space<hbm>> -> memref<80x128xi32, #tpu.memory_space<hbm>>
      %dma_wait3A_197 = arith.constant 40 : i32
      %dma_wait3A_198 = arith.constant 0 : i32
      %dma_wait3A_199 = tpu.memref_slice %dma_wait3A_196[%dma_wait3A_197, %dma_wait3A_198] : memref<80x128xi32, #tpu.memory_space<hbm>> -> memref<40x128xi32, #tpu.memory_space<hbm>>
      tpu.wait_dma2 semaphore(%run_scoped3A : memref<!tpu.dma_semaphore, #tpu.memory_space<semaphore_mem>>) src(%dma_wait3A_199 : memref<40x128xi32, #tpu.memory_space<hbm>>) dst(%arg8 : memref<40x128xi32, #tpu.memory_space<vmem>>)
      tpu.yield
    }) : () -> ()
    %dma_start3A_82 = arith.constant 0 : i32
    %dma_start3A_83 = arith.constant 0 : i32
    %dma_start3A_84 = tpu.memref_slice %arg7[%dma_start3A_82, %dma_start3A_83] : memref<40x128xi32, #tpu.memory_space<vmem>> -> memref<1x128xi32, #tpu.memory_space<vmem>>
    %dma_start3A_85 = tpu.memref_squeeze %dma_start3A_84 : memref<1x128xi32, #tpu.memory_space<vmem>> -> memref<128xi32, #tpu.memory_space<vmem>>
    %dma_start3A_86 = arith.constant 0 : i32
    %dma_start3A_87 = arith.constant 0 : i32
    %dma_start3A_88 = tpu.memref_slice %arg2[%arg0, %dma_start3A_86, %dma_start3A_87] : memref<2x10000x128xf32, #tpu.memory_space<hbm>> -> memref<1x10000x128xf32, #tpu.memory_space<hbm>>
    %dma_start3A_89 = tpu.memref_squeeze %dma_start3A_88 : memref<1x10000x128xf32, #tpu.memory_space<hbm>> -> memref<10000x128xf32, #tpu.memory_space<hbm>>
    %dma_start3A_90 = arith.constant 0 : i32
    %dma_start3A_91 = arith.constant 0 : i32
    %dma_start3A_92 = tpu.memref_slice %dma_start3A_89[%dma_start3A_90, %dma_start3A_91] : memref<10000x128xf32, #tpu.memory_space<hbm>> -> memref<10000x128xf32, #tpu.memory_space<hbm>>
    tpu.enqueue_indirect_dma source(%dma_start3A_92 : memref<10000x128xf32, #tpu.memory_space<hbm>>) target(%arg9 : memref<128x128xf32, #tpu.memory_space<vmem>>) offsets(%dma_start3A_85 : memref<128xi32, #tpu.memory_space<vmem>>) semaphore(%arg11 : memref<!tpu.dma_semaphore, #tpu.memory_space<semaphore_mem>>)
    %dma_start3A_93 = arith.constant 1 : i32
    %dma_start3A_94 = arith.constant 0 : i32
    %dma_start3A_95 = tpu.memref_slice %arg7[%dma_start3A_93, %dma_start3A_94] : memref<40x128xi32, #tpu.memory_space<vmem>> -> memref<1x128xi32, #tpu.memory_space<vmem>>
    %dma_start3A_96 = tpu.memref_squeeze %dma_start3A_95 : memref<1x128xi32, #tpu.memory_space<vmem>> -> memref<128xi32, #tpu.memory_space<vmem>>
    %dma_start3A_97 = arith.constant 0 : i32
    %dma_start3A_98 = arith.constant 0 : i32
    %dma_start3A_99 = tpu.memref_slice %arg2[%arg0, %dma_start3A_97, %dma_start3A_98] : memref<2x10000x128xf32, #tpu.memory_space<hbm>> -> memref<1x10000x128xf32, #tpu.memory_space<hbm>>
    %dma_start3A_100 = tpu.memref_squeeze %dma_start3A_99 : memref<1x10000x128xf32, #tpu.memory_space<hbm>> -> memref<10000x128xf32, #tpu.memory_space<hbm>>
    %dma_start3A_101 = arith.constant 0 : i32
    %dma_start3A_102 = arith.constant 0 : i32
    %dma_start3A_103 = tpu.memref_slice %dma_start3A_100[%dma_start3A_101, %dma_start3A_102] : memref<10000x128xf32, #tpu.memory_space<hbm>> -> memref<10000x128xf32, #tpu.memory_space<hbm>>
    tpu.enqueue_indirect_dma source(%dma_start3A_103 : memref<10000x128xf32, #tpu.memory_space<hbm>>) target(%arg10 : memref<128x128xf32, #tpu.memory_space<vmem>>) offsets(%dma_start3A_96 : memref<128xi32, #tpu.memory_space<vmem>>) semaphore(%arg12 : memref<!tpu.dma_semaphore, #tpu.memory_space<semaphore_mem>>)
    %scan3A_104 = arith.constant 0 : i32
    %scan3A_105 = arith.constant 0 : i32
    %scan3A_106 = arith.constant 19 : i32
    %scan3A_107 = arith.addi %scan3A_105, %scan3A_106 : i32
    %scan3A_108 = arith.constant 1 : i32
    %scan3A_109 = scf.for %scan3A_172 = %scan3A_105 to %scan3A_107 step %scan3A_108 iter_args(%scan3A_173 = %scan3A_104) -> (i32)  : i32 {
      %mul3A = arith.constant 2 : i32
      %mul3A_174 = arith.muli %mul3A, %scan3A_172 : i32
      %add3A = arith.constant 0 : i32
      %add3A_175 = arith.addi %mul3A_174, %add3A : i32
      %dma_wait3A_176 = arith.constant 0 : i32
      %dma_wait3A_177 = tpu.memref_slice %arg7[%add3A_175, %dma_wait3A_176] : memref<40x128xi32, #tpu.memory_space<vmem>> -> memref<1x128xi32, #tpu.memory_space<vmem>>
      %dma_wait3A_178 = tpu.memref_squeeze %dma_wait3A_177 : memref<1x128xi32, #tpu.memory_space<vmem>> -> memref<128xi32, #tpu.memory_space<vmem>>
      %dma_wait3A_179 = arith.constant 0 : i32
      %dma_wait3A_180 = arith.constant 0 : i32
      %dma_wait3A_181 = tpu.memref_slice %arg2[%arg0, %dma_wait3A_179, %dma_wait3A_180] : memref<2x10000x128xf32, #tpu.memory_space<hbm>> -> memref<1x10000x128xf32, #tpu.memory_space<hbm>>
      %dma_wait3A_182 = tpu.memref_squeeze %dma_wait3A_181 : memref<1x10000x128xf32, #tpu.memory_space<hbm>> -> memref<10000x128xf32, #tpu.memory_space<hbm>>
      %dma_wait3A_183 = arith.constant 0 : i32
      %dma_wait3A_184 = arith.constant 0 : i32
      %dma_wait3A_185 = tpu.memref_slice %dma_wait3A_182[%dma_wait3A_183, %dma_wait3A_184] : memref<10000x128xf32, #tpu.memory_space<hbm>> -> memref<10000x128xf32, #tpu.memory_space<hbm>>
      tpu.wait_indirect_dma semaphore(%arg11 : memref<!tpu.dma_semaphore, #tpu.memory_space<semaphore_mem>>) src(%dma_wait3A_185 : memref<10000x128xf32, #tpu.memory_space<hbm>>) dst(%arg9 : memref<128x128xf32, #tpu.memory_space<vmem>>)
      %dma_start3A_186 = arith.constant 0 : i32
      %dma_start3A_187 = tpu.memref_slice %arg8[%add3A_175, %dma_start3A_186] : memref<40x128xi32, #tpu.memory_space<vmem>> -> memref<1x128xi32, #tpu.memory_space<vmem>>
      %dma_start3A_188 = tpu.memref_squeeze %dma_start3A_187 : memref<1x128xi32, #tpu.memory_space<vmem>> -> memref<128xi32, #tpu.memory_space<vmem>>
      %dma_start3A_189 = arith.constant 0 : i32
      %dma_start3A_190 = arith.constant 0 : i32
      %dma_start3A_191 = tpu.memref_slice %arg6[%dma_start3A_189, %dma_start3A_190] : memref<10016x128xf32, #tpu.memory_space<vmem_shared>> -> memref<10016x128xf32, #tpu.memory_space<vmem_shared>>
      tpu.enqueue_indirect_dma source(%arg9 : memref<128x128xf32, #tpu.memory_space<vmem>>) target(%dma_start3A_191 : memref<10016x128xf32, #tpu.memory_space<vmem_shared>>) offsets(%dma_start3A_188 : memref<128xi32, #tpu.memory_space<vmem>>) semaphore(%arg13 : memref<!tpu.dma_semaphore, #tpu.memory_space<semaphore_mem>>) {add = true}
      %dma_wait3A_192 = arith.constant 0 : i32
      %dma_wait3A_193 = tpu.memref_slice %arg8[%add3A_175, %dma_wait3A_192] : memref<40x128xi32, #tpu.memory_space<vmem>> -> memref<1x128xi32, #tpu.memory_space<vmem>>
      %dma_wait3A_194 = tpu.memref_squeeze %dma_wait3A_193 : memref<1x128xi32, #tpu.memory_space<vmem>> -> memref<128xi32, #tpu.memory_space<vmem>>
      %dma_wait3A_195 = arith.constant 0 : i32
      %dma_wait3A_196 = arith.constant 0 : i32
      %dma_wait3A_197 = tpu.memref_slice %arg6[%dma_wait3A_195, %dma_wait3A_196] : memref<10016x128xf32, #tpu.memory_space<vmem_shared>> -> memref<10016x128xf32, #tpu.memory_space<vmem_shared>>
      tpu.wait_indirect_dma semaphore(%arg13 : memref<!tpu.dma_semaphore, #tpu.memory_space<semaphore_mem>>) src(%arg9 : memref<128x128xf32, #tpu.memory_space<vmem>>) dst(%dma_wait3A_197 : memref<10016x128xf32, #tpu.memory_space<vmem_shared>>)
      %add3A_198 = arith.constant 2 : i32
      %add3A_199 = arith.addi %add3A_175, %add3A_198 : i32
      %dma_start3A_200 = arith.constant 0 : i32
      %dma_start3A_201 = tpu.memref_slice %arg7[%add3A_199, %dma_start3A_200] : memref<40x128xi32, #tpu.memory_space<vmem>> -> memref<1x128xi32, #tpu.memory_space<vmem>>
      %dma_start3A_202 = tpu.memref_squeeze %dma_start3A_201 : memref<1x128xi32, #tpu.memory_space<vmem>> -> memref<128xi32, #tpu.memory_space<vmem>>
      %dma_start3A_203 = arith.constant 0 : i32
      %dma_start3A_204 = arith.constant 0 : i32
      %dma_start3A_205 = tpu.memref_slice %arg2[%arg0, %dma_start3A_203, %dma_start3A_204] : memref<2x10000x128xf32, #tpu.memory_space<hbm>> -> memref<1x10000x128xf32, #tpu.memory_space<hbm>>
      %dma_start3A_206 = tpu.memref_squeeze %dma_start3A_205 : memref<1x10000x128xf32, #tpu.memory_space<hbm>> -> memref<10000x128xf32, #tpu.memory_space<hbm>>
      %dma_start3A_207 = arith.constant 0 : i32
      %dma_start3A_208 = arith.constant 0 : i32
      %dma_start3A_209 = tpu.memref_slice %dma_start3A_206[%dma_start3A_207, %dma_start3A_208] : memref<10000x128xf32, #tpu.memory_space<hbm>> -> memref<10000x128xf32, #tpu.memory_space<hbm>>
      tpu.enqueue_indirect_dma source(%dma_start3A_209 : memref<10000x128xf32, #tpu.memory_space<hbm>>) target(%arg9 : memref<128x128xf32, #tpu.memory_space<vmem>>) offsets(%dma_start3A_202 : memref<128xi32, #tpu.memory_space<vmem>>) semaphore(%arg11 : memref<!tpu.dma_semaphore, #tpu.memory_space<semaphore_mem>>)
      %mul3A_210 = arith.constant 2 : i32
      %mul3A_211 = arith.muli %mul3A_210, %scan3A_172 : i32
      %add3A_212 = arith.constant 1 : i32
      %add3A_213 = arith.addi %mul3A_211, %add3A_212 : i32
      %dma_wait3A_214 = arith.constant 0 : i32
      %dma_wait3A_215 = tpu.memref_slice %arg7[%add3A_213, %dma_wait3A_214] : memref<40x128xi32, #tpu.memory_space<vmem>> -> memref<1x128xi32, #tpu.memory_space<vmem>>
      %dma_wait3A_216 = tpu.memref_squeeze %dma_wait3A_215 : memref<1x128xi32, #tpu.memory_space<vmem>> -> memref<128xi32, #tpu.memory_space<vmem>>
      %dma_wait3A_217 = arith.constant 0 : i32
      %dma_wait3A_218 = arith.constant 0 : i32
      %dma_wait3A_219 = tpu.memref_slice %arg2[%arg0, %dma_wait3A_217, %dma_wait3A_218] : memref<2x10000x128xf32, #tpu.memory_space<hbm>> -> memref<1x10000x128xf32, #tpu.memory_space<hbm>>
      %dma_wait3A_220 = tpu.memref_squeeze %dma_wait3A_219 : memref<1x10000x128xf32, #tpu.memory_space<hbm>> -> memref<10000x128xf32, #tpu.memory_space<hbm>>
      %dma_wait3A_221 = arith.constant 0 : i32
      %dma_wait3A_222 = arith.constant 0 : i32
      %dma_wait3A_223 = tpu.memref_slice %dma_wait3A_220[%dma_wait3A_221, %dma_wait3A_222] : memref<10000x128xf32, #tpu.memory_space<hbm>> -> memref<10000x128xf32, #tpu.memory_space<hbm>>
      tpu.wait_indirect_dma semaphore(%arg12 : memref<!tpu.dma_semaphore, #tpu.memory_space<semaphore_mem>>) src(%dma_wait3A_223 : memref<10000x128xf32, #tpu.memory_space<hbm>>) dst(%arg10 : memref<128x128xf32, #tpu.memory_space<vmem>>)
      %dma_start3A_224 = arith.constant 0 : i32
      %dma_start3A_225 = tpu.memref_slice %arg8[%add3A_213, %dma_start3A_224] : memref<40x128xi32, #tpu.memory_space<vmem>> -> memref<1x128xi32, #tpu.memory_space<vmem>>
      %dma_start3A_226 = tpu.memref_squeeze %dma_start3A_225 : memref<1x128xi32, #tpu.memory_space<vmem>> -> memref<128xi32, #tpu.memory_space<vmem>>
      %dma_start3A_227 = arith.constant 0 : i32
      %dma_start3A_228 = arith.constant 0 : i32
      %dma_start3A_229 = tpu.memref_slice %arg6[%dma_start3A_227, %dma_start3A_228] : memref<10016x128xf32, #tpu.memory_space<vmem_shared>> -> memref<10016x128xf32, #tpu.memory_space<vmem_shared>>
      tpu.enqueue_indirect_dma source(%arg10 : memref<128x128xf32, #tpu.memory_space<vmem>>) target(%dma_start3A_229 : memref<10016x128xf32, #tpu.memory_space<vmem_shared>>) offsets(%dma_start3A_226 : memref<128xi32, #tpu.memory_space<vmem>>) semaphore(%arg14 : memref<!tpu.dma_semaphore, #tpu.memory_space<semaphore_mem>>) {add = true}
      %dma_wait3A_230 = arith.constant 0 : i32
      %dma_wait3A_231 = tpu.memref_slice %arg8[%add3A_213, %dma_wait3A_230] : memref<40x128xi32, #tpu.memory_space<vmem>> -> memref<1x128xi32, #tpu.memory_space<vmem>>
      %dma_wait3A_232 = tpu.memref_squeeze %dma_wait3A_231 : memref<1x128xi32, #tpu.memory_space<vmem>> -> memref<128xi32, #tpu.memory_space<vmem>>
      %dma_wait3A_233 = arith.constant 0 : i32
      %dma_wait3A_234 = arith.constant 0 : i32
      %dma_wait3A_235 = tpu.memref_slice %arg6[%dma_wait3A_233, %dma_wait3A_234] : memref<10016x128xf32, #tpu.memory_space<vmem_shared>> -> memref<10016x128xf32, #tpu.memory_space<vmem_shared>>
      tpu.wait_indirect_dma semaphore(%arg14 : memref<!tpu.dma_semaphore, #tpu.memory_space<semaphore_mem>>) src(%arg10 : memref<128x128xf32, #tpu.memory_space<vmem>>) dst(%dma_wait3A_235 : memref<10016x128xf32, #tpu.memory_space<vmem_shared>>)
      %add3A_236 = arith.constant 2 : i32
      %add3A_237 = arith.addi %add3A_213, %add3A_236 : i32
      %dma_start3A_238 = arith.constant 0 : i32
      %dma_start3A_239 = tpu.memref_slice %arg7[%add3A_237, %dma_start3A_238] : memref<40x128xi32, #tpu.memory_space<vmem>> -> memref<1x128xi32, #tpu.memory_space<vmem>>
      %dma_start3A_240 = tpu.memref_squeeze %dma_start3A_239 : memref<1x128xi32, #tpu.memory_space<vmem>> -> memref<128xi32, #tpu.memory_space<vmem>>
      %dma_start3A_241 = arith.constant 0 : i32
      %dma_start3A_242 = arith.constant 0 : i32
      %dma_start3A_243 = tpu.memref_slice %arg2[%arg0, %dma_start3A_241, %dma_start3A_242] : memref<2x10000x128xf32, #tpu.memory_space<hbm>> -> memref<1x10000x128xf32, #tpu.memory_space<hbm>>
      %dma_start3A_244 = tpu.memref_squeeze %dma_start3A_243 : memref<1x10000x128xf32, #tpu.memory_space<hbm>> -> memref<10000x128xf32, #tpu.memory_space<hbm>>
      %dma_start3A_245 = arith.constant 0 : i32
      %dma_start3A_246 = arith.constant 0 : i32
      %dma_start3A_247 = tpu.memref_slice %dma_start3A_244[%dma_start3A_245, %dma_start3A_246] : memref<10000x128xf32, #tpu.memory_space<hbm>> -> memref<10000x128xf32, #tpu.memory_space<hbm>>
      tpu.enqueue_indirect_dma source(%dma_start3A_247 : memref<10000x128xf32, #tpu.memory_space<hbm>>) target(%arg10 : memref<128x128xf32, #tpu.memory_space<vmem>>) offsets(%dma_start3A_240 : memref<128xi32, #tpu.memory_space<vmem>>) semaphore(%arg12 : memref<!tpu.dma_semaphore, #tpu.memory_space<semaphore_mem>>)
      %scan3A_248 = arith.constant 0 : i32
      scf.yield %scan3A_248 : i32
    }
    %scan3A_110 = arith.constant 19 : i32
    %dma_wait3A_111 = arith.constant 38 : i32
    %dma_wait3A_112 = arith.constant 0 : i32
    %dma_wait3A_113 = tpu.memref_slice %arg7[%dma_wait3A_111, %dma_wait3A_112] : memref<40x128xi32, #tpu.memory_space<vmem>> -> memref<1x128xi32, #tpu.memory_space<vmem>>
    %dma_wait3A_114 = tpu.memref_squeeze %dma_wait3A_113 : memref<1x128xi32, #tpu.memory_space<vmem>> -> memref<128xi32, #tpu.memory_space<vmem>>
    %dma_wait3A_115 = arith.constant 0 : i32
    %dma_wait3A_116 = arith.constant 0 : i32
    %dma_wait3A_117 = tpu.memref_slice %arg2[%arg0, %dma_wait3A_115, %dma_wait3A_116] : memref<2x10000x128xf32, #tpu.memory_space<hbm>> -> memref<1x10000x128xf32, #tpu.memory_space<hbm>>
    %dma_wait3A_118 = tpu.memref_squeeze %dma_wait3A_117 : memref<1x10000x128xf32, #tpu.memory_space<hbm>> -> memref<10000x128xf32, #tpu.memory_space<hbm>>
    %dma_wait3A_119 = arith.constant 0 : i32
    %dma_wait3A_120 = arith.constant 0 : i32
    %dma_wait3A_121 = tpu.memref_slice %dma_wait3A_118[%dma_wait3A_119, %dma_wait3A_120] : memref<10000x128xf32, #tpu.memory_space<hbm>> -> memref<10000x128xf32, #tpu.memory_space<hbm>>
    tpu.wait_indirect_dma semaphore(%arg11 : memref<!tpu.dma_semaphore, #tpu.memory_space<semaphore_mem>>) src(%dma_wait3A_121 : memref<10000x128xf32, #tpu.memory_space<hbm>>) dst(%arg9 : memref<128x128xf32, #tpu.memory_space<vmem>>)
    %dma_start3A_122 = arith.constant 38 : i32
    %dma_start3A_123 = arith.constant 0 : i32
    %dma_start3A_124 = tpu.memref_slice %arg8[%dma_start3A_122, %dma_start3A_123] : memref<40x128xi32, #tpu.memory_space<vmem>> -> memref<1x128xi32, #tpu.memory_space<vmem>>
    %dma_start3A_125 = tpu.memref_squeeze %dma_start3A_124 : memref<1x128xi32, #tpu.memory_space<vmem>> -> memref<128xi32, #tpu.memory_space<vmem>>
    %dma_start3A_126 = arith.constant 0 : i32
    %dma_start3A_127 = arith.constant 0 : i32
    %dma_start3A_128 = tpu.memref_slice %arg6[%dma_start3A_126, %dma_start3A_127] : memref<10016x128xf32, #tpu.memory_space<vmem_shared>> -> memref<10016x128xf32, #tpu.memory_space<vmem_shared>>
    tpu.enqueue_indirect_dma source(%arg9 : memref<128x128xf32, #tpu.memory_space<vmem>>) target(%dma_start3A_128 : memref<10016x128xf32, #tpu.memory_space<vmem_shared>>) offsets(%dma_start3A_125 : memref<128xi32, #tpu.memory_space<vmem>>) semaphore(%arg13 : memref<!tpu.dma_semaphore, #tpu.memory_space<semaphore_mem>>) {add = true}
    %dma_wait3A_129 = arith.constant 38 : i32
    %dma_wait3A_130 = arith.constant 0 : i32
    %dma_wait3A_131 = tpu.memref_slice %arg8[%dma_wait3A_129, %dma_wait3A_130] : memref<40x128xi32, #tpu.memory_space<vmem>> -> memref<1x128xi32, #tpu.memory_space<vmem>>
    %dma_wait3A_132 = tpu.memref_squeeze %dma_wait3A_131 : memref<1x128xi32, #tpu.memory_space<vmem>> -> memref<128xi32, #tpu.memory_space<vmem>>
    %dma_wait3A_133 = arith.constant 0 : i32
    %dma_wait3A_134 = arith.constant 0 : i32
    %dma_wait3A_135 = tpu.memref_slice %arg6[%dma_wait3A_133, %dma_wait3A_134] : memref<10016x128xf32, #tpu.memory_space<vmem_shared>> -> memref<10016x128xf32, #tpu.memory_space<vmem_shared>>
    tpu.wait_indirect_dma semaphore(%arg13 : memref<!tpu.dma_semaphore, #tpu.memory_space<semaphore_mem>>) src(%arg9 : memref<128x128xf32, #tpu.memory_space<vmem>>) dst(%dma_wait3A_135 : memref<10016x128xf32, #tpu.memory_space<vmem_shared>>)
    %dma_wait3A_136 = arith.constant 39 : i32
    %dma_wait3A_137 = arith.constant 0 : i32
    %dma_wait3A_138 = tpu.memref_slice %arg7[%dma_wait3A_136, %dma_wait3A_137] : memref<40x128xi32, #tpu.memory_space<vmem>> -> memref<1x128xi32, #tpu.memory_space<vmem>>
    %dma_wait3A_139 = tpu.memref_squeeze %dma_wait3A_138 : memref<1x128xi32, #tpu.memory_space<vmem>> -> memref<128xi32, #tpu.memory_space<vmem>>
    %dma_wait3A_140 = arith.constant 0 : i32
    %dma_wait3A_141 = arith.constant 0 : i32
    %dma_wait3A_142 = tpu.memref_slice %arg2[%arg0, %dma_wait3A_140, %dma_wait3A_141] : memref<2x10000x128xf32, #tpu.memory_space<hbm>> -> memref<1x10000x128xf32, #tpu.memory_space<hbm>>
    %dma_wait3A_143 = tpu.memref_squeeze %dma_wait3A_142 : memref<1x10000x128xf32, #tpu.memory_space<hbm>> -> memref<10000x128xf32, #tpu.memory_space<hbm>>
    %dma_wait3A_144 = arith.constant 0 : i32
    %dma_wait3A_145 = arith.constant 0 : i32
    %dma_wait3A_146 = tpu.memref_slice %dma_wait3A_143[%dma_wait3A_144, %dma_wait3A_145] : memref<10000x128xf32, #tpu.memory_space<hbm>> -> memref<10000x128xf32, #tpu.memory_space<hbm>>
    tpu.wait_indirect_dma semaphore(%arg12 : memref<!tpu.dma_semaphore, #tpu.memory_space<semaphore_mem>>) src(%dma_wait3A_146 : memref<10000x128xf32, #tpu.memory_space<hbm>>) dst(%arg10 : memref<128x128xf32, #tpu.memory_space<vmem>>)
    %dma_start3A_147 = arith.constant 39 : i32
    %dma_start3A_148 = arith.constant 0 : i32
    %dma_start3A_149 = tpu.memref_slice %arg8[%dma_start3A_147, %dma_start3A_148] : memref<40x128xi32, #tpu.memory_space<vmem>> -> memref<1x128xi32, #tpu.memory_space<vmem>>
    %dma_start3A_150 = tpu.memref_squeeze %dma_start3A_149 : memref<1x128xi32, #tpu.memory_space<vmem>> -> memref<128xi32, #tpu.memory_space<vmem>>
    %dma_start3A_151 = arith.constant 0 : i32
    %dma_start3A_152 = arith.constant 0 : i32
    %dma_start3A_153 = tpu.memref_slice %arg6[%dma_start3A_151, %dma_start3A_152] : memref<10016x128xf32, #tpu.memory_space<vmem_shared>> -> memref<10016x128xf32, #tpu.memory_space<vmem_shared>>
    tpu.enqueue_indirect_dma source(%arg10 : memref<128x128xf32, #tpu.memory_space<vmem>>) target(%dma_start3A_153 : memref<10016x128xf32, #tpu.memory_space<vmem_shared>>) offsets(%dma_start3A_150 : memref<128xi32, #tpu.memory_space<vmem>>) semaphore(%arg14 : memref<!tpu.dma_semaphore, #tpu.memory_space<semaphore_mem>>) {add = true}
    %dma_wait3A_154 = arith.constant 39 : i32
    %dma_wait3A_155 = arith.constant 0 : i32
    %dma_wait3A_156 = tpu.memref_slice %arg8[%dma_wait3A_154, %dma_wait3A_155] : memref<40x128xi32, #tpu.memory_space<vmem>> -> memref<1x128xi32, #tpu.memory_space<vmem>>
    %dma_wait3A_157 = tpu.memref_squeeze %dma_wait3A_156 : memref<1x128xi32, #tpu.memory_space<vmem>> -> memref<128xi32, #tpu.memory_space<vmem>>
    %dma_wait3A_158 = arith.constant 0 : i32
    %dma_wait3A_159 = arith.constant 0 : i32
    %dma_wait3A_160 = tpu.memref_slice %arg6[%dma_wait3A_158, %dma_wait3A_159] : memref<10016x128xf32, #tpu.memory_space<vmem_shared>> -> memref<10016x128xf32, #tpu.memory_space<vmem_shared>>
    tpu.wait_indirect_dma semaphore(%arg14 : memref<!tpu.dma_semaphore, #tpu.memory_space<semaphore_mem>>) src(%arg10 : memref<128x128xf32, #tpu.memory_space<vmem>>) dst(%dma_wait3A_160 : memref<10016x128xf32, #tpu.memory_space<vmem_shared>>)
    %barrier3A_161 = arith.constant 0 : index
    tpu.barrier barrier_id(%barrier3A_161)
    %lt3A_162 = arith.constant 15 : i32
    %lt3A_163 = arith.cmpi slt, %arg1, %lt3A_162 : i32
    %convert_element_type3A_164 = arith.extui %lt3A_163 : i1 to i32
    %cond3A_165 = arith.constant 0 : i32
    %cond3A_166 = arith.cmpi ne, %convert_element_type3A_164, %cond3A_165 : i32
    scf.if %cond3A_166 {
      %mul3A = arith.constant 640 : i32
      %mul3A_172 = arith.muli %arg1, %mul3A : i32
      %mul3A_173 = arith.constant 640 : i32
      %mul3A_174 = arith.muli %arg1, %mul3A_173 : i32
      "tpu.region"() ({
        %run_scoped3A = tpu.sem_alloc : memref<!tpu.dma_semaphore, #tpu.memory_space<semaphore_mem>>
        %dma_start3A_175 = arith.constant 0 : i32
        %dma_start3A_176 = arith.constant 0 : i32
        %dma_start3A_177 = tpu.memref_slice %arg5[%arg0, %dma_start3A_175, %dma_start3A_176] : memref<2x10000x128xf32, #tpu.memory_space<hbm>> -> memref<1x10000x128xf32, #tpu.memory_space<hbm>>
        %dma_start3A_178 = tpu.memref_squeeze %dma_start3A_177 : memref<1x10000x128xf32, #tpu.memory_space<hbm>> -> memref<10000x128xf32, #tpu.memory_space<hbm>>
        %dma_start3A_179 = arith.constant 0 : i32
        %dma_start3A_180 = tpu.memref_slice %dma_start3A_178[%mul3A_174, %dma_start3A_179] : memref<10000x128xf32, #tpu.memory_space<hbm>> -> memref<640x128xf32, #tpu.memory_space<hbm>>
        %dma_start3A_181 = arith.constant 0 : i32
        %dma_start3A_182 = tpu.memref_slice %arg6[%mul3A_172, %dma_start3A_181] : memref<10016x128xf32, #tpu.memory_space<vmem_shared>> -> memref<640x128xf32, #tpu.memory_space<vmem_shared>>
        tpu.enqueue_dma source(%dma_start3A_182 : memref<640x128xf32, #tpu.memory_space<vmem_shared>>) target(%dma_start3A_180 : memref<640x128xf32, #tpu.memory_space<hbm>>) target_semaphore(%run_scoped3A : memref<!tpu.dma_semaphore, #tpu.memory_space<semaphore_mem>>)
        %dma_wait3A_183 = arith.constant 0 : i32
        %dma_wait3A_184 = arith.constant 0 : i32
        %dma_wait3A_185 = tpu.memref_slice %arg5[%arg0, %dma_wait3A_183, %dma_wait3A_184] : memref<2x10000x128xf32, #tpu.memory_space<hbm>> -> memref<1x10000x128xf32, #tpu.memory_space<hbm>>
        %dma_wait3A_186 = tpu.memref_squeeze %dma_wait3A_185 : memref<1x10000x128xf32, #tpu.memory_space<hbm>> -> memref<10000x128xf32, #tpu.memory_space<hbm>>
        %dma_wait3A_187 = arith.constant 0 : i32
        %dma_wait3A_188 = tpu.memref_slice %dma_wait3A_186[%mul3A_174, %dma_wait3A_187] : memref<10000x128xf32, #tpu.memory_space<hbm>> -> memref<640x128xf32, #tpu.memory_space<hbm>>
        %dma_wait3A_189 = arith.constant 0 : i32
        %dma_wait3A_190 = tpu.memref_slice %arg6[%mul3A_172, %dma_wait3A_189] : memref<10016x128xf32, #tpu.memory_space<vmem_shared>> -> memref<640x128xf32, #tpu.memory_space<vmem_shared>>
        tpu.wait_dma2 semaphore(%run_scoped3A : memref<!tpu.dma_semaphore, #tpu.memory_space<semaphore_mem>>) src(%dma_wait3A_190 : memref<640x128xf32, #tpu.memory_space<vmem_shared>>) dst(%dma_wait3A_188 : memref<640x128xf32, #tpu.memory_space<hbm>>)
        tpu.yield
      }) : () -> ()
    } else {
    }
    %eq3A_167 = arith.constant 15 : i32
    %eq3A_168 = arith.cmpi eq, %arg1, %eq3A_167 : i32
    %convert_element_type3A_169 = arith.extui %eq3A_168 : i1 to i32
    %cond3A_170 = arith.constant 0 : i32
    %cond3A_171 = arith.cmpi ne, %convert_element_type3A_169, %cond3A_170 : i32
    scf.if %cond3A_171 {
      %mul3A = arith.constant 640 : i32
      %mul3A_172 = arith.muli %arg1, %mul3A : i32
      %mul3A_173 = arith.constant 640 : i32
      %mul3A_174 = arith.muli %arg1, %mul3A_173 : i32
      "tpu.region"() ({
        %run_scoped3A = tpu.sem_alloc : memref<!tpu.dma_semaphore, #tpu.memory_space<semaphore_mem>>
        %dma_start3A_175 = arith.constant 0 : i32
        %dma_start3A_176 = arith.constant 0 : i32
        %dma_start3A_177 = tpu.memref_slice %arg5[%arg0, %dma_start3A_175, %dma_start3A_176] : memref<2x10000x128xf32, #tpu.memory_space<hbm>> -> memref<1x10000x128xf32, #tpu.memory_space<hbm>>
        %dma_start3A_178 = tpu.memref_squeeze %dma_start3A_177 : memref<1x10000x128xf32, #tpu.memory_space<hbm>> -> memref<10000x128xf32, #tpu.memory_space<hbm>>
        %dma_start3A_179 = arith.constant 0 : i32
        %dma_start3A_180 = tpu.memref_slice %dma_start3A_178[%mul3A_174, %dma_start3A_179] : memref<10000x128xf32, #tpu.memory_space<hbm>> -> memref<400x128xf32, #tpu.memory_space<hbm>>
        %dma_start3A_181 = arith.constant 0 : i32
        %dma_start3A_182 = tpu.memref_slice %arg6[%mul3A_172, %dma_start3A_181] : memref<10016x128xf32, #tpu.memory_space<vmem_shared>> -> memref<400x128xf32, #tpu.memory_space<vmem_shared>>
        tpu.enqueue_dma source(%dma_start3A_182 : memref<400x128xf32, #tpu.memory_space<vmem_shared>>) target(%dma_start3A_180 : memref<400x128xf32, #tpu.memory_space<hbm>>) target_semaphore(%run_scoped3A : memref<!tpu.dma_semaphore, #tpu.memory_space<semaphore_mem>>)
        %dma_wait3A_183 = arith.constant 0 : i32
        %dma_wait3A_184 = arith.constant 0 : i32
        %dma_wait3A_185 = tpu.memref_slice %arg5[%arg0, %dma_wait3A_183, %dma_wait3A_184] : memref<2x10000x128xf32, #tpu.memory_space<hbm>> -> memref<1x10000x128xf32, #tpu.memory_space<hbm>>
        %dma_wait3A_186 = tpu.memref_squeeze %dma_wait3A_185 : memref<1x10000x128xf32, #tpu.memory_space<hbm>> -> memref<10000x128xf32, #tpu.memory_space<hbm>>
        %dma_wait3A_187 = arith.constant 0 : i32
        %dma_wait3A_188 = tpu.memref_slice %dma_wait3A_186[%mul3A_174, %dma_wait3A_187] : memref<10000x128xf32, #tpu.memory_space<hbm>> -> memref<400x128xf32, #tpu.memory_space<hbm>>
        %dma_wait3A_189 = arith.constant 0 : i32
        %dma_wait3A_190 = tpu.memref_slice %arg6[%mul3A_172, %dma_wait3A_189] : memref<10016x128xf32, #tpu.memory_space<vmem_shared>> -> memref<400x128xf32, #tpu.memory_space<vmem_shared>>
        tpu.wait_dma2 semaphore(%run_scoped3A : memref<!tpu.dma_semaphore, #tpu.memory_space<semaphore_mem>>) src(%dma_wait3A_190 : memref<400x128xf32, #tpu.memory_space<vmem_shared>>) dst(%dma_wait3A_188 : memref<400x128xf32, #tpu.memory_space<hbm>>)
        tpu.yield
      }) : () -> ()
    } else {
    }
    return
  }
}

module attributes {stable_mosaic.version = 14 : i64} {
  func.func @_dense_body(%arg0: i32, %arg1: memref<2x1000x128xf32, #tpu.memory_space<vmem>>, %arg2: memref<1000x1xf32, #tpu.memory_space<vmem>>, %arg3: memref<256x512xf32, #tpu.memory_space<vmem>>, %arg4: memref<1x512xf32, #tpu.memory_space<vmem>>, %arg5: memref<512x256xf32, #tpu.memory_space<vmem>>, %arg6: memref<2x1000x128xf32, #tpu.memory_space<vmem>>) attributes {dimension_semantics = [#tpu.dimension_semantics<arbitrary>], iteration_bounds = array<i64: 10>, scalar_prefetch = 0 : i64, scratch_operands = 0 : i64, tpu.core_type = #tpu.core_type<tc>, window_params = [{transform_indices = @transform_0, window_bounds = array<i64: 2, 1000, 128>}, {transform_indices = @transform_1, window_bounds = array<i64: 1000, 1>}, {pipeline_mode = #tpu.pipeline_mode<synchronous>, transform_indices = @transform_2, window_bounds = array<i64: 256, 512>}, {pipeline_mode = #tpu.pipeline_mode<synchronous>, transform_indices = @transform_3, window_bounds = array<i64: 1, 512>}, {pipeline_mode = #tpu.pipeline_mode<synchronous>, transform_indices = @transform_4, window_bounds = array<i64: 512, 256>}, {transform_indices = @transform_5, window_bounds = array<i64: 2, 1000, 128>}]} {
    %get3A = arith.constant 0 : index
    %get3A_0 = arith.constant 0 : index
    %get3A_1 = arith.constant 0 : index
    %get3A_2 = vector.load %arg1[%get3A, %get3A_0, %get3A_1] : memref<2x1000x128xf32, #tpu.memory_space<vmem>>, vector<1x1000x128xf32>
    %get3A_3 = vector.shape_cast %get3A_2 : vector<1x1000x128xf32> to vector<1000x128xf32>
    %get3A_4 = arith.constant 1 : index
    %get3A_5 = arith.constant 0 : index
    %get3A_6 = arith.constant 0 : index
    %get3A_7 = vector.load %arg1[%get3A_4, %get3A_5, %get3A_6] : memref<2x1000x128xf32, #tpu.memory_space<vmem>>, vector<1x1000x128xf32>
    %get3A_8 = vector.shape_cast %get3A_7 : vector<1x1000x128xf32> to vector<1000x128xf32>
    %concatenate3A = tpu.concatenate %get3A_3, %get3A_8 in 1 : vector<1000x128xf32>, vector<1000x128xf32> -> vector<1000x256xf32>
    %get3A_9 = arith.constant 0 : index
    %get3A_10 = arith.constant 0 : index
    %get3A_11 = vector.load %arg2[%get3A_9, %get3A_10] : memref<1000x1xf32, #tpu.memory_space<vmem>>, vector<1000x1xf32>
    %get3A_12 = arith.constant 0 : index
    %get3A_13 = arith.constant 0 : index
    %get3A_14 = vector.load %arg3[%get3A_12, %get3A_13] : memref<256x512xf32, #tpu.memory_space<vmem>>, vector<256x512xf32>
    %dot_general3A = arith.constant dense<0.000000e+00> : vector<1000x512xf32>
    %dot_general3A_15 = tpu.matmul %concatenate3A, %get3A_14, %dot_general3A {dimension_numbers = #tpu.dot_dimension_numbers<[1], [0], [0], [1], [0, 0, 1, 1], [], []>, transpose_lhs_hint = false} : vector<1000x256xf32>, vector<256x512xf32>, vector<1000x512xf32> -> vector<1000x512xf32>
    %mul3A = vector.broadcast %get3A_11 : vector<1000x1xf32> to vector<1000x512xf32>
    %mul3A_16 = arith.mulf %dot_general3A_15, %mul3A : vector<1000x512xf32>
    %get3A_17 = arith.constant 0 : index
    %get3A_18 = arith.constant 0 : index
    %get3A_19 = vector.load %arg4[%get3A_17, %get3A_18] : memref<1x512xf32, #tpu.memory_space<vmem>>, vector<1x512xf32>
    %add3A = vector.broadcast %get3A_19 : vector<1x512xf32> to vector<1000x512xf32>
    %add3A_20 = arith.addf %mul3A_16, %add3A : vector<1000x512xf32>
    %max3A = arith.constant 0.000000e+00 : f32
    %max3A_21 = vector.broadcast %max3A : f32 to vector<1000x512xf32>
    %max3A_22 = arith.maximumf %add3A_20, %max3A_21 : vector<1000x512xf32>
    %get3A_23 = arith.constant 0 : index
    %get3A_24 = arith.constant 0 : index
    %get3A_25 = vector.load %arg5[%get3A_23, %get3A_24] : memref<512x256xf32, #tpu.memory_space<vmem>>, vector<512x256xf32>
    %dot_general3A_26 = arith.constant dense<0.000000e+00> : vector<1000x256xf32>
    %dot_general3A_27 = tpu.matmul %max3A_22, %get3A_25, %dot_general3A_26 {dimension_numbers = #tpu.dot_dimension_numbers<[1], [0], [0], [1], [0, 0, 1, 1], [], []>, transpose_lhs_hint = false} : vector<1000x512xf32>, vector<512x256xf32>, vector<1000x256xf32> -> vector<1000x256xf32>
    %mul3A_28 = vector.broadcast %get3A_11 : vector<1000x1xf32> to vector<1000x256xf32>
    %mul3A_29 = arith.mulf %dot_general3A_27, %mul3A_28 : vector<1000x256xf32>
    %slice3A = vector.extract_strided_slice %mul3A_29 {offsets = [0, 0], sizes = [1000, 128], strides = [1, 1]} : vector<1000x256xf32> to vector<1000x128xf32>
    %swap3A = arith.constant 0 : index
    %swap3A_30 = arith.constant 0 : index
    %swap3A_31 = arith.constant 0 : index
    %swap3A_32 = vector.load %arg6[%swap3A, %swap3A_30, %swap3A_31] : memref<2x1000x128xf32, #tpu.memory_space<vmem>>, vector<1x1000x128xf32>
    %swap3A_33 = vector.shape_cast %swap3A_32 : vector<1x1000x128xf32> to vector<1000x128xf32>
    %swap3A_34 = vector.shape_cast %slice3A : vector<1000x128xf32> to vector<1x1000x128xf32>
    tpu.vector_store %arg6[%swap3A, %swap3A_30, %swap3A_31], %swap3A_34 {strides = array<i32>} : memref<2x1000x128xf32, #tpu.memory_space<vmem>>, vector<1x1000x128xf32>,
    %slice3A_35 = vector.extract_strided_slice %mul3A_29 {offsets = [0, 128], sizes = [1000, 128], strides = [1, 1]} : vector<1000x256xf32> to vector<1000x128xf32>
    %swap3A_36 = arith.constant 1 : index
    %swap3A_37 = arith.constant 0 : index
    %swap3A_38 = arith.constant 0 : index
    %swap3A_39 = vector.load %arg6[%swap3A_36, %swap3A_37, %swap3A_38] : memref<2x1000x128xf32, #tpu.memory_space<vmem>>, vector<1x1000x128xf32>
    %swap3A_40 = vector.shape_cast %swap3A_39 : vector<1x1000x128xf32> to vector<1000x128xf32>
    %swap3A_41 = vector.shape_cast %slice3A_35 : vector<1000x128xf32> to vector<1x1000x128xf32>
    tpu.vector_store %arg6[%swap3A_36, %swap3A_37, %swap3A_38], %swap3A_41 {strides = array<i32>} : memref<2x1000x128xf32, #tpu.memory_space<vmem>>, vector<1x1000x128xf32>,
    return
  }
  func.func @transform_0(%arg0: i32) -> (i32, i32, i32) {
    %c0_i32 = arith.constant 0 : i32
    %c0_i32_0 = arith.constant 0 : i32
    %c0_i32_1 = arith.constant 0 : i32
    return %c0_i32, %arg0, %c0_i32_0 : i32, i32, i32
  }
  func.func @transform_1(%arg0: i32) -> (i32, i32) {
    %c0_i32 = arith.constant 0 : i32
    %c0_i32_0 = arith.constant 0 : i32
    return %arg0, %c0_i32 : i32, i32
  }
  func.func @transform_2(%arg0: i32) -> (i32, i32) {
    %c0_i32 = arith.constant 0 : i32
    %c0_i32_0 = arith.constant 0 : i32
    %c0_i32_1 = arith.constant 0 : i32
    return %c0_i32, %c0_i32_0 : i32, i32
  }
  func.func @transform_3(%arg0: i32) -> (i32, i32) {
    %c0_i32 = arith.constant 0 : i32
    %c0_i32_0 = arith.constant 0 : i32
    %c0_i32_1 = arith.constant 0 : i32
    return %c0_i32, %c0_i32_0 : i32, i32
  }
  func.func @transform_4(%arg0: i32) -> (i32, i32) {
    %c0_i32 = arith.constant 0 : i32
    %c0_i32_0 = arith.constant 0 : i32
    %c0_i32_1 = arith.constant 0 : i32
    return %c0_i32, %c0_i32_0 : i32, i32
  }
  func.func @transform_5(%arg0: i32) -> (i32, i32, i32) {
    %c0_i32 = arith.constant 0 : i32
    %c0_i32_0 = arith.constant 0 : i32
    %c0_i32_1 = arith.constant 0 : i32
    return %c0_i32, %arg0, %c0_i32_0 : i32, i32, i32
  }
}

module attributes {stable_mosaic.version = 14 : i64} {
  func.func @_scale_body(%arg0: i32, %arg1: i32, %arg2: memref<1000x128xf32, #tpu.memory_space<vmem>>, %arg3: memref<1000x1xf32, #tpu.memory_space<vmem>>, %arg4: memref<1000x1xf32, #tpu.memory_space<vmem>>, %arg5: memref<1x1000x128xf32, #tpu.memory_space<vmem>>, %arg6: memref<1000x1xf32, #tpu.memory_space<vmem>>) attributes {dimension_semantics = [#tpu.dimension_semantics<arbitrary>, #tpu.dimension_semantics<arbitrary>], iteration_bounds = array<i64: 10, 2>, scalar_prefetch = 0 : i64, scratch_operands = 0 : i64, tpu.core_type = #tpu.core_type<tc>, window_params = [{transform_indices = @transform_0, window_bounds = array<i64: 1000, 128>}, {transform_indices = @transform_1, window_bounds = array<i64: 1000, 1>}, {transform_indices = @transform_2, window_bounds = array<i64: 1000, 1>}, {transform_indices = @transform_3, window_bounds = array<i64: 1, 1000, 128>}, {transform_indices = @transform_4, window_bounds = array<i64: 1000, 1>}]} {
    %get3A = arith.constant 0 : index
    %get3A_0 = arith.constant 0 : index
    %get3A_1 = vector.load %arg3[%get3A, %get3A_0] : memref<1000x1xf32, #tpu.memory_space<vmem>>, vector<1000x1xf32>
    %get3A_2 = arith.constant 0 : index
    %get3A_3 = arith.constant 0 : index
    %get3A_4 = vector.load %arg4[%get3A_2, %get3A_3] : memref<1000x1xf32, #tpu.memory_space<vmem>>, vector<1000x1xf32>
    %add3A = arith.addf %get3A_1, %get3A_4 : vector<1000x1xf32>
    %add3A_5 = arith.constant 1.000000e+00 : f32
    %add3A_6 = vector.broadcast %add3A_5 : f32 to vector<1000x1xf32>
    %add3A_7 = arith.addf %add3A, %add3A_6 : vector<1000x1xf32>
    %rsqrt3A = math.rsqrt %add3A_7 : vector<1000x1xf32>
    %swap3A = arith.constant 0 : index
    %swap3A_8 = arith.constant 0 : index
    %swap3A_9 = vector.load %arg6[%swap3A, %swap3A_8] : memref<1000x1xf32, #tpu.memory_space<vmem>>, vector<1000x1xf32>
    tpu.vector_store %arg6[%swap3A, %swap3A_8], %rsqrt3A {strides = array<i32>} : memref<1000x1xf32, #tpu.memory_space<vmem>>, vector<1000x1xf32>,
    %get3A_10 = arith.constant 0 : index
    %get3A_11 = arith.constant 0 : index
    %get3A_12 = vector.load %arg2[%get3A_10, %get3A_11] : memref<1000x128xf32, #tpu.memory_space<vmem>>, vector<1000x128xf32>
    %mul3A = vector.broadcast %rsqrt3A : vector<1000x1xf32> to vector<1000x128xf32>
    %mul3A_13 = arith.mulf %get3A_12, %mul3A : vector<1000x128xf32>
    %broadcast_in_dim3A = vector.shape_cast %mul3A_13 : vector<1000x128xf32> to vector<1x1000x128xf32>
    %swap3A_14 = arith.constant 0 : index
    %swap3A_15 = arith.constant 0 : index
    %swap3A_16 = arith.constant 0 : index
    %swap3A_17 = vector.load %arg5[%swap3A_14, %swap3A_15, %swap3A_16] : memref<1x1000x128xf32, #tpu.memory_space<vmem>>, vector<1x1000x128xf32>
    tpu.vector_store %arg5[%swap3A_14, %swap3A_15, %swap3A_16], %broadcast_in_dim3A {strides = array<i32>} : memref<1x1000x128xf32, #tpu.memory_space<vmem>>, vector<1x1000x128xf32>,
    return
  }
  func.func @transform_0(%arg0: i32, %arg1: i32) -> (i32, i32) {
    %c0_i32 = arith.constant 0 : i32
    return %arg0, %arg1 : i32, i32
  }
  func.func @transform_1(%arg0: i32, %arg1: i32) -> (i32, i32) {
    %c0_i32 = arith.constant 0 : i32
    %c0_i32_0 = arith.constant 0 : i32
    return %arg0, %c0_i32 : i32, i32
  }
  func.func @transform_2(%arg0: i32, %arg1: i32) -> (i32, i32) {
    %c0_i32 = arith.constant 0 : i32
    %c0_i32_0 = arith.constant 0 : i32
    return %arg0, %c0_i32 : i32, i32
  }
  func.func @transform_3(%arg0: i32, %arg1: i32) -> (i32, i32, i32) {
    %c0_i32 = arith.constant 0 : i32
    %c0_i32_0 = arith.constant 0 : i32
    return %arg1, %arg0, %c0_i32 : i32, i32, i32
  }
  func.func @transform_4(%arg0: i32, %arg1: i32) -> (i32, i32) {
    %c0_i32 = arith.constant 0 : i32
    %c0_i32_0 = arith.constant 0 : i32
    return %arg0, %c0_i32 : i32, i32
  }
}

module attributes {stable_mosaic.version = 14 : i64} {
  func.func @_final_body(%arg0: i32, %arg1: memref<2x1000x128xf32, #tpu.memory_space<vmem>>, %arg2: memref<1000x1xf32, #tpu.memory_space<vmem>>, %arg3: memref<1x256xf32, #tpu.memory_space<vmem>>, %arg4: memref<1000x256xf32, #tpu.memory_space<vmem>>) attributes {dimension_semantics = [#tpu.dimension_semantics<arbitrary>], iteration_bounds = array<i64: 10>, scalar_prefetch = 0 : i64, scratch_operands = 0 : i64, tpu.core_type = #tpu.core_type<tc>, window_params = [{transform_indices = @transform_0, window_bounds = array<i64: 2, 1000, 128>}, {transform_indices = @transform_1, window_bounds = array<i64: 1000, 1>}, {pipeline_mode = #tpu.pipeline_mode<synchronous>, transform_indices = @transform_2, window_bounds = array<i64: 1, 256>}, {transform_indices = @transform_3, window_bounds = array<i64: 1000, 256>}]} {
    %get3A = arith.constant 0 : index
    %get3A_0 = arith.constant 0 : index
    %get3A_1 = arith.constant 0 : index
    %get3A_2 = vector.load %arg1[%get3A, %get3A_0, %get3A_1] : memref<2x1000x128xf32, #tpu.memory_space<vmem>>, vector<1x1000x128xf32>
    %get3A_3 = vector.shape_cast %get3A_2 : vector<1x1000x128xf32> to vector<1000x128xf32>
    %get3A_4 = arith.constant 1 : index
    %get3A_5 = arith.constant 0 : index
    %get3A_6 = arith.constant 0 : index
    %get3A_7 = vector.load %arg1[%get3A_4, %get3A_5, %get3A_6] : memref<2x1000x128xf32, #tpu.memory_space<vmem>>, vector<1x1000x128xf32>
    %get3A_8 = vector.shape_cast %get3A_7 : vector<1x1000x128xf32> to vector<1000x128xf32>
    %concatenate3A = tpu.concatenate %get3A_3, %get3A_8 in 1 : vector<1000x128xf32>, vector<1000x128xf32> -> vector<1000x256xf32>
    %get3A_9 = arith.constant 0 : index
    %get3A_10 = arith.constant 0 : index
    %get3A_11 = vector.load %arg2[%get3A_9, %get3A_10] : memref<1000x1xf32, #tpu.memory_space<vmem>>, vector<1000x1xf32>
    %mul3A = vector.broadcast %get3A_11 : vector<1000x1xf32> to vector<1000x256xf32>
    %mul3A_12 = arith.mulf %concatenate3A, %mul3A : vector<1000x256xf32>
    %get3A_13 = arith.constant 0 : index
    %get3A_14 = arith.constant 0 : index
    %get3A_15 = vector.load %arg3[%get3A_13, %get3A_14] : memref<1x256xf32, #tpu.memory_space<vmem>>, vector<1x256xf32>
    %add3A = vector.broadcast %get3A_15 : vector<1x256xf32> to vector<1000x256xf32>
    %add3A_16 = arith.addf %mul3A_12, %add3A : vector<1000x256xf32>
    %swap3A = arith.constant 0 : index
    %swap3A_17 = arith.constant 0 : index
    %swap3A_18 = vector.load %arg4[%swap3A, %swap3A_17] : memref<1000x256xf32, #tpu.memory_space<vmem>>, vector<1000x256xf32>
    tpu.vector_store %arg4[%swap3A, %swap3A_17], %add3A_16 {strides = array<i32>} : memref<1000x256xf32, #tpu.memory_space<vmem>>, vector<1000x256xf32>,
    return
  }
  func.func @transform_0(%arg0: i32) -> (i32, i32, i32) {
    %c0_i32 = arith.constant 0 : i32
    %c0_i32_0 = arith.constant 0 : i32
    %c0_i32_1 = arith.constant 0 : i32
    return %c0_i32, %arg0, %c0_i32_0 : i32, i32, i32
  }
  func.func @transform_1(%arg0: i32) -> (i32, i32) {
    %c0_i32 = arith.constant 0 : i32
    %c0_i32_0 = arith.constant 0 : i32
    return %arg0, %c0_i32 : i32, i32
  }
  func.func @transform_2(%arg0: i32) -> (i32, i32) {
    %c0_i32 = arith.constant 0 : i32
    %c0_i32_0 = arith.constant 0 : i32
    %c0_i32_1 = arith.constant 0 : i32
    return %c0_i32, %c0_i32_0 : i32, i32
  }
  func.func @transform_3(%arg0: i32) -> (i32, i32) {
    %c0_i32 = arith.constant 0 : i32
    %c0_i32_0 = arith.constant 0 : i32
    return %arg0, %c0_i32 : i32, i32
  }
}

</mosaic_0001>

<sc_bundles>
// kernel: kernel.11.cloned.1.call-start
scs
__scs_entry_jumppad:
0x0: {  	(pc) =	sbr.rel $0x88, $3  }
0x1: {  	(tag) =	ssettag $0x0;
	lr =	simm.s32 $0x1  }
0x2: {  	[smem:$0x3F9B] =	sst lr;
	_ =	strace $0xD0000000  }
0x3: {  	_ = 	snop  }
0x4: {  	_ = 	snop  }
0x5: {  	_ = 	snop  }
0x6: {  	_ = 	snop  }
0x7: {  	_ = 	snop  }
__scs_overlays_trampoline_lowered:
0x8: {  	[smem:$0x3FAA] =	sst s0  }
0x9: {  	[smem:$0x3FAB] =	sst s1  }
0xa: {  	[smem:$0x3FAC] =	sst s2  }
0xb: {  	[smem:$0x3FAD] =	sst s3  }
0xc: {  	[smem:$0x3FAE] =	sst s4  }
0xd: {  	[smem:$0x3FAF] =	sst s5  }
0xe: {  	[smem:$0x3FB0] =	sst s6  }
0xf: {  	[smem:$0x3FB1] =	sst s7  }
0x10: {  	[smem:$0x3FB2] =	sst s8  }
0x11: {  	[smem:$0x3FB3] =	sst s9;
	s0 =	simm.s32 @!p0 $0x0  }
0x12: {  	s1 =	sld [smem:$0x3F99];
	s0 =	simm.s32 @p0 $0x1  }
0x13: {  	[smem:$0x3FB4] =	sst s0;
	s0 =	simm.s32 @!p1 $0x0  }
0x14: {  	s2 =	sld [smem:$0x3F98];
	s0 =	simm.s32 @p1 $0x1  }
0x15: {  	[smem:$0x3FB5] =	sst s0;
	s0 =	simm.s32 @!p2 $0x0  }
0x16: {  	s3 =	sld [smem:$0x3FDB];
	s0 =	simm.s32 @p2 $0x1  }
0x17: {  	s4 =	simm.s32 $0x1BF5;
	[smem:$0x3FB7] =	sst s0  }
0x18: {  	s0 =	sld [smem:$0x3F9A];
	_ =	swait.ge [sflag:s4], $0x0  }
0x19: {  	s7 =	sld [smem:$0x3F9B]  }
0x1a: {  	s8 =	sadd.s32 $0xFFFFE003, lr  }
0x1b: {  	s9 =	sadd.s32 $0xFFFFFEF7, lr;
	s5 =	simm.s32 $0xFFFFFFFF;
	p2 =	slt.u32 s8, $0xFFFFF086  }
0x1c: {  	p1 =	slt.u32 s9, $0xF7A;
	s5 =	simm.s32 @!p2 $0x0  }
0x1d: {  	s5 =	simm.s32 @p1 $0x1;
	p0 =	seq.s32 s7, s2  }
0x1e: {  	s7 =	smul.u32 @!p0 $0xF7A, s2;
	p2 =	seq.s32 @!p0 s5, $0x0  }
0x1f: {  	s9 =	smul.u32 $0xF7A, s1;
	s8 =	simm.s32 @!p0 $0x1BF5;
	p2 =	por !p2, p0  }
0x20: {  	[sflag:s8] =	ssyncset.s32 @!p0 $0xFFFFF086;
	s6 =	sadd.s32 @!p0 s3, s7;
	s7 =	simm.s32 @!p0 $0x108  }
0x21: {  	s3 =	sadd.s32 s3, s9;
	s6 =	sadd.s32 @!p0 $0x88, s6;
	s7 =	simm.s32 @p2 $0x1082  }
0x22: {  	[simem:s7], [sflag:s8] =	dma.local @!p0 [hbm:s6], $0xF7A  }
0x23: {  	s9 =	sor.u32 $0xD0000000, s2;
	s6 =	simm.s32 $0x108;
	_ =	swait.ge @!p0 [sflag:s8], $0x0  }
0x24: {  	s3 =	sadd.s32 $0x88, s3;
	s6 =	simm.s32 @!p1 $0x1082;
	[sflag:s4] =	ssyncset.s32 $0xFFFFF086  }
0x25: {  	[simem:s6], [sflag:s4] =	dma.local [hbm:s3], $0xF7A  }
0x26: {  	[smem:$0x3F9B] =	sst s1;
	(tag) =	ssettag s2;
	_ =	strace s9  }
0x27: {  	s1 =	sld [smem:$0x3FAB]  }
0x28: {  	s2 =	sld [smem:$0x3FAC]  }
0x29: {  	s4 =	sld [smem:$0x3FAE]  }
0x2a: {  	p0 =	seq.s32 s5, $0x0;
	s5 =	sld [smem:$0x3FAF]  }
0x2b: {  	s6 =	sld [smem:$0x3FB0]  }
0x2c: {  	s7 =	sld [smem:$0x3FB1]  }
0x2d: {  	s3 =	simm.s32 $0x108;
	s8 =	sld [smem:$0x3FB2]  }
0x2e: {  	s3 =	simm.s32 @!p0 $0x1082;
	s9 =	sld [smem:$0x3FB3]  }
0x2f: {  	lr =	sadd.s32 s0, s3;
	s0 =	sld [smem:$0x3FAA]  }
0x30: {  	s3 =	sld [smem:$0x3FAD]  }
0x31: {  	[smem:$0x3FB6] =	sst s10  }
0x32: {  	s10 =	sld [smem:$0x3FB4];
	_ =	sdelay $0x3  }
0x33: {  	p0 =	seq.s32 s10, $0x1;
	s10 =	sld [smem:$0x3FB6];
	_ =	sdelay $0x3  }
0x34: {  	[smem:$0x3FB6] =	sst s10  }
0x35: {  	s10 =	sld [smem:$0x3FB5];
	_ =	sdelay $0x3  }
0x36: {  	p1 =	seq.s32 s10, $0x1;
	s10 =	sld [smem:$0x3FB6];
	_ =	sdelay $0x3  }
0x37: {  	[smem:$0x3FB6] =	sst s10  }
0x38: {  	s10 =	sld [smem:$0x3FB7]  }
0x39: {  	_ = 	snop;
	(pc) =	sbr.ind lr, $3  }
0x3a: {  	_ = 	snop  }
0x3b: {  	_ = 	snop  }
0x3c: {  	p2 =	seq.s32 s10, $0x1;
	s10 =	sld [smem:$0x3FB6]  }
0x3d: {  	_ =	shalt  }
0x3e: {  	_ =	shalt  }
0x3f: {  	_ =	shalt  }
0x40: {  	_ =	shalt  }
0x41: {  	_ =	shalt  }
0x42: {  	_ =	shalt  }
0x43: {  	_ =	shalt  }
0x44: {  	_ =	shalt  }
0x45: {  	_ =	shalt  }
0x46: {  	_ =	shalt  }
0x47: {  	_ =	shalt  }
0x48: {  	_ =	shalt  }
0x49: {  	_ =	shalt  }
0x4a: {  	_ =	shalt  }
0x4b: {  	_ =	shalt  }
0x4c: {  	_ =	shalt  }
0x4d: {  	_ =	shalt  }
0x4e: {  	_ =	shalt  }
0x4f: {  	_ =	shalt  }
0x50: {  	_ =	shalt  }
0x51: {  	_ =	shalt  }
0x52: {  	_ =	shalt  }
0x53: {  	_ =	shalt  }
0x54: {  	_ =	shalt  }
0x55: {  	_ =	shalt  }
0x56: {  	_ =	shalt  }
0x57: {  	_ =	shalt  }
0x58: {  	_ =	shalt  }
0x59: {  	_ =	shalt  }
0x5a: {  	_ =	shalt  }
0x5b: {  	_ =	shalt  }
0x5c: {  	_ =	shalt  }
0x5d: {  	_ =	shalt  }
0x5e: {  	_ =	shalt  }
0x5f: {  	_ =	shalt  }
0x60: {  	_ =	shalt  }
0x61: {  	_ =	shalt  }
0x62: {  	_ =	shalt  }
0x63: {  	_ =	shalt  }
0x64: {  	_ =	shalt  }
0x65: {  	_ =	shalt  }
0x66: {  	_ =	shalt  }
0x67: {  	_ =	shalt  }
0x68: {  	_ =	shalt  }
0x69: {  	_ =	shalt  }
0x6a: {  	_ =	shalt  }
0x6b: {  	_ =	shalt  }
0x6c: {  	_ =	shalt  }
0x6d: {  	_ =	shalt  }
0x6e: {  	_ =	shalt  }
0x6f: {  	_ =	shalt  }
0x70: {  	_ =	shalt  }
0x71: {  	_ =	shalt  }
0x72: {  	_ =	shalt  }
0x73: {  	_ =	shalt  }
0x74: {  	_ =	shalt  }
0x75: {  	_ =	shalt  }
0x76: {  	_ =	shalt  }
0x77: {  	_ =	shalt  }
0x78: {  	_ =	shalt  }
0x79: {  	_ =	shalt  }
0x7a: {  	_ =	shalt  }
0x7b: {  	_ =	shalt  }
0x7c: {  	_ =	shalt  }
0x7d: {  	_ =	shalt  }
0x7e: {  	_ =	shalt  }
0x7f: {  	_ =	shalt  }
0x80: {  	_ =	shalt  }
0x81: {  	_ =	shalt  }
0x82: {  	_ =	shalt  }
0x83: {  	_ =	shalt  }
0x84: {  	_ =	shalt  }
0x85: {  	_ =	shalt  }
0x86: {  	_ =	shalt  }
0x87: {  	_ =	shalt  }
.Lfunc_end0:
.L_simem_size_0:
called_computation.1_lowered:
.L_overlay_start_0:
0x88: {  	s2 =	sld [smem:$0x3FD9]  }
0x89: {  	s3 =	sld [smem:$0x3FFE];
	_ =	sdelay $0x1  }
0x8a: {  	s1 =	srdreg.scid  }
0x8b: {  	s0 =	sand.u32 $0x1, s1  }
0x8c: {  	s17 =	sshll.u32 s0, $0xA;
	s2 =	sadd.s32 s3, s2  }
0x8d: {  	s2 =	sadd.s32 s2, s17  }
0x8e: {  	[smem:$0x3FC2] =	sst s2  }
0x8f: {  	_ = 	snop  }
0x90: {  	s2 =	sld [smem:$0x3FD0];
	(tm) =	ssettm $0x1  }
0x91: {  	s18 =	sld [smem:$0x3FFB];
	_ =	sdelay $0x3  }
0x92: {  	_ =	strace s18  }
0x93: {  	s3 =	sld [smem:$0x3FFC];
	_ =	sdelay $0x3  }
0x94: {  	_ =	strace s3  }
0x95: {  	s3 =	sld [smem:$0x3FFD];
	_ =	sdelay $0x3  }
0x96: {  	_ =	strace s3  }
0x97: {  	_ =	strace $0x8FFFFFFF  }
0x98: {  	s19 =	sld [smem:$0x3FDB];
	_ =	sdelay $0x1  }
0x99: {  	s4 =	simm.s32 $_scs_section_size  }
0x9a: {  	s5 =	simm.s32 $_size__tile_overlayer_lowered;
	s6 =	simm.s32 $_tile_overlayer_lowered  }
0x9b: {  	s22 =	simm.s32 $0x1BFF;
	s21 =	sshll.u32 s6, $0x1;
	s3 =	sadd.s32 s4, s19  }
0x9c: {  	s7 =	simm.s32 $0x0;
	s20 =	sshll.u32 s5, $0x1;
	s5 =	sadd.s32 s21, s3  }
0x9d: {  	[timem:s7], [sflag:s22] =	dma.local [hbm:s5], s20  }
0x9e: {  	_ =	swait.ge [sflag:s22], s20  }
0x9f: {  	s4 =	ssub.s32 $0x0, s20;
	[sflag:s22] =	ssyncset.done $0x0  }
0xa0: {  	[sflag:s22] =	ssyncadd.s32 s4;
	_ =	sdelay $0x1  }
0xa1: {  	s23 =	simm.s32 $0x1B8B  }
0xa2: {  	_ =	swait.ge [sflag:s23], $0x1  }
0xa3: {  	[sflag:s23] =	ssyncset.done $0x0  }
0xa4: {  	s25 =	simm.s32 $0x1B8E;
	s24 =	sld [smem:$0x3FFE];
	[sflag:s23] =	ssyncadd.s32 $0xFFFFFFFF  }
0xa5: {  	s26 =	simm.s32 $execute0_lowered;
	[smem:$0x3FD2] =	sst s25  }
0xa6: {  	s5 =	sshll.u32 s26, $0x1;
	_ =	strace $0x80000049;
	[dreg:$0x1] =	wrdreg $0xFFFFFFFF  }
0xa7: {  	s28 =	simm.s32 $_size_execute0_lowered;
	s3 =	sadd.s32 s3, s5;
	[dreg:$0x0] =	wrdreg $0x0  }
0xa8: {  	s5 =	sshll.u32 s28, $0x1;
	[dreg:$0x2] =	wrdreg s3  }
0xa9: {  	[dreg:$0x3] =	wrdreg s5  }
0xaa: {  	[dreg:$0x4] =	wrdreg $0xC0  }
0xab: {  	_ =	task [dreg:s7], $0x5FFFF  }
0xac: {  	[dreg:$0x1] =	wrdreg $0xFFFFFFFF  }
0xad: {  	[dreg:$0x0] =	wrdreg $0x60  }
0xae: {  	[dreg:$0x2] =	wrdreg s2  }
0xaf: {  	[dreg:$0x3] =	wrdreg s24  }
0xb0: {  	[dreg:$0x4] =	wrdreg $0x0  }
0xb1: {  	[dreg:$0x5] =	wrdreg $0x9  }
0xb2: {  	_ =	task.clear_ibuf [dreg:s7], $0x6FFFF;
	_ =	strace $0x90000049  }
0xb3: {  	s29 =	simm.s32 $0x9;
	_ =	strace $0x8000004B  }
0xb4: {  	_ =	swait.ge [sflag:s29], $0x1  }
0xb5: {  	[sflag:s29] =	ssyncadd.s32 $0xFFFFFFFF  }
0xb6: {  	_ =	strace $0x9000004B  }
0xb7: {  	_ =	sfence  }
0xb8: {  	s30 =	sld [smem:$0x0];
	_ =	sdelay $0x2  }
0xb9: {  	s31 =	sshll.u32 s1, $0xD;
	s1 =	sshrl.u32 s1, $0x2  }
0xba: {  	s3 =	sand.u32 $0x4000, s31;
	s1 =	sadd.s32 s1, s30  }
0xbb: {  	s0 =	sor.u32 s3, s0;
	s1 =	sshll.u32 s1, $0x11  }
0xbc: {  	s0 =	sor.u32 s1, s0  }
0xbd: {  	s0 =	sadd.s32 $0x8F2B, s0  }
0xbe: {  	[sflag:s0] =	ssyncadd.remote.s32 $0x1  }
0xbf: {  	_ =	sfence.sel $0xFFFF  }
0xc0: {  	[dreg:$0x0] =	wrdreg $0xFFFFFFFF;
	(pc) =	sbr.abs _section_cstart, $3  }
0xc1: {  	[dreg:$0x1] =	wrdreg $0xFFFFFFFF  }
0xc2: {  	_ =	task.clear_ibuf [dreg:s7], $0x2FFFF;
	_ =	strace $0x9FFFFFFF  }
0xc3: {  	(tm) =	ssettm $0x7FFFFFFF  }
tec
execute0_lowered:
.L_overlay_start_1:
0x0: {  	(tag) =	ssettag $0x1  }
0x1: {  	s4 =	rddreg [dreg:$0x0]  }
0x2: {  	s5 =	rddreg [dreg:$0x1];
	s0 =	stileid.u32  }
0x3: {  	s1 =	srdreg.scid;
	s2 =	rddreg [dreg:$0x2]  }
0x4: {  	s3 =	simm.s32 $0x0;
	s15 =	simm.s32 $0x13900;
	s16 =	simm.s32 $0x5  }
0x5: {  	s17 =	simm.s32 $0x14D00;
	s18 =	simm.s32 $0x80;
	s19 =	simm.s32 $0x16100  }
0x6: {  	s20 =	simm.s32 $0x13980;
	s21 =	simm.s32 $0x1A100;
	s22 =	simm.s32 $0x1  }
0x7: {  	s23 =	simm.s32 $0x3;
	s24 =	simm.s32 $0x2;
	s28 =	simm.s32 $0x16080  }
0x8: {  	s29 =	simm.s32 $0x0;
	s6 =	smul.u32 $0x500, s0;
	s7 =	sand.u32 $0x1, s1  }
0x9: {  	[smem:$0x7FF] =	sst s3;
	s9 =	smul.u32 $0x50000, s0;
	s12 =	sadd.s32 $0x12C000, s2  }
0xa: {  	p0 =	seq.s32 s0, $0xF;
	s8 =	smul.u32 $0x27100, s7;
	_ =	strace $0x8000004A  }
0xb: {  	s25 =	ssub.s32 $0x2, s7;
	s13 =	sshll.u32 @!p0 s0, $0x6;
	s12 =	sshrl.u32 @p0 s12, $0x3  }
0xc: {  	s10 =	sadd.s32 s6, s5;
	s26 =	sshrl.u32 s25, $0x1;
	s30 =	sshrl.u32 s9, $0x2  }
0xd: {  	s13 =	sor.u32 @!p0 $0x1C05, s13;
	s11 =	sadd.s32 s8, s5;
	s31 =	ssub.s32 s25, s26  }
0xe: {  	s14 =	sadd.s32 s30, s2;
	s4 =	sadd.s32 s4, s8;
	s5 =	smul.u32 $0x2800, s0  }
0xf: {  	s6 =	sadd.s32 $0x6400, s10;
	s7 =	sadd.s32 $0x1400, s10;
	s25 =	simm.s32 $0x4  }
0x10: {  	s26 =	simm.s32 $0x16000;
	s8 =	sadd.s32 $0xB400, s11;
	s9 =	smax.u32 s31, $0x1  }
0x11: {  	s11 =	sadd.s32 $0x25800, s4;
	s14 =	sshrl.u32 @!p0 s14, $0x3;
	s10 =	sadd.s32 s5, s4  }
.LBB2_1:
0x12: {  	s30 =	simm.s32 @p0 $0x1FC5  }
0x13: {  	[spmem:s12], [sflag:s30] =	dma.local @p0 [hbm:s11], $0x1900  }
0x14: {  	s30 =	simm.s32 @p0 $0x5  }
0x15: {  	_ =	swait.ge @p0 [sflag:s30], $0x1900  }
0x16: {  	[sflag:s30] =	ssyncset.done @p0 $0x0  }
0x17: {  	[sflag:s30] =	ssyncadd.s32 @p0 $0xFFFFE700;
	s30 =	simm.s32 @!p0 $0x5  }
0x18: {  	[spmem:s14], [sflag:s13] =	dma.local @!p0 [hbm:s10], $0x2800  }
0x19: {  	_ =	swait.ge @!p0 [sflag:s30], $0x2800  }
0x1a: {  	[sflag:s30] =	ssyncset.done @!p0 $0x0  }
0x1b: {  	[sflag:s30] =	ssyncadd.s32 @!p0 $0xFFFFD800  }
0x1c: {  	[bflag:$0x0] =	sbarrier.arrive $0xFFFF  }
0x1d: {  	[tilespmem:s15], [sflag:$0x5] =	stream.linear.gather [hbm4b:s6+s3], $0x1400, $0x38;
	[tilespmem:$0x1E100] =	vst v63  }
0x1e: {  	_ =	swait.ge [sflag:s16], $0x1400  }
0x1f: {  	[sflag:s16] =	ssyncset.done $0x0  }
0x20: {  	[sflag:s16] =	ssyncadd.s32 $0xFFFFEC00  }
0x21: {  	[tilespmem:s17], [sflag:$0x5] =	stream.linear.gather [hbm4b:s7+s3], $0x1400, $0x38;
	[tilespmem:$0x1E100] =	vst v63  }
0x22: {  	_ =	swait.ge [sflag:s16], $0x1400  }
0x23: {  	[sflag:s16] =	ssyncset.done $0x0  }
0x24: {  	[sflag:s16] =	ssyncadd.s32 $0xFFFFEC00  }
0x25: {  	[tilespmem:s19], [sflag:$0x1] =	stream.indirect.gather [hbm4b:s4+s18], $0x80, s15, s18, $0xb8;
	[tilespmem:$0x1E100] =	vst v63  }
0x26: {  	_ = 	snop  }
0x27: {  	[tilespmem:s21], [sflag:$0x2] =	stream.indirect.gather [hbm4b:s4+s18], $0x80, s20, s18, $0xb8;
	[tilespmem:$0x1E100] =	vst v63  }
0x28: {  	_ =	swait.ge [sflag:s22], $0x4000  }
0x29: {  	[sflag:s22] =	ssyncset.done $0x0  }
0x2a: {  	s30 =	simm.s32 $0x14D00;
	[sflag:s22] =	ssyncadd.s32 $0xFFFFC000  }
0x2b: {  	[spmem:s2] =	stream.indirect.scatter.add.f32 [tilespmem:s19], [sflag:$0x3], $0x80, s30, s18, $0xb8;
	[tilespmem:$0x1E100] =	vst v63  }
0x2c: {  	_ =	swait.ge [sflag:s23], $0x4000  }
0x2d: {  	[sflag:s23] =	ssyncset.done $0x0  }
0x2e: {  	s30 =	simm.s32 $0x13A00;
	[sflag:s23] =	ssyncadd.s32 $0xFFFFC000  }
0x2f: {  	[tilespmem:s19], [sflag:$0x1] =	stream.indirect.gather [hbm4b:s4+s18], $0x80, s30, s18, $0xb8;
	[tilespmem:$0x1E100] =	vst v63  }
0x30: {  	_ =	swait.ge [sflag:s24], $0x4000  }
0x31: {  	[sflag:s24] =	ssyncset.done $0x0  }
0x32: {  	s30 =	simm.s32 $0x14D80;
	[sflag:s24] =	ssyncadd.s32 $0xFFFFC000  }
0x33: {  	[spmem:s2] =	stream.indirect.scatter.add.f32 [tilespmem:s21], [sflag:$0x4], $0x80, s30, s18, $0xb8;
	[tilespmem:$0x1E100] =	vst v63  }
0x34: {  	_ =	swait.ge [sflag:s25], $0x4000  }
0x35: {  	[sflag:s25] =	ssyncset.done $0x0  }
0x36: {  	s31 =	simm.s32 $0x13A80;
	s30 =	simm.s32 $0x400;
	[sflag:s25] =	ssyncadd.s32 $0xFFFFC000  }
.LBB2_2:
0x37: {  	[tilespmem:s21], [sflag:$0x2] =	stream.indirect.gather [hbm4b:s4+s18], $0x80, s31, s18, $0xb8;
	[tilespmem:$0x1E100] =	vst v63  }
0x38: {  	s31 =	smov.u32 s30  }
0x39: {  	p1 =	sne.s32 s30, $0x4800;
	s30 =	sadd.s32 $0x400, s30;
	_ =	swait.ge [sflag:s22], $0x4000  }
0x3a: {  	s31 =	sshra.s32 s31, $0x2;
	[sflag:s22] =	ssyncset.done $0x0  }
0x3b: {  	s1 =	sadd.s32 $0x14D00, s31;
	[sflag:s22] =	ssyncadd.s32 $0xFFFFC000  }
0x3c: {  	[spmem:s2] =	stream.indirect.scatter.add.f32 [tilespmem:s19], [sflag:$0x3], $0x80, s1, s18, $0xb8;
	[tilespmem:$0x1E100] =	vst v63  }
0x3d: {  	_ =	swait.ge [sflag:s23], $0x4000  }
0x3e: {  	[sflag:s23] =	ssyncset.done $0x0  }
0x3f: {  	s1 =	sadd.s32 $0x13A00, s31;
	[sflag:s23] =	ssyncadd.s32 $0xFFFFC000  }
0x40: {  	[tilespmem:s19], [sflag:$0x1] =	stream.indirect.gather [hbm4b:s4+s18], $0x80, s1, s18, $0xb8;
	[tilespmem:$0x1E100] =	vst v63  }
0x41: {  	_ =	swait.ge [sflag:s24], $0x4000  }
0x42: {  	[sflag:s24] =	ssyncset.done $0x0  }
.Ltmp0:
0x43: {  	s1 =	sadd.s32 $0x14D80, s31;
	[sflag:s24] =	ssyncadd.s32 $0xFFFFC000;
	(pc) =	sbr.rel @p1 .LBB2_2-.Ltmp0, $4  }
0x44: {  	[spmem:s2] =	stream.indirect.scatter.add.f32 [tilespmem:s21], [sflag:$0x4], $0x80, s1, s18, $0xb8;
	[tilespmem:$0x1E100] =	vst v63  }
0x45: {  	_ =	swait.ge [sflag:s25], $0x4000  }
0x46: {  	[sflag:s25] =	ssyncset.done $0x0  }
0x47: {  	s31 =	sadd.s32 $0x13A80, s31;
	[sflag:s25] =	ssyncadd.s32 $0xFFFFC000  }
0x48: {  	[tilespmem:s21], [sflag:$0x2] =	stream.indirect.gather [hbm4b:s4+s18], $0x80, s31, s18, $0xb8;
	[tilespmem:$0x1E100] =	vst v63  }
0x49: {  	_ =	swait.ge [sflag:s22], $0x4000  }
0x4a: {  	[sflag:s22] =	ssyncset.done $0x0  }
0x4b: {  	[sflag:s22] =	ssyncadd.s32 $0xFFFFC000  }
0x4c: {  	[spmem:s2] =	stream.indirect.scatter.add.f32 [tilespmem:s19], [sflag:$0x3], $0x80, s26, s18, $0xb8;
	[tilespmem:$0x1E100] =	vst v63  }
0x4d: {  	_ =	swait.ge [sflag:s23], $0x4000  }
0x4e: {  	[sflag:s23] =	ssyncset.done $0x0  }
0x4f: {  	[sflag:s23] =	ssyncadd.s32 $0xFFFFC000  }
0x50: {  	_ =	swait.ge [sflag:s24], $0x4000  }
0x51: {  	[sflag:s24] =	ssyncset.done $0x0  }
0x52: {  	[sflag:s24] =	ssyncadd.s32 $0xFFFFC000  }
0x53: {  	[spmem:s2] =	stream.indirect.scatter.add.f32 [tilespmem:s21], [sflag:$0x4], $0x80, s28, s18, $0xb8;
	[tilespmem:$0x1E100] =	vst v63  }
0x54: {  	_ =	swait.ge [sflag:s25], $0x4000  }
0x55: {  	[sflag:s25] =	ssyncset.done $0x0  }
0x56: {  	s1 =	sadd.s32 $0x280, s6;
	s30 =	simm.s32 $0x0;
	[sflag:s25] =	ssyncadd.s32 $0xFFFFC000  }
0x57: {  	[tilespmem:s15], [sflag:$0x5] =	stream.linear.gather [hbm4b:s1+s30], $0x1400, $0x38;
	[tilespmem:$0x1E100] =	vst v63  }
0x58: {  	_ =	swait.ge [sflag:s16], $0x1400  }
0x59: {  	[sflag:s16] =	ssyncset.done $0x0  }
0x5a: {  	s1 =	sadd.s32 $0x280, s7;
	[sflag:s16] =	ssyncadd.s32 $0xFFFFEC00  }
0x5b: {  	[tilespmem:s17], [sflag:$0x5] =	stream.linear.gather [hbm4b:s1+s30], $0x1400, $0x38;
	[tilespmem:$0x1E100] =	vst v63  }
0x5c: {  	_ =	swait.ge [sflag:s16], $0x1400  }
0x5d: {  	[sflag:s16] =	ssyncset.done $0x0  }
0x5e: {  	[sflag:s16] =	ssyncadd.s32 $0xFFFFEC00  }
0x5f: {  	[tilespmem:s19], [sflag:$0x1] =	stream.indirect.gather [hbm4b:s4+s18], $0x80, s15, s18, $0xb8;
	[tilespmem:$0x1E100] =	vst v63  }
0x60: {  	_ = 	snop  }
0x61: {  	[tilespmem:s21], [sflag:$0x2] =	stream.indirect.gather [hbm4b:s4+s18], $0x80, s20, s18, $0xb8;
	[tilespmem:$0x1E100] =	vst v63  }
0x62: {  	_ =	swait.ge [sflag:s22], $0x4000  }
0x63: {  	[sflag:s22] =	ssyncset.done $0x0  }
0x64: {  	s1 =	simm.s32 $0x14D00;
	[sflag:s22] =	ssyncadd.s32 $0xFFFFC000  }
0x65: {  	[spmem:s2] =	stream.indirect.scatter.add.f32 [tilespmem:s19], [sflag:$0x3], $0x80, s1, s18, $0xb8;
	[tilespmem:$0x1E100] =	vst v63  }
0x66: {  	_ =	swait.ge [sflag:s23], $0x4000  }
0x67: {  	[sflag:s23] =	ssyncset.done $0x0  }
0x68: {  	s1 =	simm.s32 $0x13A00;
	[sflag:s23] =	ssyncadd.s32 $0xFFFFC000  }
0x69: {  	[tilespmem:s19], [sflag:$0x1] =	stream.indirect.gather [hbm4b:s4+s18], $0x80, s1, s18, $0xb8;
	[tilespmem:$0x1E100] =	vst v63  }
0x6a: {  	_ =	swait.ge [sflag:s24], $0x4000  }
0x6b: {  	[sflag:s24] =	ssyncset.done $0x0  }
0x6c: {  	s1 =	simm.s32 $0x14D80;
	[sflag:s24] =	ssyncadd.s32 $0xFFFFC000  }
0x6d: {  	[spmem:s2] =	stream.indirect.scatter.add.f32 [tilespmem:s21], [sflag:$0x4], $0x80, s1, s18, $0xb8;
	[tilespmem:$0x1E100] =	vst v63  }
0x6e: {  	_ =	swait.ge [sflag:s25], $0x4000  }
0x6f: {  	[sflag:s25] =	ssyncset.done $0x0  }
0x70: {  	s31 =	simm.s32 $0x13A80;
	s30 =	simm.s32 $0x400;
	[sflag:s25] =	ssyncadd.s32 $0xFFFFC000  }
.LBB2_4:
0x71: {  	[tilespmem:s21], [sflag:$0x2] =	stream.indirect.gather [hbm4b:s4+s18], $0x80, s31, s18, $0xb8;
	[tilespmem:$0x1E100] =	vst v63  }
0x72: {  	s1 =	smov.u32 s30  }
0x73: {  	p1 =	sne.s32 s30, $0x4800;
	s30 =	sadd.s32 $0x400, s30;
	_ =	swait.ge [sflag:s22], $0x4000  }
0x74: {  	s1 =	sshra.s32 s1, $0x2;
	[sflag:s22] =	ssyncset.done $0x0  }
0x75: {  	s31 =	sadd.s32 $0x14D00, s1;
	[sflag:s22] =	ssyncadd.s32 $0xFFFFC000  }
0x76: {  	[spmem:s2] =	stream.indirect.scatter.add.f32 [tilespmem:s19], [sflag:$0x3], $0x80, s31, s18, $0xb8;
	[tilespmem:$0x1E100] =	vst v63  }
0x77: {  	_ =	swait.ge [sflag:s23], $0x4000  }
0x78: {  	[sflag:s23] =	ssyncset.done $0x0  }
0x79: {  	s31 =	sadd.s32 $0x13A00, s1;
	[sflag:s23] =	ssyncadd.s32 $0xFFFFC000  }
0x7a: {  	[tilespmem:s19], [sflag:$0x1] =	stream.indirect.gather [hbm4b:s4+s18], $0x80, s31, s18, $0xb8;
	[tilespmem:$0x1E100] =	vst v63  }
0x7b: {  	_ =	swait.ge [sflag:s24], $0x4000  }
0x7c: {  	[sflag:s24] =	ssyncset.done $0x0  }
.Ltmp1:
0x7d: {  	s31 =	sadd.s32 $0x14D80, s1;
	[sflag:s24] =	ssyncadd.s32 $0xFFFFC000;
	(pc) =	sbr.rel @p1 .LBB2_4-.Ltmp1, $4  }
0x7e: {  	[spmem:s2] =	stream.indirect.scatter.add.f32 [tilespmem:s21], [sflag:$0x4], $0x80, s31, s18, $0xb8;
	[tilespmem:$0x1E100] =	vst v63  }
0x7f: {  	_ =	swait.ge [sflag:s25], $0x4000  }
0x80: {  	[sflag:s25] =	ssyncset.done $0x0  }
0x81: {  	s31 =	sadd.s32 $0x13A80, s1;
	[sflag:s25] =	ssyncadd.s32 $0xFFFFC000  }
0x82: {  	[tilespmem:s21], [sflag:$0x2] =	stream.indirect.gather [hbm4b:s4+s18], $0x80, s31, s18, $0xb8;
	[tilespmem:$0x1E100] =	vst v63  }
0x83: {  	_ =	swait.ge [sflag:s22], $0x4000  }
0x84: {  	[sflag:s22] =	ssyncset.done $0x0  }
0x85: {  	[sflag:s22] =	ssyncadd.s32 $0xFFFFC000  }
0x86: {  	[spmem:s2] =	stream.indirect.scatter.add.f32 [tilespmem:s19], [sflag:$0x3], $0x80, s26, s18, $0xb8;
	[tilespmem:$0x1E100] =	vst v63  }
0x87: {  	_ =	swait.ge [sflag:s23], $0x4000  }
0x88: {  	[sflag:s23] =	ssyncset.done $0x0  }
0x89: {  	[sflag:s23] =	ssyncadd.s32 $0xFFFFC000  }
0x8a: {  	_ =	swait.ge [sflag:s24], $0x4000  }
0x8b: {  	[sflag:s24] =	ssyncset.done $0x0  }
0x8c: {  	[sflag:s24] =	ssyncadd.s32 $0xFFFFC000  }
0x8d: {  	[spmem:s2] =	stream.indirect.scatter.add.f32 [tilespmem:s21], [sflag:$0x4], $0x80, s28, s18, $0xb8;
	[tilespmem:$0x1E100] =	vst v63  }
0x8e: {  	_ =	swait.ge [sflag:s25], $0x4000  }
0x8f: {  	[sflag:s25] =	ssyncset.done $0x0  }
0x90: {  	[sflag:s25] =	ssyncadd.s32 $0xFFFFC000  }
0x91: {  	s1 =	sadd.s32 @p0 $0x25800, s8;
	s30 =	simm.s32 @p0 $0x1FC5;
	[bflag:$0x0] =	sbarrier.arrive $0xFFFF  }
0x92: {  	[hbm:s1], [sflag:s30] =	dma.local @p0 [spmem:s12], $0x1900  }
0x93: {  	s1 =	simm.s32 @p0 $0x5  }
0x94: {  	_ =	swait.ge @p0 [sflag:s1], $0x1900  }
0x95: {  	s29 =	sadd.s32 $0x1, s29;
	[sflag:s1] =	ssyncset.done @p0 $0x0  }
0x96: {  	p1 =	sne.s32 s29, s9;
	[sflag:s1] =	ssyncadd.s32 @p0 $0xFFFFE700;
	s1 =	sadd.s32 @!p0 s5, s8  }
0x97: {  	[hbm:s1], [sflag:s13] =	dma.local @!p0 [spmem:s14], $0x2800  }
.Ltmp2:
0x98: {  	_ = 	snop;
	(pc) =	sbr.rel @p1 .LBB2_1-.Ltmp2, $4  }
0x99: {  	s1 =	simm.s32 @!p0 $0x5  }
0x9a: {  	_ =	swait.ge @!p0 [sflag:s1], $0x2800  }
0x9b: {  	[sflag:s1] =	ssyncset.done @!p0 $0x0  }
0x9c: {  	[sflag:s1] =	ssyncadd.s32 @!p0 $0xFFFFD800  }
0x9d: {  	_ =	sfence.sel $0x180000  }
0x9e: {  	[bflag:$0x0] =	sbarrier.arrive $0xFFFF  }
0x9f: {  	_ =	strace $0x9000004A  }
0xa0: {  	[bflag:$0x2] =	sbarrier.arrive $0xFFFF  }
0xa1: {  	p0 =	sne.s32 s0, $0x0;
	s0 =	rddreg [dreg:$0x3]  }
0xa2: {  	s0 =	sadd.s32 @!p0 $0x100000, s0  }
0xa3: {  	[sflag:s0] =	ssyncadd.tile.s32 @!p0 $0x1;
	_ =	shalt  }
.Lfunc_end2:
_tile_overlayer_lowered:
.L_overlay_start_2:
0xa4: {  	(tag) =	ssettag $0x2  }
0xa5: {  	s0 =	rddreg [dreg:$0x0];
	s2 =	stileid.u32  }
0xa6: {  	s1 =	rddreg [dreg:$0x1];
	p0 =	sne.s32 s2, $0x0  }
0xa7: {  	s3 =	rddreg [dreg:$0x2];
	[bflag:$0x3] =	sbarrier.arrive $0xFFFF;
	s2 =	simm.s32 @!p0 $0x1C05  }
0xa8: {  	[timem:s3], [sflag:s2] =	dma.local @!p0 [hbm:s0], s1  }
0xa9: {  	s0 =	simm.s32 @!p0 $0x5  }
0xaa: {  	_ =	swait.ge @!p0 [sflag:s0], s1  }
0xab: {  	s1 =	ssub.s32 @!p0 $0x0, s1;
	[sflag:s0] =	ssyncset.done @!p0 $0x0  }
0xac: {  	[sflag:s0] =	ssyncadd.s32 @!p0 s1  }
0xad: {  	[bflag:$0x3] =	sbarrier.arrive $0xFFFF  }
0xae: {  	_ =	shalt  }

// kernel: kernel.14.cloned.1.call-start
scs
__scs_entry_jumppad:
0x0: {  	(pc) =	sbr.rel $0x88, $3  }
0x1: {  	(tag) =	ssettag $0x0;
	lr =	simm.s32 $0x1  }
0x2: {  	[smem:$0x3F9B] =	sst lr;
	_ =	strace $0xD0000000  }
0x3: {  	_ = 	snop  }
0x4: {  	_ = 	snop  }
0x5: {  	_ = 	snop  }
0x6: {  	_ = 	snop  }
0x7: {  	_ = 	snop  }
__scs_overlays_trampoline_lowered:
0x8: {  	[smem:$0x3FAA] =	sst s0  }
0x9: {  	[smem:$0x3FAB] =	sst s1  }
0xa: {  	[smem:$0x3FAC] =	sst s2  }
0xb: {  	[smem:$0x3FAD] =	sst s3  }
0xc: {  	[smem:$0x3FAE] =	sst s4  }
0xd: {  	[smem:$0x3FAF] =	sst s5  }
0xe: {  	[smem:$0x3FB0] =	sst s6  }
0xf: {  	[smem:$0x3FB1] =	sst s7  }
0x10: {  	[smem:$0x3FB2] =	sst s8  }
0x11: {  	[smem:$0x3FB3] =	sst s9;
	s0 =	simm.s32 @!p0 $0x0  }
0x12: {  	s1 =	sld [smem:$0x3F99];
	s0 =	simm.s32 @p0 $0x1  }
0x13: {  	[smem:$0x3FB4] =	sst s0;
	s0 =	simm.s32 @!p1 $0x0  }
0x14: {  	s2 =	sld [smem:$0x3F98];
	s0 =	simm.s32 @p1 $0x1  }
0x15: {  	[smem:$0x3FB5] =	sst s0;
	s0 =	simm.s32 @!p2 $0x0  }
0x16: {  	s3 =	sld [smem:$0x3FDB];
	s0 =	simm.s32 @p2 $0x1  }
0x17: {  	s4 =	simm.s32 $0x1BF5;
	[smem:$0x3FB7] =	sst s0  }
0x18: {  	s0 =	sld [smem:$0x3F9A];
	_ =	swait.ge [sflag:s4], $0x0  }
0x19: {  	s7 =	sld [smem:$0x3F9B]  }
0x1a: {  	s8 =	sadd.s32 $0xFFFFE003, lr  }
0x1b: {  	s9 =	sadd.s32 $0xFFFFFEF7, lr;
	s5 =	simm.s32 $0xFFFFFFFF;
	p2 =	slt.u32 s8, $0xFFFFF086  }
0x1c: {  	p1 =	slt.u32 s9, $0xF7A;
	s5 =	simm.s32 @!p2 $0x0  }
0x1d: {  	s5 =	simm.s32 @p1 $0x1;
	p0 =	seq.s32 s7, s2  }
0x1e: {  	s7 =	smul.u32 @!p0 $0xF7A, s2;
	p2 =	seq.s32 @!p0 s5, $0x0  }
0x1f: {  	s9 =	smul.u32 $0xF7A, s1;
	s8 =	simm.s32 @!p0 $0x1BF5;
	p2 =	por !p2, p0  }
0x20: {  	[sflag:s8] =	ssyncset.s32 @!p0 $0xFFFFF086;
	s6 =	sadd.s32 @!p0 s3, s7;
	s7 =	simm.s32 @!p0 $0x108  }
0x21: {  	s3 =	sadd.s32 s3, s9;
	s6 =	sadd.s32 @!p0 $0x88, s6;
	s7 =	simm.s32 @p2 $0x1082  }
0x22: {  	[simem:s7], [sflag:s8] =	dma.local @!p0 [hbm:s6], $0xF7A  }
0x23: {  	s9 =	sor.u32 $0xD0000000, s2;
	s6 =	simm.s32 $0x108;
	_ =	swait.ge @!p0 [sflag:s8], $0x0  }
0x24: {  	s3 =	sadd.s32 $0x88, s3;
	s6 =	simm.s32 @!p1 $0x1082;
	[sflag:s4] =	ssyncset.s32 $0xFFFFF086  }
0x25: {  	[simem:s6], [sflag:s4] =	dma.local [hbm:s3], $0xF7A  }
0x26: {  	[smem:$0x3F9B] =	sst s1;
	(tag) =	ssettag s2;
	_ =	strace s9  }
0x27: {  	s1 =	sld [smem:$0x3FAB]  }
0x28: {  	s2 =	sld [smem:$0x3FAC]  }
0x29: {  	s4 =	sld [smem:$0x3FAE]  }
0x2a: {  	p0 =	seq.s32 s5, $0x0;
	s5 =	sld [smem:$0x3FAF]  }
0x2b: {  	s6 =	sld [smem:$0x3FB0]  }
0x2c: {  	s7 =	sld [smem:$0x3FB1]  }
0x2d: {  	s3 =	simm.s32 $0x108;
	s8 =	sld [smem:$0x3FB2]  }
0x2e: {  	s3 =	simm.s32 @!p0 $0x1082;
	s9 =	sld [smem:$0x3FB3]  }
0x2f: {  	lr =	sadd.s32 s0, s3;
	s0 =	sld [smem:$0x3FAA]  }
0x30: {  	s3 =	sld [smem:$0x3FAD]  }
0x31: {  	[smem:$0x3FB6] =	sst s10  }
0x32: {  	s10 =	sld [smem:$0x3FB4];
	_ =	sdelay $0x3  }
0x33: {  	p0 =	seq.s32 s10, $0x1;
	s10 =	sld [smem:$0x3FB6];
	_ =	sdelay $0x3  }
0x34: {  	[smem:$0x3FB6] =	sst s10  }
0x35: {  	s10 =	sld [smem:$0x3FB5];
	_ =	sdelay $0x3  }
0x36: {  	p1 =	seq.s32 s10, $0x1;
	s10 =	sld [smem:$0x3FB6];
	_ =	sdelay $0x3  }
0x37: {  	[smem:$0x3FB6] =	sst s10  }
0x38: {  	s10 =	sld [smem:$0x3FB7]  }
0x39: {  	_ = 	snop;
	(pc) =	sbr.ind lr, $3  }
0x3a: {  	_ = 	snop  }
0x3b: {  	_ = 	snop  }
0x3c: {  	p2 =	seq.s32 s10, $0x1;
	s10 =	sld [smem:$0x3FB6]  }
0x3d: {  	_ =	shalt  }
0x3e: {  	_ =	shalt  }
0x3f: {  	_ =	shalt  }
0x40: {  	_ =	shalt  }
0x41: {  	_ =	shalt  }
0x42: {  	_ =	shalt  }
0x43: {  	_ =	shalt  }
0x44: {  	_ =	shalt  }
0x45: {  	_ =	shalt  }
0x46: {  	_ =	shalt  }
0x47: {  	_ =	shalt  }
0x48: {  	_ =	shalt  }
0x49: {  	_ =	shalt  }
0x4a: {  	_ =	shalt  }
0x4b: {  	_ =	shalt  }
0x4c: {  	_ =	shalt  }
0x4d: {  	_ =	shalt  }
0x4e: {  	_ =	shalt  }
0x4f: {  	_ =	shalt  }
0x50: {  	_ =	shalt  }
0x51: {  	_ =	shalt  }
0x52: {  	_ =	shalt  }
0x53: {  	_ =	shalt  }
0x54: {  	_ =	shalt  }
0x55: {  	_ =	shalt  }
0x56: {  	_ =	shalt  }
0x57: {  	_ =	shalt  }
0x58: {  	_ =	shalt  }
0x59: {  	_ =	shalt  }
0x5a: {  	_ =	shalt  }
0x5b: {  	_ =	shalt  }
0x5c: {  	_ =	shalt  }
0x5d: {  	_ =	shalt  }
0x5e: {  	_ =	shalt  }
0x5f: {  	_ =	shalt  }
0x60: {  	_ =	shalt  }
0x61: {  	_ =	shalt  }
0x62: {  	_ =	shalt  }
0x63: {  	_ =	shalt  }
0x64: {  	_ =	shalt  }
0x65: {  	_ =	shalt  }
0x66: {  	_ =	shalt  }
0x67: {  	_ =	shalt  }
0x68: {  	_ =	shalt  }
0x69: {  	_ =	shalt  }
0x6a: {  	_ =	shalt  }
0x6b: {  	_ =	shalt  }
0x6c: {  	_ =	shalt  }
0x6d: {  	_ =	shalt  }
0x6e: {  	_ =	shalt  }
0x6f: {  	_ =	shalt  }
0x70: {  	_ =	shalt  }
0x71: {  	_ =	shalt  }
0x72: {  	_ =	shalt  }
0x73: {  	_ =	shalt  }
0x74: {  	_ =	shalt  }
0x75: {  	_ =	shalt  }
0x76: {  	_ =	shalt  }
0x77: {  	_ =	shalt  }
0x78: {  	_ =	shalt  }
0x79: {  	_ =	shalt  }
0x7a: {  	_ =	shalt  }
0x7b: {  	_ =	shalt  }
0x7c: {  	_ =	shalt  }
0x7d: {  	_ =	shalt  }
0x7e: {  	_ =	shalt  }
0x7f: {  	_ =	shalt  }
0x80: {  	_ =	shalt  }
0x81: {  	_ =	shalt  }
0x82: {  	_ =	shalt  }
0x83: {  	_ =	shalt  }
0x84: {  	_ =	shalt  }
0x85: {  	_ =	shalt  }
0x86: {  	_ =	shalt  }
0x87: {  	_ =	shalt  }
.Lfunc_end0:
.L_simem_size_0:
called_computation.2_lowered:
.L_overlay_start_0:
0x88: {  	s2 =	sld [smem:$0x3FD9]  }
0x89: {  	s3 =	sld [smem:$0x3FFE];
	_ =	sdelay $0x1  }
0x8a: {  	s1 =	srdreg.scid  }
0x8b: {  	s0 =	sand.u32 $0x1, s1  }
0x8c: {  	s17 =	sshll.u32 s0, $0xA;
	s2 =	sadd.s32 s3, s2  }
0x8d: {  	s2 =	sadd.s32 s2, s17  }
0x8e: {  	[smem:$0x3FC2] =	sst s2  }
0x8f: {  	_ = 	snop  }
0x90: {  	s2 =	sld [smem:$0x3FD0];
	(tm) =	ssettm $0x1  }
0x91: {  	s18 =	sld [smem:$0x3FFB];
	_ =	sdelay $0x3  }
0x92: {  	_ =	strace s18  }
0x93: {  	s3 =	sld [smem:$0x3FFC];
	_ =	sdelay $0x3  }
0x94: {  	_ =	strace s3  }
0x95: {  	s3 =	sld [smem:$0x3FFD];
	_ =	sdelay $0x3  }
0x96: {  	_ =	strace s3  }
0x97: {  	_ =	strace $0x8FFFFFFF  }
0x98: {  	s19 =	sld [smem:$0x3FDB];
	_ =	sdelay $0x1  }
0x99: {  	s4 =	simm.s32 $_scs_section_size  }
0x9a: {  	s5 =	simm.s32 $_size__tile_overlayer_lowered;
	s6 =	simm.s32 $_tile_overlayer_lowered  }
0x9b: {  	s22 =	simm.s32 $0x1BFF;
	s21 =	sshll.u32 s6, $0x1;
	s3 =	sadd.s32 s4, s19  }
0x9c: {  	s7 =	simm.s32 $0x0;
	s20 =	sshll.u32 s5, $0x1;
	s5 =	sadd.s32 s21, s3  }
0x9d: {  	[timem:s7], [sflag:s22] =	dma.local [hbm:s5], s20  }
0x9e: {  	_ =	swait.ge [sflag:s22], s20  }
0x9f: {  	s4 =	ssub.s32 $0x0, s20;
	[sflag:s22] =	ssyncset.done $0x0  }
0xa0: {  	[sflag:s22] =	ssyncadd.s32 s4;
	_ =	sdelay $0x1  }
0xa1: {  	s23 =	simm.s32 $0x1B8B  }
0xa2: {  	_ =	swait.ge [sflag:s23], $0x1  }
0xa3: {  	[sflag:s23] =	ssyncset.done $0x0  }
0xa4: {  	s25 =	simm.s32 $0x1B8E;
	s24 =	sld [smem:$0x3FFE];
	[sflag:s23] =	ssyncadd.s32 $0xFFFFFFFF  }
0xa5: {  	s26 =	simm.s32 $execute0_lowered;
	[smem:$0x3FD2] =	sst s25  }
0xa6: {  	s5 =	sshll.u32 s26, $0x1;
	_ =	strace $0x8000004C;
	[dreg:$0x1] =	wrdreg $0xFFFFFFFF  }
0xa7: {  	s28 =	simm.s32 $_size_execute0_lowered;
	s3 =	sadd.s32 s3, s5;
	[dreg:$0x0] =	wrdreg $0x0  }
0xa8: {  	s5 =	sshll.u32 s28, $0x1;
	[dreg:$0x2] =	wrdreg s3  }
0xa9: {  	[dreg:$0x3] =	wrdreg s5  }
0xaa: {  	[dreg:$0x4] =	wrdreg $0xC0  }
0xab: {  	_ =	task [dreg:s7], $0x5FFFF  }
0xac: {  	[dreg:$0x1] =	wrdreg $0xFFFFFFFF  }
0xad: {  	[dreg:$0x0] =	wrdreg $0x60  }
0xae: {  	[dreg:$0x2] =	wrdreg s2  }
0xaf: {  	[dreg:$0x3] =	wrdreg s24  }
0xb0: {  	[dreg:$0x4] =	wrdreg $0x0  }
0xb1: {  	[dreg:$0x5] =	wrdreg $0x9  }
0xb2: {  	_ =	task.clear_ibuf [dreg:s7], $0x6FFFF;
	_ =	strace $0x9000004C  }
0xb3: {  	s29 =	simm.s32 $0x9;
	_ =	strace $0x8000004E  }
0xb4: {  	_ =	swait.ge [sflag:s29], $0x1  }
0xb5: {  	[sflag:s29] =	ssyncadd.s32 $0xFFFFFFFF  }
0xb6: {  	_ =	strace $0x9000004E  }
0xb7: {  	_ =	sfence  }
0xb8: {  	s30 =	sld [smem:$0x0];
	_ =	sdelay $0x2  }
0xb9: {  	s31 =	sshll.u32 s1, $0xD;
	s1 =	sshrl.u32 s1, $0x2  }
0xba: {  	s3 =	sand.u32 $0x4000, s31;
	s1 =	sadd.s32 s1, s30  }
0xbb: {  	s0 =	sor.u32 s3, s0;
	s1 =	sshll.u32 s1, $0x11  }
0xbc: {  	s0 =	sor.u32 s1, s0  }
0xbd: {  	s0 =	sadd.s32 $0x8F2B, s0  }
0xbe: {  	[sflag:s0] =	ssyncadd.remote.s32 $0x1  }
0xbf: {  	_ =	sfence.sel $0xFFFF  }
0xc0: {  	[dreg:$0x0] =	wrdreg $0xFFFFFFFF;
	(pc) =	sbr.abs _section_cstart, $3  }
0xc1: {  	[dreg:$0x1] =	wrdreg $0xFFFFFFFF  }
0xc2: {  	_ =	task.clear_ibuf [dreg:s7], $0x2FFFF;
	_ =	strace $0x9FFFFFFF  }
0xc3: {  	(tm) =	ssettm $0x7FFFFFFF  }
tec
execute0_lowered:
.L_overlay_start_1:
0x0: {  	(tag) =	ssettag $0x1  }
0x1: {  	s4 =	rddreg [dreg:$0x0]  }
0x2: {  	s5 =	rddreg [dreg:$0x1];
	s0 =	stileid.u32  }
0x3: {  	s1 =	srdreg.scid;
	s2 =	rddreg [dreg:$0x2]  }
0x4: {  	s3 =	simm.s32 $0x0;
	s15 =	simm.s32 $0x13900;
	s16 =	simm.s32 $0x5  }
0x5: {  	s17 =	simm.s32 $0x14D00;
	s18 =	simm.s32 $0x80;
	s19 =	simm.s32 $0x16100  }
0x6: {  	s20 =	simm.s32 $0x13980;
	s21 =	simm.s32 $0x1A100;
	s22 =	simm.s32 $0x1  }
0x7: {  	s23 =	simm.s32 $0x3;
	s24 =	simm.s32 $0x2;
	s28 =	simm.s32 $0x16080  }
0x8: {  	s29 =	simm.s32 $0x0;
	s6 =	smul.u32 $0x500, s0;
	s7 =	sand.u32 $0x1, s1  }
0x9: {  	[smem:$0x7FF] =	sst s3;
	s9 =	smul.u32 $0x50000, s0;
	s12 =	sadd.s32 $0x12C000, s2  }
0xa: {  	p0 =	seq.s32 s0, $0xF;
	s8 =	smul.u32 $0x27100, s7;
	_ =	strace $0x8000004D  }
0xb: {  	s25 =	ssub.s32 $0x2, s7;
	s13 =	sshll.u32 @!p0 s0, $0x6;
	s12 =	sshrl.u32 @p0 s12, $0x3  }
0xc: {  	s10 =	sadd.s32 s6, s5;
	s26 =	sshrl.u32 s25, $0x1;
	s30 =	sshrl.u32 s9, $0x2  }
0xd: {  	s13 =	sor.u32 @!p0 $0x1C05, s13;
	s11 =	sadd.s32 s8, s5;
	s31 =	ssub.s32 s25, s26  }
0xe: {  	s14 =	sadd.s32 s30, s2;
	s4 =	sadd.s32 s4, s8;
	s5 =	smul.u32 $0x2800, s0  }
0xf: {  	s6 =	sadd.s32 $0x6400, s10;
	s7 =	sadd.s32 $0x1400, s10;
	s25 =	simm.s32 $0x4  }
0x10: {  	s26 =	simm.s32 $0x16000;
	s8 =	sadd.s32 $0xB400, s11;
	s9 =	smax.u32 s31, $0x1  }
0x11: {  	s11 =	sadd.s32 $0x25800, s4;
	s14 =	sshrl.u32 @!p0 s14, $0x3;
	s10 =	sadd.s32 s5, s4  }
.LBB2_1:
0x12: {  	s30 =	simm.s32 @p0 $0x1FC5  }
0x13: {  	[spmem:s12], [sflag:s30] =	dma.local @p0 [hbm:s11], $0x1900  }
0x14: {  	s30 =	simm.s32 @p0 $0x5  }
0x15: {  	_ =	swait.ge @p0 [sflag:s30], $0x1900  }
0x16: {  	[sflag:s30] =	ssyncset.done @p0 $0x0  }
0x17: {  	[sflag:s30] =	ssyncadd.s32 @p0 $0xFFFFE700;
	s30 =	simm.s32 @!p0 $0x5  }
0x18: {  	[spmem:s14], [sflag:s13] =	dma.local @!p0 [hbm:s10], $0x2800  }
0x19: {  	_ =	swait.ge @!p0 [sflag:s30], $0x2800  }
0x1a: {  	[sflag:s30] =	ssyncset.done @!p0 $0x0  }
0x1b: {  	[sflag:s30] =	ssyncadd.s32 @!p0 $0xFFFFD800  }
0x1c: {  	[bflag:$0x0] =	sbarrier.arrive $0xFFFF  }
0x1d: {  	[tilespmem:s15], [sflag:$0x5] =	stream.linear.gather [hbm4b:s6+s3], $0x1400, $0x38;
	[tilespmem:$0x1E100] =	vst v63  }
0x1e: {  	_ =	swait.ge [sflag:s16], $0x1400  }
0x1f: {  	[sflag:s16] =	ssyncset.done $0x0  }
0x20: {  	[sflag:s16] =	ssyncadd.s32 $0xFFFFEC00  }
0x21: {  	[tilespmem:s17], [sflag:$0x5] =	stream.linear.gather [hbm4b:s7+s3], $0x1400, $0x38;
	[tilespmem:$0x1E100] =	vst v63  }
0x22: {  	_ =	swait.ge [sflag:s16], $0x1400  }
0x23: {  	[sflag:s16] =	ssyncset.done $0x0  }
0x24: {  	[sflag:s16] =	ssyncadd.s32 $0xFFFFEC00  }
0x25: {  	[tilespmem:s19], [sflag:$0x1] =	stream.indirect.gather [hbm4b:s4+s18], $0x80, s15, s18, $0xb8;
	[tilespmem:$0x1E100] =	vst v63  }
0x26: {  	_ = 	snop  }
0x27: {  	[tilespmem:s21], [sflag:$0x2] =	stream.indirect.gather [hbm4b:s4+s18], $0x80, s20, s18, $0xb8;
	[tilespmem:$0x1E100] =	vst v63  }
0x28: {  	_ =	swait.ge [sflag:s22], $0x4000  }
0x29: {  	[sflag:s22] =	ssyncset.done $0x0  }
0x2a: {  	s30 =	simm.s32 $0x14D00;
	[sflag:s22] =	ssyncadd.s32 $0xFFFFC000  }
0x2b: {  	[spmem:s2] =	stream.indirect.scatter.add.f32 [tilespmem:s19], [sflag:$0x3], $0x80, s30, s18, $0xb8;
	[tilespmem:$0x1E100] =	vst v63  }
0x2c: {  	_ =	swait.ge [sflag:s23], $0x4000  }
0x2d: {  	[sflag:s23] =	ssyncset.done $0x0  }
0x2e: {  	s30 =	simm.s32 $0x13A00;
	[sflag:s23] =	ssyncadd.s32 $0xFFFFC000  }
0x2f: {  	[tilespmem:s19], [sflag:$0x1] =	stream.indirect.gather [hbm4b:s4+s18], $0x80, s30, s18, $0xb8;
	[tilespmem:$0x1E100] =	vst v63  }
0x30: {  	_ =	swait.ge [sflag:s24], $0x4000  }
0x31: {  	[sflag:s24] =	ssyncset.done $0x0  }
0x32: {  	s30 =	simm.s32 $0x14D80;
	[sflag:s24] =	ssyncadd.s32 $0xFFFFC000  }
0x33: {  	[spmem:s2] =	stream.indirect.scatter.add.f32 [tilespmem:s21], [sflag:$0x4], $0x80, s30, s18, $0xb8;
	[tilespmem:$0x1E100] =	vst v63  }
0x34: {  	_ =	swait.ge [sflag:s25], $0x4000  }
0x35: {  	[sflag:s25] =	ssyncset.done $0x0  }
0x36: {  	s31 =	simm.s32 $0x13A80;
	s30 =	simm.s32 $0x400;
	[sflag:s25] =	ssyncadd.s32 $0xFFFFC000  }
.LBB2_2:
0x37: {  	[tilespmem:s21], [sflag:$0x2] =	stream.indirect.gather [hbm4b:s4+s18], $0x80, s31, s18, $0xb8;
	[tilespmem:$0x1E100] =	vst v63  }
0x38: {  	s31 =	smov.u32 s30  }
0x39: {  	p1 =	sne.s32 s30, $0x4800;
	s30 =	sadd.s32 $0x400, s30;
	_ =	swait.ge [sflag:s22], $0x4000  }
0x3a: {  	s31 =	sshra.s32 s31, $0x2;
	[sflag:s22] =	ssyncset.done $0x0  }
0x3b: {  	s1 =	sadd.s32 $0x14D00, s31;
	[sflag:s22] =	ssyncadd.s32 $0xFFFFC000  }
0x3c: {  	[spmem:s2] =	stream.indirect.scatter.add.f32 [tilespmem:s19], [sflag:$0x3], $0x80, s1, s18, $0xb8;
	[tilespmem:$0x1E100] =	vst v63  }
0x3d: {  	_ =	swait.ge [sflag:s23], $0x4000  }
0x3e: {  	[sflag:s23] =	ssyncset.done $0x0  }
0x3f: {  	s1 =	sadd.s32 $0x13A00, s31;
	[sflag:s23] =	ssyncadd.s32 $0xFFFFC000  }
0x40: {  	[tilespmem:s19], [sflag:$0x1] =	stream.indirect.gather [hbm4b:s4+s18], $0x80, s1, s18, $0xb8;
	[tilespmem:$0x1E100] =	vst v63  }
0x41: {  	_ =	swait.ge [sflag:s24], $0x4000  }
0x42: {  	[sflag:s24] =	ssyncset.done $0x0  }
.Ltmp0:
0x43: {  	s1 =	sadd.s32 $0x14D80, s31;
	[sflag:s24] =	ssyncadd.s32 $0xFFFFC000;
	(pc) =	sbr.rel @p1 .LBB2_2-.Ltmp0, $4  }
0x44: {  	[spmem:s2] =	stream.indirect.scatter.add.f32 [tilespmem:s21], [sflag:$0x4], $0x80, s1, s18, $0xb8;
	[tilespmem:$0x1E100] =	vst v63  }
0x45: {  	_ =	swait.ge [sflag:s25], $0x4000  }
0x46: {  	[sflag:s25] =	ssyncset.done $0x0  }
0x47: {  	s31 =	sadd.s32 $0x13A80, s31;
	[sflag:s25] =	ssyncadd.s32 $0xFFFFC000  }
0x48: {  	[tilespmem:s21], [sflag:$0x2] =	stream.indirect.gather [hbm4b:s4+s18], $0x80, s31, s18, $0xb8;
	[tilespmem:$0x1E100] =	vst v63  }
0x49: {  	_ =	swait.ge [sflag:s22], $0x4000  }
0x4a: {  	[sflag:s22] =	ssyncset.done $0x0  }
0x4b: {  	[sflag:s22] =	ssyncadd.s32 $0xFFFFC000  }
0x4c: {  	[spmem:s2] =	stream.indirect.scatter.add.f32 [tilespmem:s19], [sflag:$0x3], $0x80, s26, s18, $0xb8;
	[tilespmem:$0x1E100] =	vst v63  }
0x4d: {  	_ =	swait.ge [sflag:s23], $0x4000  }
0x4e: {  	[sflag:s23] =	ssyncset.done $0x0  }
0x4f: {  	[sflag:s23] =	ssyncadd.s32 $0xFFFFC000  }
0x50: {  	_ =	swait.ge [sflag:s24], $0x4000  }
0x51: {  	[sflag:s24] =	ssyncset.done $0x0  }
0x52: {  	[sflag:s24] =	ssyncadd.s32 $0xFFFFC000  }
0x53: {  	[spmem:s2] =	stream.indirect.scatter.add.f32 [tilespmem:s21], [sflag:$0x4], $0x80, s28, s18, $0xb8;
	[tilespmem:$0x1E100] =	vst v63  }
0x54: {  	_ =	swait.ge [sflag:s25], $0x4000  }
0x55: {  	[sflag:s25] =	ssyncset.done $0x0  }
0x56: {  	s1 =	sadd.s32 $0x280, s6;
	s30 =	simm.s32 $0x0;
	[sflag:s25] =	ssyncadd.s32 $0xFFFFC000  }
0x57: {  	[tilespmem:s15], [sflag:$0x5] =	stream.linear.gather [hbm4b:s1+s30], $0x1400, $0x38;
	[tilespmem:$0x1E100] =	vst v63  }
0x58: {  	_ =	swait.ge [sflag:s16], $0x1400  }
0x59: {  	[sflag:s16] =	ssyncset.done $0x0  }
0x5a: {  	s1 =	sadd.s32 $0x280, s7;
	[sflag:s16] =	ssyncadd.s32 $0xFFFFEC00  }
0x5b: {  	[tilespmem:s17], [sflag:$0x5] =	stream.linear.gather [hbm4b:s1+s30], $0x1400, $0x38;
	[tilespmem:$0x1E100] =	vst v63  }
0x5c: {  	_ =	swait.ge [sflag:s16], $0x1400  }
0x5d: {  	[sflag:s16] =	ssyncset.done $0x0  }
0x5e: {  	[sflag:s16] =	ssyncadd.s32 $0xFFFFEC00  }
0x5f: {  	[tilespmem:s19], [sflag:$0x1] =	stream.indirect.gather [hbm4b:s4+s18], $0x80, s15, s18, $0xb8;
	[tilespmem:$0x1E100] =	vst v63  }
0x60: {  	_ = 	snop  }
0x61: {  	[tilespmem:s21], [sflag:$0x2] =	stream.indirect.gather [hbm4b:s4+s18], $0x80, s20, s18, $0xb8;
	[tilespmem:$0x1E100] =	vst v63  }
0x62: {  	_ =	swait.ge [sflag:s22], $0x4000  }
0x63: {  	[sflag:s22] =	ssyncset.done $0x0  }
0x64: {  	s1 =	simm.s32 $0x14D00;
	[sflag:s22] =	ssyncadd.s32 $0xFFFFC000  }
0x65: {  	[spmem:s2] =	stream.indirect.scatter.add.f32 [tilespmem:s19], [sflag:$0x3], $0x80, s1, s18, $0xb8;
	[tilespmem:$0x1E100] =	vst v63  }
0x66: {  	_ =	swait.ge [sflag:s23], $0x4000  }
0x67: {  	[sflag:s23] =	ssyncset.done $0x0  }
0x68: {  	s1 =	simm.s32 $0x13A00;
	[sflag:s23] =	ssyncadd.s32 $0xFFFFC000  }
0x69: {  	[tilespmem:s19], [sflag:$0x1] =	stream.indirect.gather [hbm4b:s4+s18], $0x80, s1, s18, $0xb8;
	[tilespmem:$0x1E100] =	vst v63  }
0x6a: {  	_ =	swait.ge [sflag:s24], $0x4000  }
0x6b: {  	[sflag:s24] =	ssyncset.done $0x0  }
0x6c: {  	s1 =	simm.s32 $0x14D80;
	[sflag:s24] =	ssyncadd.s32 $0xFFFFC000  }
0x6d: {  	[spmem:s2] =	stream.indirect.scatter.add.f32 [tilespmem:s21], [sflag:$0x4], $0x80, s1, s18, $0xb8;
	[tilespmem:$0x1E100] =	vst v63  }
0x6e: {  	_ =	swait.ge [sflag:s25], $0x4000  }
0x6f: {  	[sflag:s25] =	ssyncset.done $0x0  }
0x70: {  	s31 =	simm.s32 $0x13A80;
	s30 =	simm.s32 $0x400;
	[sflag:s25] =	ssyncadd.s32 $0xFFFFC000  }
.LBB2_4:
0x71: {  	[tilespmem:s21], [sflag:$0x2] =	stream.indirect.gather [hbm4b:s4+s18], $0x80, s31, s18, $0xb8;
	[tilespmem:$0x1E100] =	vst v63  }
0x72: {  	s1 =	smov.u32 s30  }
0x73: {  	p1 =	sne.s32 s30, $0x4800;
	s30 =	sadd.s32 $0x400, s30;
	_ =	swait.ge [sflag:s22], $0x4000  }
0x74: {  	s1 =	sshra.s32 s1, $0x2;
	[sflag:s22] =	ssyncset.done $0x0  }
0x75: {  	s31 =	sadd.s32 $0x14D00, s1;
	[sflag:s22] =	ssyncadd.s32 $0xFFFFC000  }
0x76: {  	[spmem:s2] =	stream.indirect.scatter.add.f32 [tilespmem:s19], [sflag:$0x3], $0x80, s31, s18, $0xb8;
	[tilespmem:$0x1E100] =	vst v63  }
0x77: {  	_ =	swait.ge [sflag:s23], $0x4000  }
0x78: {  	[sflag:s23] =	ssyncset.done $0x0  }
0x79: {  	s31 =	sadd.s32 $0x13A00, s1;
	[sflag:s23] =	ssyncadd.s32 $0xFFFFC000  }
0x7a: {  	[tilespmem:s19], [sflag:$0x1] =	stream.indirect.gather [hbm4b:s4+s18], $0x80, s31, s18, $0xb8;
	[tilespmem:$0x1E100] =	vst v63  }
0x7b: {  	_ =	swait.ge [sflag:s24], $0x4000  }
0x7c: {  	[sflag:s24] =	ssyncset.done $0x0  }
.Ltmp1:
0x7d: {  	s31 =	sadd.s32 $0x14D80, s1;
	[sflag:s24] =	ssyncadd.s32 $0xFFFFC000;
	(pc) =	sbr.rel @p1 .LBB2_4-.Ltmp1, $4  }
0x7e: {  	[spmem:s2] =	stream.indirect.scatter.add.f32 [tilespmem:s21], [sflag:$0x4], $0x80, s31, s18, $0xb8;
	[tilespmem:$0x1E100] =	vst v63  }
0x7f: {  	_ =	swait.ge [sflag:s25], $0x4000  }
0x80: {  	[sflag:s25] =	ssyncset.done $0x0  }
0x81: {  	s31 =	sadd.s32 $0x13A80, s1;
	[sflag:s25] =	ssyncadd.s32 $0xFFFFC000  }
0x82: {  	[tilespmem:s21], [sflag:$0x2] =	stream.indirect.gather [hbm4b:s4+s18], $0x80, s31, s18, $0xb8;
	[tilespmem:$0x1E100] =	vst v63  }
0x83: {  	_ =	swait.ge [sflag:s22], $0x4000  }
0x84: {  	[sflag:s22] =	ssyncset.done $0x0  }
0x85: {  	[sflag:s22] =	ssyncadd.s32 $0xFFFFC000  }
0x86: {  	[spmem:s2] =	stream.indirect.scatter.add.f32 [tilespmem:s19], [sflag:$0x3], $0x80, s26, s18, $0xb8;
	[tilespmem:$0x1E100] =	vst v63  }
0x87: {  	_ =	swait.ge [sflag:s23], $0x4000  }
0x88: {  	[sflag:s23] =	ssyncset.done $0x0  }
0x89: {  	[sflag:s23] =	ssyncadd.s32 $0xFFFFC000  }
0x8a: {  	_ =	swait.ge [sflag:s24], $0x4000  }
0x8b: {  	[sflag:s24] =	ssyncset.done $0x0  }
0x8c: {  	[sflag:s24] =	ssyncadd.s32 $0xFFFFC000  }
0x8d: {  	[spmem:s2] =	stream.indirect.scatter.add.f32 [tilespmem:s21], [sflag:$0x4], $0x80, s28, s18, $0xb8;
	[tilespmem:$0x1E100] =	vst v63  }
0x8e: {  	_ =	swait.ge [sflag:s25], $0x4000  }
0x8f: {  	[sflag:s25] =	ssyncset.done $0x0  }
0x90: {  	[sflag:s25] =	ssyncadd.s32 $0xFFFFC000  }
0x91: {  	s1 =	sadd.s32 @p0 $0x25800, s8;
	s30 =	simm.s32 @p0 $0x1FC5;
	[bflag:$0x0] =	sbarrier.arrive $0xFFFF  }
0x92: {  	[hbm:s1], [sflag:s30] =	dma.local @p0 [spmem:s12], $0x1900  }
0x93: {  	s1 =	simm.s32 @p0 $0x5  }
0x94: {  	_ =	swait.ge @p0 [sflag:s1], $0x1900  }
0x95: {  	s29 =	sadd.s32 $0x1, s29;
	[sflag:s1] =	ssyncset.done @p0 $0x0  }
0x96: {  	p1 =	sne.s32 s29, s9;
	[sflag:s1] =	ssyncadd.s32 @p0 $0xFFFFE700;
	s1 =	sadd.s32 @!p0 s5, s8  }
0x97: {  	[hbm:s1], [sflag:s13] =	dma.local @!p0 [spmem:s14], $0x2800  }
.Ltmp2:
0x98: {  	_ = 	snop;
	(pc) =	sbr.rel @p1 .LBB2_1-.Ltmp2, $4  }
0x99: {  	s1 =	simm.s32 @!p0 $0x5  }
0x9a: {  	_ =	swait.ge @!p0 [sflag:s1], $0x2800  }
0x9b: {  	[sflag:s1] =	ssyncset.done @!p0 $0x0  }
0x9c: {  	[sflag:s1] =	ssyncadd.s32 @!p0 $0xFFFFD800  }
0x9d: {  	_ =	sfence.sel $0x180000  }
0x9e: {  	[bflag:$0x0] =	sbarrier.arrive $0xFFFF  }
0x9f: {  	_ =	strace $0x9000004D  }
0xa0: {  	[bflag:$0x2] =	sbarrier.arrive $0xFFFF  }
0xa1: {  	p0 =	sne.s32 s0, $0x0;
	s0 =	rddreg [dreg:$0x3]  }
0xa2: {  	s0 =	sadd.s32 @!p0 $0x100000, s0  }
0xa3: {  	[sflag:s0] =	ssyncadd.tile.s32 @!p0 $0x1;
	_ =	shalt  }
.Lfunc_end2:
_tile_overlayer_lowered:
.L_overlay_start_2:
0xa4: {  	(tag) =	ssettag $0x2  }
0xa5: {  	s0 =	rddreg [dreg:$0x0];
	s2 =	stileid.u32  }
0xa6: {  	s1 =	rddreg [dreg:$0x1];
	p0 =	sne.s32 s2, $0x0  }
0xa7: {  	s3 =	rddreg [dreg:$0x2];
	[bflag:$0x3] =	sbarrier.arrive $0xFFFF;
	s2 =	simm.s32 @!p0 $0x1C05  }
0xa8: {  	[timem:s3], [sflag:s2] =	dma.local @!p0 [hbm:s0], s1  }
0xa9: {  	s0 =	simm.s32 @!p0 $0x5  }
0xaa: {  	_ =	swait.ge @!p0 [sflag:s0], s1  }
0xab: {  	s1 =	ssub.s32 @!p0 $0x0, s1;
	[sflag:s0] =	ssyncset.done @!p0 $0x0  }
0xac: {  	[sflag:s0] =	ssyncadd.s32 @!p0 s1  }
0xad: {  	[bflag:$0x3] =	sbarrier.arrive $0xFFFF  }
0xae: {  	_ =	shalt  }

// kernel: kernel.8.cloned.1.call-start
scs
__scs_entry_jumppad:
0x0: {  	(pc) =	sbr.rel $0x88, $3  }
0x1: {  	(tag) =	ssettag $0x0;
	lr =	simm.s32 $0x1  }
0x2: {  	[smem:$0x3F9B] =	sst lr;
	_ =	strace $0xD0000000  }
0x3: {  	_ = 	snop  }
0x4: {  	_ = 	snop  }
0x5: {  	_ = 	snop  }
0x6: {  	_ = 	snop  }
0x7: {  	_ = 	snop  }
__scs_overlays_trampoline_lowered:
0x8: {  	[smem:$0x3FAA] =	sst s0  }
0x9: {  	[smem:$0x3FAB] =	sst s1  }
0xa: {  	[smem:$0x3FAC] =	sst s2  }
0xb: {  	[smem:$0x3FAD] =	sst s3  }
0xc: {  	[smem:$0x3FAE] =	sst s4  }
0xd: {  	[smem:$0x3FAF] =	sst s5  }
0xe: {  	[smem:$0x3FB0] =	sst s6  }
0xf: {  	[smem:$0x3FB1] =	sst s7  }
0x10: {  	[smem:$0x3FB2] =	sst s8  }
0x11: {  	[smem:$0x3FB3] =	sst s9;
	s0 =	simm.s32 @!p0 $0x0  }
0x12: {  	s1 =	sld [smem:$0x3F99];
	s0 =	simm.s32 @p0 $0x1  }
0x13: {  	[smem:$0x3FB4] =	sst s0;
	s0 =	simm.s32 @!p1 $0x0  }
0x14: {  	s2 =	sld [smem:$0x3F98];
	s0 =	simm.s32 @p1 $0x1  }
0x15: {  	[smem:$0x3FB5] =	sst s0;
	s0 =	simm.s32 @!p2 $0x0  }
0x16: {  	s3 =	sld [smem:$0x3FDB];
	s0 =	simm.s32 @p2 $0x1  }
0x17: {  	s4 =	simm.s32 $0x1BF5;
	[smem:$0x3FB7] =	sst s0  }
0x18: {  	s0 =	sld [smem:$0x3F9A];
	_ =	swait.ge [sflag:s4], $0x0  }
0x19: {  	s7 =	sld [smem:$0x3F9B]  }
0x1a: {  	s8 =	sadd.s32 $0xFFFFE003, lr  }
0x1b: {  	s9 =	sadd.s32 $0xFFFFFEF7, lr;
	s5 =	simm.s32 $0xFFFFFFFF;
	p2 =	slt.u32 s8, $0xFFFFF086  }
0x1c: {  	p1 =	slt.u32 s9, $0xF7A;
	s5 =	simm.s32 @!p2 $0x0  }
0x1d: {  	s5 =	simm.s32 @p1 $0x1;
	p0 =	seq.s32 s7, s2  }
0x1e: {  	s7 =	smul.u32 @!p0 $0xF7A, s2;
	p2 =	seq.s32 @!p0 s5, $0x0  }
0x1f: {  	s9 =	smul.u32 $0xF7A, s1;
	s8 =	simm.s32 @!p0 $0x1BF5;
	p2 =	por !p2, p0  }
0x20: {  	[sflag:s8] =	ssyncset.s32 @!p0 $0xFFFFF086;
	s6 =	sadd.s32 @!p0 s3, s7;
	s7 =	simm.s32 @!p0 $0x108  }
0x21: {  	s3 =	sadd.s32 s3, s9;
	s6 =	sadd.s32 @!p0 $0x88, s6;
	s7 =	simm.s32 @p2 $0x1082  }
0x22: {  	[simem:s7], [sflag:s8] =	dma.local @!p0 [hbm:s6], $0xF7A  }
0x23: {  	s9 =	sor.u32 $0xD0000000, s2;
	s6 =	simm.s32 $0x108;
	_ =	swait.ge @!p0 [sflag:s8], $0x0  }
0x24: {  	s3 =	sadd.s32 $0x88, s3;
	s6 =	simm.s32 @!p1 $0x1082;
	[sflag:s4] =	ssyncset.s32 $0xFFFFF086  }
0x25: {  	[simem:s6], [sflag:s4] =	dma.local [hbm:s3], $0xF7A  }
0x26: {  	[smem:$0x3F9B] =	sst s1;
	(tag) =	ssettag s2;
	_ =	strace s9  }
0x27: {  	s1 =	sld [smem:$0x3FAB]  }
0x28: {  	s2 =	sld [smem:$0x3FAC]  }
0x29: {  	s4 =	sld [smem:$0x3FAE]  }
0x2a: {  	p0 =	seq.s32 s5, $0x0;
	s5 =	sld [smem:$0x3FAF]  }
0x2b: {  	s6 =	sld [smem:$0x3FB0]  }
0x2c: {  	s7 =	sld [smem:$0x3FB1]  }
0x2d: {  	s3 =	simm.s32 $0x108;
	s8 =	sld [smem:$0x3FB2]  }
0x2e: {  	s3 =	simm.s32 @!p0 $0x1082;
	s9 =	sld [smem:$0x3FB3]  }
0x2f: {  	lr =	sadd.s32 s0, s3;
	s0 =	sld [smem:$0x3FAA]  }
0x30: {  	s3 =	sld [smem:$0x3FAD]  }
0x31: {  	[smem:$0x3FB6] =	sst s10  }
0x32: {  	s10 =	sld [smem:$0x3FB4];
	_ =	sdelay $0x3  }
0x33: {  	p0 =	seq.s32 s10, $0x1;
	s10 =	sld [smem:$0x3FB6];
	_ =	sdelay $0x3  }
0x34: {  	[smem:$0x3FB6] =	sst s10  }
0x35: {  	s10 =	sld [smem:$0x3FB5];
	_ =	sdelay $0x3  }
0x36: {  	p1 =	seq.s32 s10, $0x1;
	s10 =	sld [smem:$0x3FB6];
	_ =	sdelay $0x3  }
0x37: {  	[smem:$0x3FB6] =	sst s10  }
0x38: {  	s10 =	sld [smem:$0x3FB7]  }
0x39: {  	_ = 	snop;
	(pc) =	sbr.ind lr, $3  }
0x3a: {  	_ = 	snop  }
0x3b: {  	_ = 	snop  }
0x3c: {  	p2 =	seq.s32 s10, $0x1;
	s10 =	sld [smem:$0x3FB6]  }
0x3d: {  	_ =	shalt  }
0x3e: {  	_ =	shalt  }
0x3f: {  	_ =	shalt  }
0x40: {  	_ =	shalt  }
0x41: {  	_ =	shalt  }
0x42: {  	_ =	shalt  }
0x43: {  	_ =	shalt  }
0x44: {  	_ =	shalt  }
0x45: {  	_ =	shalt  }
0x46: {  	_ =	shalt  }
0x47: {  	_ =	shalt  }
0x48: {  	_ =	shalt  }
0x49: {  	_ =	shalt  }
0x4a: {  	_ =	shalt  }
0x4b: {  	_ =	shalt  }
0x4c: {  	_ =	shalt  }
0x4d: {  	_ =	shalt  }
0x4e: {  	_ =	shalt  }
0x4f: {  	_ =	shalt  }
0x50: {  	_ =	shalt  }
0x51: {  	_ =	shalt  }
0x52: {  	_ =	shalt  }
0x53: {  	_ =	shalt  }
0x54: {  	_ =	shalt  }
0x55: {  	_ =	shalt  }
0x56: {  	_ =	shalt  }
0x57: {  	_ =	shalt  }
0x58: {  	_ =	shalt  }
0x59: {  	_ =	shalt  }
0x5a: {  	_ =	shalt  }
0x5b: {  	_ =	shalt  }
0x5c: {  	_ =	shalt  }
0x5d: {  	_ =	shalt  }
0x5e: {  	_ =	shalt  }
0x5f: {  	_ =	shalt  }
0x60: {  	_ =	shalt  }
0x61: {  	_ =	shalt  }
0x62: {  	_ =	shalt  }
0x63: {  	_ =	shalt  }
0x64: {  	_ =	shalt  }
0x65: {  	_ =	shalt  }
0x66: {  	_ =	shalt  }
0x67: {  	_ =	shalt  }
0x68: {  	_ =	shalt  }
0x69: {  	_ =	shalt  }
0x6a: {  	_ =	shalt  }
0x6b: {  	_ =	shalt  }
0x6c: {  	_ =	shalt  }
0x6d: {  	_ =	shalt  }
0x6e: {  	_ =	shalt  }
0x6f: {  	_ =	shalt  }
0x70: {  	_ =	shalt  }
0x71: {  	_ =	shalt  }
0x72: {  	_ =	shalt  }
0x73: {  	_ =	shalt  }
0x74: {  	_ =	shalt  }
0x75: {  	_ =	shalt  }
0x76: {  	_ =	shalt  }
0x77: {  	_ =	shalt  }
0x78: {  	_ =	shalt  }
0x79: {  	_ =	shalt  }
0x7a: {  	_ =	shalt  }
0x7b: {  	_ =	shalt  }
0x7c: {  	_ =	shalt  }
0x7d: {  	_ =	shalt  }
0x7e: {  	_ =	shalt  }
0x7f: {  	_ =	shalt  }
0x80: {  	_ =	shalt  }
0x81: {  	_ =	shalt  }
0x82: {  	_ =	shalt  }
0x83: {  	_ =	shalt  }
0x84: {  	_ =	shalt  }
0x85: {  	_ =	shalt  }
0x86: {  	_ =	shalt  }
0x87: {  	_ =	shalt  }
.Lfunc_end0:
.L_simem_size_0:
called_computation_lowered:
.L_overlay_start_0:
0x88: {  	s2 =	sld [smem:$0x3FD9]  }
0x89: {  	s3 =	sld [smem:$0x3FFE];
	_ =	sdelay $0x1  }
0x8a: {  	s1 =	srdreg.scid  }
0x8b: {  	s0 =	sand.u32 $0x1, s1  }
0x8c: {  	s17 =	sshll.u32 s0, $0xA;
	s2 =	sadd.s32 s3, s2  }
0x8d: {  	s2 =	sadd.s32 s2, s17  }
0x8e: {  	[smem:$0x3FC2] =	sst s2  }
0x8f: {  	_ = 	snop  }
0x90: {  	s2 =	sld [smem:$0x3FD0];
	(tm) =	ssettm $0x1  }
0x91: {  	s18 =	sld [smem:$0x3FFB];
	_ =	sdelay $0x3  }
0x92: {  	_ =	strace s18  }
0x93: {  	s3 =	sld [smem:$0x3FFC];
	_ =	sdelay $0x3  }
0x94: {  	_ =	strace s3  }
0x95: {  	s3 =	sld [smem:$0x3FFD];
	_ =	sdelay $0x3  }
0x96: {  	_ =	strace s3  }
0x97: {  	_ =	strace $0x8FFFFFFF  }
0x98: {  	s19 =	sld [smem:$0x3FDB];
	_ =	sdelay $0x1  }
0x99: {  	s4 =	simm.s32 $_scs_section_size  }
0x9a: {  	s5 =	simm.s32 $_size__tile_overlayer_lowered;
	s6 =	simm.s32 $_tile_overlayer_lowered  }
0x9b: {  	s22 =	simm.s32 $0x1BFF;
	s21 =	sshll.u32 s6, $0x1;
	s3 =	sadd.s32 s4, s19  }
0x9c: {  	s7 =	simm.s32 $0x0;
	s20 =	sshll.u32 s5, $0x1;
	s5 =	sadd.s32 s21, s3  }
0x9d: {  	[timem:s7], [sflag:s22] =	dma.local [hbm:s5], s20  }
0x9e: {  	_ =	swait.ge [sflag:s22], s20  }
0x9f: {  	s4 =	ssub.s32 $0x0, s20;
	[sflag:s22] =	ssyncset.done $0x0  }
0xa0: {  	[sflag:s22] =	ssyncadd.s32 s4;
	_ =	sdelay $0x1  }
0xa1: {  	s23 =	simm.s32 $0x1B8B  }
0xa2: {  	_ =	swait.ge [sflag:s23], $0x1  }
0xa3: {  	[sflag:s23] =	ssyncset.done $0x0  }
0xa4: {  	s25 =	simm.s32 $0x1B8E;
	s24 =	sld [smem:$0x3FFE];
	[sflag:s23] =	ssyncadd.s32 $0xFFFFFFFF  }
0xa5: {  	s26 =	simm.s32 $execute0_lowered;
	[smem:$0x3FD2] =	sst s25  }
0xa6: {  	s5 =	sshll.u32 s26, $0x1;
	_ =	strace $0x80000046;
	[dreg:$0x1] =	wrdreg $0xFFFFFFFF  }
0xa7: {  	s28 =	simm.s32 $_size_execute0_lowered;
	s3 =	sadd.s32 s3, s5;
	[dreg:$0x0] =	wrdreg $0x0  }
0xa8: {  	s5 =	sshll.u32 s28, $0x1;
	[dreg:$0x2] =	wrdreg s3  }
0xa9: {  	[dreg:$0x3] =	wrdreg s5  }
0xaa: {  	[dreg:$0x4] =	wrdreg $0xC0  }
0xab: {  	_ =	task [dreg:s7], $0x5FFFF  }
0xac: {  	[dreg:$0x1] =	wrdreg $0xFFFFFFFF  }
0xad: {  	[dreg:$0x0] =	wrdreg $0x60  }
0xae: {  	[dreg:$0x2] =	wrdreg s24  }
0xaf: {  	[dreg:$0x3] =	wrdreg s2  }
0xb0: {  	[dreg:$0x4] =	wrdreg $0x0  }
0xb1: {  	[dreg:$0x5] =	wrdreg $0x9  }
0xb2: {  	_ =	task.clear_ibuf [dreg:s7], $0x6FFFF;
	_ =	strace $0x90000046  }
0xb3: {  	s29 =	simm.s32 $0x9;
	_ =	strace $0x80000048  }
0xb4: {  	_ =	swait.ge [sflag:s29], $0x1  }
0xb5: {  	[sflag:s29] =	ssyncadd.s32 $0xFFFFFFFF  }
0xb6: {  	_ =	strace $0x90000048  }
0xb7: {  	_ =	sfence  }
0xb8: {  	s30 =	sld [smem:$0x0];
	_ =	sdelay $0x2  }
0xb9: {  	s31 =	sshll.u32 s1, $0xD;
	s1 =	sshrl.u32 s1, $0x2  }
0xba: {  	s3 =	sand.u32 $0x4000, s31;
	s1 =	sadd.s32 s1, s30  }
0xbb: {  	s0 =	sor.u32 s3, s0;
	s1 =	sshll.u32 s1, $0x11  }
0xbc: {  	s0 =	sor.u32 s1, s0  }
0xbd: {  	s0 =	sadd.s32 $0x8F2B, s0  }
0xbe: {  	[sflag:s0] =	ssyncadd.remote.s32 $0x1  }
0xbf: {  	_ =	sfence.sel $0xFFFF  }
0xc0: {  	[dreg:$0x0] =	wrdreg $0xFFFFFFFF;
	(pc) =	sbr.abs _section_cstart, $3  }
0xc1: {  	[dreg:$0x1] =	wrdreg $0xFFFFFFFF  }
0xc2: {  	_ =	task.clear_ibuf [dreg:s7], $0x2FFFF;
	_ =	strace $0x9FFFFFFF  }
0xc3: {  	(tm) =	ssettm $0x7FFFFFFF  }
tec
execute0_lowered:
.L_overlay_start_1:
0x0: {  	(tag) =	ssettag $0x1  }
0x1: {  	s3 =	rddreg [dreg:$0x0]  }
0x2: {  	s4 =	rddreg [dreg:$0x1]  }
0x3: {  	s1 =	rddreg [dreg:$0x2]  }
0x4: {  	s0 =	rddreg [dreg:$0x3];
	s11 =	stileid.u32  }
0x5: {  	s5 =	srdreg.scid;
	s2 =	simm.s32 $0x0;
	s10 =	simm.s32 $0x80  }
0x6: {  	s13 =	simm.s32 $0x0;
	s6 =	smul.u32 $0x500, s11;
	s5 =	sand.u32 $0x1, s5  }
0x7: {  	[smem:$0x7FF] =	sst s2;
	s8 =	smul.u32 $0xA00, s11;
	p0 =	sne.s32 s11, $0x0  }
0x8: {  	s11 =	simm.s32 $0x1680;
	s7 =	ssub.s32 $0x2, s5;
	_ =	strace $0x80000047  }
0x9: {  	s30 =	smul.u32 $0x280, s5;
	s5 =	sshll.u32 s5, $0x4;
	s12 =	sshrl.u32 @!p0 s1, $0x3  }
0xa: {  	s9 =	sshrl.u32 s7, $0x1;
	s6 =	sadd.s32 s6, s3;
	s29 =	sshrl.u32 s8, $0x2  }
0xb: {  	s4 =	sadd.s32 s4, s5;
	s7 =	ssub.s32 s7, s9;
	s3 =	sadd.s32 s29, s1  }
0xc: {  	s31 =	sadd.s32 $0x1400, s6;
	s6 =	simm.s32 $0x1700;
	s9 =	simm.s32 $0x280  }
0xd: {  	v0 =	vimm.f32 $0.0e+00;
	v1 =	vimm.f32 $1.000000000e+00;
	s5 =	smax.u32 s7, $0x1;
	s7 =	simm.s32 $0x1;
	s8 =	sadd.s32 s30, s31  }
.LBB2_1:
0xe: {  	[tilespmem:$0x1700] =	vst v0  }
0xf: {  	[tilespmem:$0x1710] =	vst v0  }
0x10: {  	[tilespmem:$0x1720] =	vst v0  }
0x11: {  	[tilespmem:$0x1730] =	vst v0  }
0x12: {  	[tilespmem:$0x1740] =	vst v0  }
0x13: {  	[tilespmem:$0x1750] =	vst v0  }
0x14: {  	[tilespmem:$0x1760] =	vst v0  }
0x15: {  	[tilespmem:$0x1770] =	vst v0  }
0x16: {  	[tilespmem:$0x1780] =	vst v0  }
0x17: {  	[tilespmem:$0x1790] =	vst v0  }
0x18: {  	[tilespmem:$0x17A0] =	vst v0  }
0x19: {  	[tilespmem:$0x17B0] =	vst v0  }
0x1a: {  	[tilespmem:$0x17C0] =	vst v0  }
0x1b: {  	[tilespmem:$0x17D0] =	vst v0  }
0x1c: {  	[tilespmem:$0x17E0] =	vst v0  }
0x1d: {  	[tilespmem:$0x17F0] =	vst v0  }
0x1e: {  	[tilespmem:$0x1800] =	vst v0  }
0x1f: {  	[tilespmem:$0x1810] =	vst v0  }
0x20: {  	[tilespmem:$0x1820] =	vst v0  }
0x21: {  	[tilespmem:$0x1830] =	vst v0  }
0x22: {  	[tilespmem:$0x1840] =	vst v0  }
0x23: {  	[tilespmem:$0x1850] =	vst v0  }
0x24: {  	[tilespmem:$0x1860] =	vst v0  }
0x25: {  	[tilespmem:$0x1870] =	vst v0  }
0x26: {  	[tilespmem:$0x1880] =	vst v0  }
0x27: {  	[tilespmem:$0x1890] =	vst v0  }
0x28: {  	[tilespmem:$0x18A0] =	vst v0  }
0x29: {  	[tilespmem:$0x18B0] =	vst v0  }
0x2a: {  	[tilespmem:$0x18C0] =	vst v0  }
0x2b: {  	[tilespmem:$0x18D0] =	vst v0  }
0x2c: {  	[tilespmem:$0x18E0] =	vst v0  }
0x2d: {  	[tilespmem:$0x18F0] =	vst v0  }
0x2e: {  	[tilespmem:$0x1900] =	vst v0  }
0x2f: {  	[tilespmem:$0x1910] =	vst v0  }
0x30: {  	[tilespmem:$0x1920] =	vst v0  }
0x31: {  	[tilespmem:$0x1930] =	vst v0  }
0x32: {  	[tilespmem:$0x1940] =	vst v0  }
0x33: {  	[tilespmem:$0x1950] =	vst v0  }
0x34: {  	[tilespmem:$0x1960] =	vst v0  }
0x35: {  	[tilespmem:$0x1970] =	vst v0  }
0x36: {  	[spmem:s3] =	stream.linear.scatter [tilespmem:s6], [sflag:$0x1], $0x280, $0x38;
	[tilespmem:$0x1980] =	vst v63  }
0x37: {  	_ =	swait.ge [sflag:s7], $0x280  }
0x38: {  	[sflag:s7] =	ssyncset.done $0x0  }
0x39: {  	[sflag:s7] =	ssyncadd.s32 $0xFFFFFD80  }
0x3a: {  	[tilespmem:$0x1680] =	vst v1  }
0x3b: {  	[tilespmem:$0x1690] =	vst v1  }
0x3c: {  	[tilespmem:$0x16A0] =	vst v1  }
0x3d: {  	[tilespmem:$0x16B0] =	vst v1  }
0x3e: {  	[tilespmem:$0x16C0] =	vst v1  }
0x3f: {  	[tilespmem:$0x16D0] =	vst v1  }
0x40: {  	[tilespmem:$0x16E0] =	vst v1  }
0x41: {  	[tilespmem:$0x16F0] =	vst v1  }
0x42: {  	[tilespmem:s9], [sflag:$0x1] =	stream.linear.gather [hbm4b:s8+s2], $0x1400, $0x38;
	[tilespmem:$0x1980] =	vst v63  }
0x43: {  	_ =	swait.ge [sflag:s7], $0x1400  }
0x44: {  	[sflag:s7] =	ssyncset.done $0x0  }
0x45: {  	[sflag:s7] =	ssyncadd.s32 $0xFFFFEC00  }
0x46: {  	s14 =	simm.s32 $0x280;
	[bflag:$0x0] =	sbarrier.arrive $0xFFFF  }
0x47: {  	[spmem:s1] =	stream.indirect.scatter.add.f32 [tilespmem:s11], [sflag:$0x1], $0x1, s14, s10, $0xb8;
	[tilespmem:$0x1980] =	vst v63  }
0x48: {  	s14 =	simm.s32 $0x200;
	_ =	swait.ge [sflag:s7], $0x80  }
.LBB2_2:
0x49: {  	s15 =	sshra.s32 s14, $0x2;
	[sflag:s7] =	ssyncset.done $0x0;
	p1 =	sne.s32 s14, $0x4E00  }
.Ltmp0:
0x4a: {  	s15 =	sadd.s32 $0x280, s15;
	[sflag:s7] =	ssyncadd.s32 $0xFFFFFF80;
	(pc) =	sbr.rel @p1 .LBB2_2-.Ltmp0, $3  }
0x4b: {  	[spmem:s1] =	stream.indirect.scatter.add.f32 [tilespmem:s11], [sflag:$0x1], $0x1, s15, s10, $0xb8;
	[tilespmem:$0x1980] =	vst v63  }
0x4c: {  	s14 =	sadd.s32 $0x200, s14;
	_ =	sdelay $0x1  }
0x4d: {  	_ =	swait.ge [sflag:s7], $0x80  }
0x4e: {  	[sflag:s7] =	ssyncset.done $0x0  }
0x4f: {  	s14 =	simm.s32 @!p0 $0x1;
	s15 =	simm.s32 @!p0 $0x20;
	s13 =	sadd.s32 $0x1, s13  }
0x50: {  	s16 =	simm.s32 @!p0 $0x10;
	[sflag:s7] =	ssyncadd.s32 $0xFFFFFF80;
	p1 =	sne.s32 s13, s5  }
.Ltmp1:
0x51: {  	s17 =	simm.s32 @!p0 $0x1C01;
	[bflag:$0x0] =	sbarrier.arrive $0xFFFF;
	(pc) =	sbr.rel @p1 .LBB2_1-.Ltmp1, $4  }
0x52: {  	[hbm:s4@s15], [sflag:s17] =	dma.strided @!p0 [spmem:s12@s16], $0x500, s14, $0x10   }
0x53: {  	_ =	swait.ge @!p0 [sflag:s14], $0x500  }
0x54: {  	[sflag:s14] =	ssyncset.done @!p0 $0x0  }
0x55: {  	[sflag:s14] =	ssyncadd.s32 @!p0 $0xFFFFFB00  }
0x56: {  	_ =	sfence.sel $0x180000  }
0x57: {  	[bflag:$0x0] =	sbarrier.arrive $0xFFFF  }
0x58: {  	_ =	strace $0x90000047  }
0x59: {  	s0 =	sadd.s32 @!p0 $0x100000, s0;
	[bflag:$0x2] =	sbarrier.arrive $0xFFFF  }
0x5a: {  	[sflag:s0] =	ssyncadd.tile.s32 @!p0 $0x1;
	_ =	shalt  }
.Lfunc_end2:
_tile_overlayer_lowered:
.L_overlay_start_2:
0x5b: {  	(tag) =	ssettag $0x2  }
0x5c: {  	s0 =	rddreg [dreg:$0x0];
	s2 =	stileid.u32  }
0x5d: {  	s1 =	rddreg [dreg:$0x1];
	p0 =	sne.s32 s2, $0x0  }
0x5e: {  	s3 =	rddreg [dreg:$0x2];
	[bflag:$0x3] =	sbarrier.arrive $0xFFFF;
	s2 =	simm.s32 @!p0 $0x1C01  }
0x5f: {  	[timem:s3], [sflag:s2] =	dma.local @!p0 [hbm:s0], s1  }
0x60: {  	s0 =	simm.s32 @!p0 $0x1  }
0x61: {  	_ =	swait.ge @!p0 [sflag:s0], s1  }
0x62: {  	s1 =	ssub.s32 @!p0 $0x0, s1;
	[sflag:s0] =	ssyncset.done @!p0 $0x0  }
0x63: {  	[sflag:s0] =	ssyncadd.s32 @!p0 s1  }
0x64: {  	[bflag:$0x3] =	sbarrier.arrive $0xFFFF  }
0x65: {  	_ =	shalt  }

</sc_bundles>
